<compile_context>
chip_gen: v7x
topology: tpu7x:2x2x1
jax: 0.10.2.dev20260603
libtpu: 0.0.44.dev20260713+nightly
codegen_flags: <defaults>
</compile_context>

<pallas_src>
import functools

import jax
import jax.numpy as jnp
from jax import lax
from jax.experimental import pallas as pl
from jax.experimental.pallas import tpu as pltpu
from jax.experimental.pallas import tpu_sc as plsc

NUM_RT = 20
INPUT_DIM = NUM_RT * NUM_RT
B_STATIC = 4096
HIST_SIZE = B_STATIC * INPUT_DIM

NC = 2
NS = 16
NW = NC * NS
LANES = 16

K = 4096
KBUF = K + 8
ROWS = K // 128


def _make_sc_kernel(N):
    P = N - 1
    total_blocks = P // K + (1 if P % K else 0)
    win_max = N - KBUF
    slice_words = HIST_SIZE // NS

    mesh = plsc.VectorSubcoreMesh(core_axis_name="c", subcore_axis_name="s",
                                  num_cores=NC, num_subcores=NS)

    @functools.partial(
        pl.kernel,
        out_type=jax.ShapeDtypeStruct((NC * HIST_SIZE,), jnp.float32),
        mesh=mesh,
        scratch_types=(
            pltpu.VMEM((KBUF,), jnp.int32),
            pltpu.VMEM((KBUF,), jnp.int32),
            pltpu.VMEM((ROWS + 1, 128), jnp.int32),
            pltpu.VMEM((ROWS + 1, 128), jnp.float32),
            pltpu.VMEM((6400,), jnp.float32),
            pltpu.VMEM_SHARED((HIST_SIZE,), jnp.float32),
            pltpu.SemaphoreType.DMA,
            pltpu.SemaphoreType.DMA,
        ),
    )
    def sc_kernel(rt_hbm, g_hbm, hist_out,
                  rtbuf, gbuf, idxbuf, valbuf,
                  zbuf, hist_sh, sem_sc, sem_in):
        cid = lax.axis_index("c")
        sid = lax.axis_index("s")
        wid = sid * NC + cid

        zeros_f = jnp.zeros((LANES,), jnp.float32)
        zeros_i = jnp.zeros((LANES,), jnp.int32)
        one = jnp.int32(1)
        zero = jnp.int32(0)

        ZB = 6400

        def zero_vb(i, c):
            zbuf[pl.ds(i * LANES, LANES)] = zeros_f
            return c

        lax.fori_loop(0, ZB // LANES, zero_vb, 0, unroll=8)

        NZ = slice_words // ZB

        for j in range(128 // LANES):
            idxbuf[ROWS, pl.ds(j * LANES, LANES)] = zeros_i
            valbuf[ROWS, pl.ds(j * LANES, LANES)] = zeros_f

        def window_of(b):
            return jnp.minimum(b * K, win_max)

        def zero_fire(i, c):
            pltpu.async_copy(zbuf, hist_sh.at[pl.ds(sid * slice_words + i * ZB, ZB)],
                             sem_in)
            return c

        def zero_drain(i, c):
            pltpu.make_async_copy(zbuf,
                                  hist_sh.at[pl.ds(sid * slice_words + i * ZB, ZB)],
                                  sem_in).wait()
            return c

        lax.fori_loop(0, NZ, zero_fire, 0)
        lax.fori_loop(0, NZ, zero_drain, 0)

        plsc.subcore_barrier()

        iota = lax.iota(jnp.int32, LANES)

        def compute_block(b):
            resp = b * K
            window = window_of(b)
            thresh = resp - window

            def row_body(r, c2):
                base = r * 128
                for j in range(128 // LANES):
                    t0 = base + j * LANES
                    rt0 = rtbuf[pl.ds(t0, LANES)]
                    rt1 = rtbuf[pl.ds(t0 + 1, LANES)]
                    g0 = gbuf[pl.ds(t0, LANES)]
                    g1 = gbuf[pl.ds(t0 + 1, LANES)]
                    valid = jnp.clip((t0 - thresh + 1) + iota, zero, one)
                    same = one - jnp.clip(g1 - g0, zero, one)
                    val = (valid * same).astype(jnp.float32)
                    hidx = (g0 * INPUT_DIM + (rt0 * NUM_RT + rt1)) * valid
                    idxbuf[r, pl.ds(j * LANES, LANES)] = hidx
                    valbuf[r, pl.ds(j * LANES, LANES)] = val
                pltpu.async_copy(valbuf.at[r], hist_sh.at[idxbuf.at[r]],
                                 sem_sc, add=True)
                return c2

            lax.fori_loop(0, ROWS, row_body, 0)

            t0e = K - 9
            rt0 = rtbuf[pl.ds(t0e, LANES)]
            rt1 = rtbuf[pl.ds(t0e + 1, LANES)]
            g0 = gbuf[pl.ds(t0e, LANES)]
            g1 = gbuf[pl.ds(t0e + 1, LANES)]
            pv = (window + t0e) + iota
            is_tail = jnp.clip(resp - window, zero, one)
            valid = (jnp.clip(pv - (window + K - 1), zero, one) *
                     jnp.clip(pv - (resp - 1), zero, one) *
                     jnp.clip(P - pv, zero, one) * is_tail)
            same = one - jnp.clip(g1 - g0, zero, one)
            val = (valid * same).astype(jnp.float32)
            hidx = (g0 * INPUT_DIM + (rt0 * NUM_RT + rt1)) * valid
            idxbuf[ROWS, pl.ds(0, LANES)] = hidx
            valbuf[ROWS, pl.ds(0, LANES)] = val
            pltpu.async_copy(valbuf.at[ROWS], hist_sh.at[idxbuf.at[ROWS]],
                             sem_sc, add=True)

        nblk = (total_blocks - 1 - wid) // NW + 1

        def fire_input(b):
            w = window_of(b)
            pltpu.async_copy(rt_hbm.at[pl.ds(w, KBUF)], rtbuf, sem_in)
            pltpu.async_copy(g_hbm.at[pl.ds(w, KBUF)], gbuf, sem_in)

        def wait_input():
            pltpu.make_async_copy(rt_hbm.at[pl.ds(0, KBUF)], rtbuf,
                                  sem_in).wait()
            pltpu.make_async_copy(g_hbm.at[pl.ds(0, KBUF)], gbuf,
                                  sem_in).wait()

        fire_input(wid)

        def iter_body(i, carry):
            b = wid + NW * i
            wait_input()
            compute_block(b)
            fire_input(b + NW)
            for r in range(ROWS + 1):
                pltpu.make_async_copy(valbuf.at[r], hist_sh.at[idxbuf.at[r]],
                                      sem_sc).wait()
            return carry

        lax.fori_loop(0, nblk, iter_body, 0)
        wait_input()

        plsc.subcore_barrier()

        def out_fire(i, c):
            off = sid * slice_words + i * K
            pltpu.async_copy(hist_sh.at[pl.ds(off, K)],
                             hist_out.at[pl.ds(cid * HIST_SIZE + off, K)],
                             sem_sc)
            return c

        def out_drain(i, c):
            off = sid * slice_words + i * K
            pltpu.make_async_copy(hist_sh.at[pl.ds(off, K)],
                                  hist_out.at[pl.ds(cid * HIST_SIZE + off, K)],
                                  sem_sc).wait()
            return c

        lax.fori_loop(0, slice_words // K, out_fire, 0)
        lax.fori_loop(0, slice_words // K, out_drain, 0)

    return sc_kernel


def _tc_post_body(hist_ref, cod_ref, w_ref, b_ref, out_ref, *, rows):
    hist = hist_ref[0] + hist_ref[1]
    rowsum = jnp.sum(hist, axis=1, keepdims=True)
    feature = hist / (rowsum + 1e-10)
    n = rowsum + 1.0

    c = lax.broadcasted_iota(jnp.int32, (1, INPUT_DIM), 1)
    a = c // NUM_RT
    bb = c - a * NUM_RT
    codA = jnp.zeros((1, INPUT_DIM), jnp.float32)
    codB = jnp.zeros((1, INPUT_DIM), jnp.float32)
    for k in range(NUM_RT):
        ck = cod_ref[0, k]
        codA = jnp.where(a == k, ck, codA)
        codB = jnp.where(bb == k, ck, codB)
    TM = codA * codB * jnp.float32(1.0 / (61.0 * 61.0))
    TV = (TM * (1.0 - TM)) / (n - 1.0 + 1e-10)
    feat = (feature - TM) / (jnp.sqrt(TV) + 1e-10)

    acc = jnp.dot(feat, w_ref[...], preferred_element_type=jnp.float32)
    out_ref[...] = jnp.maximum(acc + b_ref[...], 0.0)


def _tc_post(hist2, codons2, W, b2, interpret=False):
    rows = 2048
    grid = (B_STATIC // rows,)
    hidden = W.shape[1]
    body = functools.partial(_tc_post_body, rows=rows)
    return pl.pallas_call(
        body,
        interpret=interpret,
        grid=grid,
        in_specs=[
            pl.BlockSpec((NC, rows, INPUT_DIM), lambda i: (0, i, 0)),
            pl.BlockSpec((1, NUM_RT), lambda i: (0, 0)),
            pl.BlockSpec((INPUT_DIM, hidden), lambda i: (0, 0)),
            pl.BlockSpec((1, hidden), lambda i: (0, 0)),
        ],
        out_specs=pl.BlockSpec((rows, hidden), lambda i: (i, 0)),
        out_shape=jax.ShapeDtypeStruct((B_STATIC, hidden), jnp.float32),
    )(hist2, codons2, W, b2)


def kernel(residue_type, residue2graph, codons, W, b, batch_size):
    N = residue_type.shape[0]
    rt = residue_type.astype(jnp.int32)
    g = residue2graph.astype(jnp.int32)

    sc = _make_sc_kernel(N)
    hist_flat = sc(rt, g)
    hist2 = hist_flat.reshape(NC, B_STATIC, INPUT_DIM)

    codons2 = codons.astype(jnp.float32).reshape(1, NUM_RT)
    b2 = (b + (jnp.asarray(batch_size) - B_STATIC).astype(jnp.float32))
    b2 = b2.reshape(1, -1)

    return _tc_post(hist2, codons2, W, b2)

# --- scband reference (transcript-rebuilt; emitter-appended) ---
"""Pipeline reference for scband-statistic-50414326120748 (READ-ONLY COPY).

The authoritative reference and input builder live on the scoring server;
editing this copy changes nothing except your own understanding.
"""

import jax, jax.numpy as jnp
import numpy as np

NUM_RT = 20
INPUT_DIM = NUM_RT * NUM_RT  # 400
HIDDEN = 512
# codon counts in the order of data.Protein.id2residue_symbol (alphabetical one-letter codes)
CODONS = [4, 2, 2, 2, 2, 4, 2, 3, 2, 6, 1, 2, 4, 2, 6, 6, 4, 4, 1, 2]


def setup_inputs(seed: int = 0) -> dict:
    key = jax.random.key(seed)
    k1, k2, k3 = jax.random.split(key, 3)
    N = 2000000
    B = 4096
    residue_type = jax.random.randint(k1, (N,), 0, NUM_RT, dtype=jnp.int32)
    residue2graph = jnp.sort(jax.random.randint(k2, (N,), 0, B, dtype=jnp.int32))
    W = jax.random.normal(k3, (INPUT_DIM, HIDDEN), dtype=jnp.float32) * 0.05
    b = jnp.zeros((HIDDEN,), dtype=jnp.float32)
    codons = jnp.array(CODONS, dtype=jnp.float32)
    return {"residue_type": residue_type, "residue2graph": residue2graph,
            "codons": codons, "W": W, "b": b, "batch_size": B}


def reference(residue_type, residue2graph, codons, W, b, batch_size):
    B_STATIC = 4096
    b = b + (jnp.asarray(batch_size) - B_STATIC).astype(jnp.float32)
    N = residue_type.shape[0]
    # dipeptide bin index per adjacent residue pair
    index = residue_type[:-1] * NUM_RT + residue_type[1:]
    index = residue2graph[:-1] * INPUT_DIM + index
    value = jnp.ones((N - 1,), dtype=jnp.float32)
    mask = (residue2graph[:-1] == residue2graph[1:]).astype(jnp.float32)
    feature = jnp.zeros((B_STATIC * INPUT_DIM,), dtype=jnp.float32).at[index].add(value * mask)
    feature = feature.reshape(B_STATIC, INPUT_DIM)
    feature = feature / (feature.sum(axis=-1, keepdims=True) + 1e-10)
    # per-graph residue counts
    num_residues = jnp.bincount(residue2graph, length=B_STATIC).astype(jnp.float32)
    # DDE normalization
    TM = (codons[None, :] * codons[:, None]) / (61.0 ** 2)
    TM = TM.reshape(-1)
    TV = (TM * (1.0 - TM))[None, :] / (num_residues - 1.0 + 1e-10)[:, None]
    feature = (feature - TM[None, :]) / (jnp.sqrt(TV) + 1e-10)
    # MLP (single linear 400->512) followed by ReLU
    graph_feature = jax.nn.relu(feature @ W + b)
    return graph_feature

if __name__ == "__main__":
    import jax
    _d = setup_inputs()
    print(jax.jit(kernel)(*tuple(_d.values())))

</pallas_src>

<mosaic_0001>
#map = affine_map<(d0, d1) -> (0)>
module attributes {stable_mosaic.version = 14 : i64} {
  func.func @sc_kernel(%arg0: i32, %arg1: i32, %arg2: memref<2000000xi32, #tpu.memory_space<hbm>>, %arg3: memref<2000000xi32, #tpu.memory_space<hbm>>, %arg4: memref<3276800xf32, #tpu.memory_space<hbm>>, %arg5: memref<4104xi32, #tpu.memory_space<vmem>>, %arg6: memref<4104xi32, #tpu.memory_space<vmem>>, %arg7: memref<33x128xi32, #tpu.memory_space<vmem>>, %arg8: memref<33x128xf32, #tpu.memory_space<vmem>>, %arg9: memref<6400xf32, #tpu.memory_space<vmem>>, %arg10: memref<1638400xf32, #tpu.memory_space<vmem_shared>>, %arg11: memref<!tpu.dma_semaphore, #tpu.memory_space<semaphore_mem>>, %arg12: memref<!tpu.dma_semaphore, #tpu.memory_space<semaphore_mem>>) attributes {dimension_semantics = [#tpu.dimension_semantics<core_parallel>, #tpu.dimension_semantics<subcore_parallel>], iteration_bounds = array<i64: 2, 16>, scalar_prefetch = 0 : i64, scratch_operands = 8 : i64, tpu.core_type = #tpu.core_type<sc_vector_subcore>, window_params = [{transform_indices = #map}, {transform_indices = #map}, {transform_indices = #map}]} {
    %mul3A = arith.constant 2 : i32
    %mul3A_0 = arith.muli %arg1, %mul3A : i32
    %add3A = arith.addi %mul3A_0, %arg0 : i32
    %broadcast_in_dim3A = arith.constant 0.000000e+00 : f32
    %broadcast_in_dim3A_1 = vector.broadcast %broadcast_in_dim3A : f32 to vector<16xf32>
    %broadcast_in_dim3A_2 = arith.constant 0 : i32
    %broadcast_in_dim3A_3 = vector.broadcast %broadcast_in_dim3A_2 : i32 to vector<16xi32>
    %scan3A = arith.constant 0 : i32
    %scan3A_4 = arith.constant 0 : i32
    %scan3A_5 = arith.constant 400 : i32
    %scan3A_6 = arith.addi %scan3A_4, %scan3A_5 : i32
    %scan3A_7 = arith.constant 8 : i32
    scf.for %scan3A_173 = %scan3A_4 to %scan3A_6 step %scan3A_7  : i32 {
      %mul3A_174 = arith.constant 16 : i32
      %mul3A_175 = arith.muli %scan3A_173, %mul3A_174 : i32
      %swap3A_176 = arith.index_cast %mul3A_175 : i32 to index
      %swap3A_177 = tpu.vector_load %arg9[%swap3A_176] {strides = array<i32>} : memref<6400xf32, #tpu.memory_space<vmem>>, vector<16xf32>,
      %swap3A_178 = vector.shape_cast %swap3A_177 : vector<16xf32> to vector<16xf32>
      %swap3A_179 = vector.shape_cast %broadcast_in_dim3A_1 : vector<16xf32> to vector<16xf32>
      tpu.vector_store %arg9[%swap3A_176], %swap3A_179 {strides = array<i32>} : memref<6400xf32, #tpu.memory_space<vmem>>, vector<16xf32>,
      %scan3A_180 = arith.constant 1 : i32
      %scan3A_181 = arith.addi %scan3A_173, %scan3A_180 : i32
      %mul3A_182 = arith.constant 16 : i32
      %mul3A_183 = arith.muli %scan3A_181, %mul3A_182 : i32
      %swap3A_184 = arith.index_cast %mul3A_183 : i32 to index
      %swap3A_185 = tpu.vector_load %arg9[%swap3A_184] {strides = array<i32>} : memref<6400xf32, #tpu.memory_space<vmem>>, vector<16xf32>,
      %swap3A_186 = vector.shape_cast %swap3A_185 : vector<16xf32> to vector<16xf32>
      %swap3A_187 = vector.shape_cast %broadcast_in_dim3A_1 : vector<16xf32> to vector<16xf32>
      tpu.vector_store %arg9[%swap3A_184], %swap3A_187 {strides = array<i32>} : memref<6400xf32, #tpu.memory_space<vmem>>, vector<16xf32>,
      %scan3A_188 = arith.constant 2 : i32
      %scan3A_189 = arith.addi %scan3A_173, %scan3A_188 : i32
      %mul3A_190 = arith.constant 16 : i32
      %mul3A_191 = arith.muli %scan3A_189, %mul3A_190 : i32
      %swap3A_192 = arith.index_cast %mul3A_191 : i32 to index
      %swap3A_193 = tpu.vector_load %arg9[%swap3A_192] {strides = array<i32>} : memref<6400xf32, #tpu.memory_space<vmem>>, vector<16xf32>,
      %swap3A_194 = vector.shape_cast %swap3A_193 : vector<16xf32> to vector<16xf32>
      %swap3A_195 = vector.shape_cast %broadcast_in_dim3A_1 : vector<16xf32> to vector<16xf32>
      tpu.vector_store %arg9[%swap3A_192], %swap3A_195 {strides = array<i32>} : memref<6400xf32, #tpu.memory_space<vmem>>, vector<16xf32>,
      %scan3A_196 = arith.constant 3 : i32
      %scan3A_197 = arith.addi %scan3A_173, %scan3A_196 : i32
      %mul3A_198 = arith.constant 16 : i32
      %mul3A_199 = arith.muli %scan3A_197, %mul3A_198 : i32
      %swap3A_200 = arith.index_cast %mul3A_199 : i32 to index
      %swap3A_201 = tpu.vector_load %arg9[%swap3A_200] {strides = array<i32>} : memref<6400xf32, #tpu.memory_space<vmem>>, vector<16xf32>,
      %swap3A_202 = vector.shape_cast %swap3A_201 : vector<16xf32> to vector<16xf32>
      %swap3A_203 = vector.shape_cast %broadcast_in_dim3A_1 : vector<16xf32> to vector<16xf32>
      tpu.vector_store %arg9[%swap3A_200], %swap3A_203 {strides = array<i32>} : memref<6400xf32, #tpu.memory_space<vmem>>, vector<16xf32>,
      %scan3A_204 = arith.constant 4 : i32
      %scan3A_205 = arith.addi %scan3A_173, %scan3A_204 : i32
      %mul3A_206 = arith.constant 16 : i32
      %mul3A_207 = arith.muli %scan3A_205, %mul3A_206 : i32
      %swap3A_208 = arith.index_cast %mul3A_207 : i32 to index
      %swap3A_209 = tpu.vector_load %arg9[%swap3A_208] {strides = array<i32>} : memref<6400xf32, #tpu.memory_space<vmem>>, vector<16xf32>,
      %swap3A_210 = vector.shape_cast %swap3A_209 : vector<16xf32> to vector<16xf32>
      %swap3A_211 = vector.shape_cast %broadcast_in_dim3A_1 : vector<16xf32> to vector<16xf32>
      tpu.vector_store %arg9[%swap3A_208], %swap3A_211 {strides = array<i32>} : memref<6400xf32, #tpu.memory_space<vmem>>, vector<16xf32>,
      %scan3A_212 = arith.constant 5 : i32
      %scan3A_213 = arith.addi %scan3A_173, %scan3A_212 : i32
      %mul3A_214 = arith.constant 16 : i32
      %mul3A_215 = arith.muli %scan3A_213, %mul3A_214 : i32
      %swap3A_216 = arith.index_cast %mul3A_215 : i32 to index
      %swap3A_217 = tpu.vector_load %arg9[%swap3A_216] {strides = array<i32>} : memref<6400xf32, #tpu.memory_space<vmem>>, vector<16xf32>,
      %swap3A_218 = vector.shape_cast %swap3A_217 : vector<16xf32> to vector<16xf32>
      %swap3A_219 = vector.shape_cast %broadcast_in_dim3A_1 : vector<16xf32> to vector<16xf32>
      tpu.vector_store %arg9[%swap3A_216], %swap3A_219 {strides = array<i32>} : memref<6400xf32, #tpu.memory_space<vmem>>, vector<16xf32>,
      %scan3A_220 = arith.constant 6 : i32
      %scan3A_221 = arith.addi %scan3A_173, %scan3A_220 : i32
      %mul3A_222 = arith.constant 16 : i32
      %mul3A_223 = arith.muli %scan3A_221, %mul3A_222 : i32
      %swap3A_224 = arith.index_cast %mul3A_223 : i32 to index
      %swap3A_225 = tpu.vector_load %arg9[%swap3A_224] {strides = array<i32>} : memref<6400xf32, #tpu.memory_space<vmem>>, vector<16xf32>,
      %swap3A_226 = vector.shape_cast %swap3A_225 : vector<16xf32> to vector<16xf32>
      %swap3A_227 = vector.shape_cast %broadcast_in_dim3A_1 : vector<16xf32> to vector<16xf32>
      tpu.vector_store %arg9[%swap3A_224], %swap3A_227 {strides = array<i32>} : memref<6400xf32, #tpu.memory_space<vmem>>, vector<16xf32>,
      %scan3A_228 = arith.constant 7 : i32
      %scan3A_229 = arith.addi %scan3A_173, %scan3A_228 : i32
      %mul3A_230 = arith.constant 16 : i32
      %mul3A_231 = arith.muli %scan3A_229, %mul3A_230 : i32
      %swap3A_232 = arith.index_cast %mul3A_231 : i32 to index
      %swap3A_233 = tpu.vector_load %arg9[%swap3A_232] {strides = array<i32>} : memref<6400xf32, #tpu.memory_space<vmem>>, vector<16xf32>,
      %swap3A_234 = vector.shape_cast %swap3A_233 : vector<16xf32> to vector<16xf32>
      %swap3A_235 = vector.shape_cast %broadcast_in_dim3A_1 : vector<16xf32> to vector<16xf32>
      tpu.vector_store %arg9[%swap3A_232], %swap3A_235 {strides = array<i32>} : memref<6400xf32, #tpu.memory_space<vmem>>, vector<16xf32>,
    }
    %scan3A_8 = arith.constant 400 : i32
    %swap3A = arith.constant 32 : i32
    %swap3A_9 = arith.index_cast %swap3A : i32 to index
    %swap3A_10 = arith.constant 0 : index
    %swap3A_11 = tpu.vector_load %arg7[%swap3A_9, %swap3A_10] {strides = array<i32>} : memref<33x128xi32, #tpu.memory_space<vmem>>, vector<1x16xi32>,
    %swap3A_12 = vector.shape_cast %swap3A_11 : vector<1x16xi32> to vector<16xi32>
    %swap3A_13 = vector.shape_cast %broadcast_in_dim3A_3 : vector<16xi32> to vector<1x16xi32>
    tpu.vector_store %arg7[%swap3A_9, %swap3A_10], %swap3A_13 {strides = array<i32>} : memref<33x128xi32, #tpu.memory_space<vmem>>, vector<1x16xi32>,
    %swap3A_14 = arith.constant 32 : i32
    %swap3A_15 = arith.index_cast %swap3A_14 : i32 to index
    %swap3A_16 = arith.constant 0 : index
    %swap3A_17 = tpu.vector_load %arg8[%swap3A_15, %swap3A_16] {strides = array<i32>} : memref<33x128xf32, #tpu.memory_space<vmem>>, vector<1x16xf32>,
    %swap3A_18 = vector.shape_cast %swap3A_17 : vector<1x16xf32> to vector<16xf32>
    %swap3A_19 = vector.shape_cast %broadcast_in_dim3A_1 : vector<16xf32> to vector<1x16xf32>
    tpu.vector_store %arg8[%swap3A_15, %swap3A_16], %swap3A_19 {strides = array<i32>} : memref<33x128xf32, #tpu.memory_space<vmem>>, vector<1x16xf32>,
    %swap3A_20 = arith.constant 32 : i32
    %swap3A_21 = arith.index_cast %swap3A_20 : i32 to index
    %swap3A_22 = arith.constant 16 : index
    %swap3A_23 = tpu.vector_load %arg7[%swap3A_21, %swap3A_22] {strides = array<i32>} : memref<33x128xi32, #tpu.memory_space<vmem>>, vector<1x16xi32>,
    %swap3A_24 = vector.shape_cast %swap3A_23 : vector<1x16xi32> to vector<16xi32>
    %swap3A_25 = vector.shape_cast %broadcast_in_dim3A_3 : vector<16xi32> to vector<1x16xi32>
    tpu.vector_store %arg7[%swap3A_21, %swap3A_22], %swap3A_25 {strides = array<i32>} : memref<33x128xi32, #tpu.memory_space<vmem>>, vector<1x16xi32>,
    %swap3A_26 = arith.constant 32 : i32
    %swap3A_27 = arith.index_cast %swap3A_26 : i32 to index
    %swap3A_28 = arith.constant 16 : index
    %swap3A_29 = tpu.vector_load %arg8[%swap3A_27, %swap3A_28] {strides = array<i32>} : memref<33x128xf32, #tpu.memory_space<vmem>>, vector<1x16xf32>,
    %swap3A_30 = vector.shape_cast %swap3A_29 : vector<1x16xf32> to vector<16xf32>
    %swap3A_31 = vector.shape_cast %broadcast_in_dim3A_1 : vector<16xf32> to vector<1x16xf32>
    tpu.vector_store %arg8[%swap3A_27, %swap3A_28], %swap3A_31 {strides = array<i32>} : memref<33x128xf32, #tpu.memory_space<vmem>>, vector<1x16xf32>,
    %swap3A_32 = arith.constant 32 : i32
    %swap3A_33 = arith.index_cast %swap3A_32 : i32 to index
    %swap3A_34 = arith.constant 32 : index
    %swap3A_35 = tpu.vector_load %arg7[%swap3A_33, %swap3A_34] {strides = array<i32>} : memref<33x128xi32, #tpu.memory_space<vmem>>, vector<1x16xi32>,
    %swap3A_36 = vector.shape_cast %swap3A_35 : vector<1x16xi32> to vector<16xi32>
    %swap3A_37 = vector.shape_cast %broadcast_in_dim3A_3 : vector<16xi32> to vector<1x16xi32>
    tpu.vector_store %arg7[%swap3A_33, %swap3A_34], %swap3A_37 {strides = array<i32>} : memref<33x128xi32, #tpu.memory_space<vmem>>, vector<1x16xi32>,
    %swap3A_38 = arith.constant 32 : i32
    %swap3A_39 = arith.index_cast %swap3A_38 : i32 to index
    %swap3A_40 = arith.constant 32 : index
    %swap3A_41 = tpu.vector_load %arg8[%swap3A_39, %swap3A_40] {strides = array<i32>} : memref<33x128xf32, #tpu.memory_space<vmem>>, vector<1x16xf32>,
    %swap3A_42 = vector.shape_cast %swap3A_41 : vector<1x16xf32> to vector<16xf32>
    %swap3A_43 = vector.shape_cast %broadcast_in_dim3A_1 : vector<16xf32> to vector<1x16xf32>
    tpu.vector_store %arg8[%swap3A_39, %swap3A_40], %swap3A_43 {strides = array<i32>} : memref<33x128xf32, #tpu.memory_space<vmem>>, vector<1x16xf32>,
    %swap3A_44 = arith.constant 32 : i32
    %swap3A_45 = arith.index_cast %swap3A_44 : i32 to index
    %swap3A_46 = arith.constant 48 : index
    %swap3A_47 = tpu.vector_load %arg7[%swap3A_45, %swap3A_46] {strides = array<i32>} : memref<33x128xi32, #tpu.memory_space<vmem>>, vector<1x16xi32>,
    %swap3A_48 = vector.shape_cast %swap3A_47 : vector<1x16xi32> to vector<16xi32>
    %swap3A_49 = vector.shape_cast %broadcast_in_dim3A_3 : vector<16xi32> to vector<1x16xi32>
    tpu.vector_store %arg7[%swap3A_45, %swap3A_46], %swap3A_49 {strides = array<i32>} : memref<33x128xi32, #tpu.memory_space<vmem>>, vector<1x16xi32>,
    %swap3A_50 = arith.constant 32 : i32
    %swap3A_51 = arith.index_cast %swap3A_50 : i32 to index
    %swap3A_52 = arith.constant 48 : index
    %swap3A_53 = tpu.vector_load %arg8[%swap3A_51, %swap3A_52] {strides = array<i32>} : memref<33x128xf32, #tpu.memory_space<vmem>>, vector<1x16xf32>,
    %swap3A_54 = vector.shape_cast %swap3A_53 : vector<1x16xf32> to vector<16xf32>
    %swap3A_55 = vector.shape_cast %broadcast_in_dim3A_1 : vector<16xf32> to vector<1x16xf32>
    tpu.vector_store %arg8[%swap3A_51, %swap3A_52], %swap3A_55 {strides = array<i32>} : memref<33x128xf32, #tpu.memory_space<vmem>>, vector<1x16xf32>,
    %swap3A_56 = arith.constant 32 : i32
    %swap3A_57 = arith.index_cast %swap3A_56 : i32 to index
    %swap3A_58 = arith.constant 64 : index
    %swap3A_59 = tpu.vector_load %arg7[%swap3A_57, %swap3A_58] {strides = array<i32>} : memref<33x128xi32, #tpu.memory_space<vmem>>, vector<1x16xi32>,
    %swap3A_60 = vector.shape_cast %swap3A_59 : vector<1x16xi32> to vector<16xi32>
    %swap3A_61 = vector.shape_cast %broadcast_in_dim3A_3 : vector<16xi32> to vector<1x16xi32>
    tpu.vector_store %arg7[%swap3A_57, %swap3A_58], %swap3A_61 {strides = array<i32>} : memref<33x128xi32, #tpu.memory_space<vmem>>, vector<1x16xi32>,
    %swap3A_62 = arith.constant 32 : i32
    %swap3A_63 = arith.index_cast %swap3A_62 : i32 to index
    %swap3A_64 = arith.constant 64 : index
    %swap3A_65 = tpu.vector_load %arg8[%swap3A_63, %swap3A_64] {strides = array<i32>} : memref<33x128xf32, #tpu.memory_space<vmem>>, vector<1x16xf32>,
    %swap3A_66 = vector.shape_cast %swap3A_65 : vector<1x16xf32> to vector<16xf32>
    %swap3A_67 = vector.shape_cast %broadcast_in_dim3A_1 : vector<16xf32> to vector<1x16xf32>
    tpu.vector_store %arg8[%swap3A_63, %swap3A_64], %swap3A_67 {strides = array<i32>} : memref<33x128xf32, #tpu.memory_space<vmem>>, vector<1x16xf32>,
    %swap3A_68 = arith.constant 32 : i32
    %swap3A_69 = arith.index_cast %swap3A_68 : i32 to index
    %swap3A_70 = arith.constant 80 : index
    %swap3A_71 = tpu.vector_load %arg7[%swap3A_69, %swap3A_70] {strides = array<i32>} : memref<33x128xi32, #tpu.memory_space<vmem>>, vector<1x16xi32>,
    %swap3A_72 = vector.shape_cast %swap3A_71 : vector<1x16xi32> to vector<16xi32>
    %swap3A_73 = vector.shape_cast %broadcast_in_dim3A_3 : vector<16xi32> to vector<1x16xi32>
    tpu.vector_store %arg7[%swap3A_69, %swap3A_70], %swap3A_73 {strides = array<i32>} : memref<33x128xi32, #tpu.memory_space<vmem>>, vector<1x16xi32>,
    %swap3A_74 = arith.constant 32 : i32
    %swap3A_75 = arith.index_cast %swap3A_74 : i32 to index
    %swap3A_76 = arith.constant 80 : index
    %swap3A_77 = tpu.vector_load %arg8[%swap3A_75, %swap3A_76] {strides = array<i32>} : memref<33x128xf32, #tpu.memory_space<vmem>>, vector<1x16xf32>,
    %swap3A_78 = vector.shape_cast %swap3A_77 : vector<1x16xf32> to vector<16xf32>
    %swap3A_79 = vector.shape_cast %broadcast_in_dim3A_1 : vector<16xf32> to vector<1x16xf32>
    tpu.vector_store %arg8[%swap3A_75, %swap3A_76], %swap3A_79 {strides = array<i32>} : memref<33x128xf32, #tpu.memory_space<vmem>>, vector<1x16xf32>,
    %swap3A_80 = arith.constant 32 : i32
    %swap3A_81 = arith.index_cast %swap3A_80 : i32 to index
    %swap3A_82 = arith.constant 96 : index
    %swap3A_83 = tpu.vector_load %arg7[%swap3A_81, %swap3A_82] {strides = array<i32>} : memref<33x128xi32, #tpu.memory_space<vmem>>, vector<1x16xi32>,
    %swap3A_84 = vector.shape_cast %swap3A_83 : vector<1x16xi32> to vector<16xi32>
    %swap3A_85 = vector.shape_cast %broadcast_in_dim3A_3 : vector<16xi32> to vector<1x16xi32>
    tpu.vector_store %arg7[%swap3A_81, %swap3A_82], %swap3A_85 {strides = array<i32>} : memref<33x128xi32, #tpu.memory_space<vmem>>, vector<1x16xi32>,
    %swap3A_86 = arith.constant 32 : i32
    %swap3A_87 = arith.index_cast %swap3A_86 : i32 to index
    %swap3A_88 = arith.constant 96 : index
    %swap3A_89 = tpu.vector_load %arg8[%swap3A_87, %swap3A_88] {strides = array<i32>} : memref<33x128xf32, #tpu.memory_space<vmem>>, vector<1x16xf32>,
    %swap3A_90 = vector.shape_cast %swap3A_89 : vector<1x16xf32> to vector<16xf32>
    %swap3A_91 = vector.shape_cast %broadcast_in_dim3A_1 : vector<16xf32> to vector<1x16xf32>
    tpu.vector_store %arg8[%swap3A_87, %swap3A_88], %swap3A_91 {strides = array<i32>} : memref<33x128xf32, #tpu.memory_space<vmem>>, vector<1x16xf32>,
    %swap3A_92 = arith.constant 32 : i32
    %swap3A_93 = arith.index_cast %swap3A_92 : i32 to index
    %swap3A_94 = arith.constant 112 : index
    %swap3A_95 = tpu.vector_load %arg7[%swap3A_93, %swap3A_94] {strides = array<i32>} : memref<33x128xi32, #tpu.memory_space<vmem>>, vector<1x16xi32>,
    %swap3A_96 = vector.shape_cast %swap3A_95 : vector<1x16xi32> to vector<16xi32>
    %swap3A_97 = vector.shape_cast %broadcast_in_dim3A_3 : vector<16xi32> to vector<1x16xi32>
    tpu.vector_store %arg7[%swap3A_93, %swap3A_94], %swap3A_97 {strides = array<i32>} : memref<33x128xi32, #tpu.memory_space<vmem>>, vector<1x16xi32>,
    %swap3A_98 = arith.constant 32 : i32
    %swap3A_99 = arith.index_cast %swap3A_98 : i32 to index
    %swap3A_100 = arith.constant 112 : index
    %swap3A_101 = tpu.vector_load %arg8[%swap3A_99, %swap3A_100] {strides = array<i32>} : memref<33x128xf32, #tpu.memory_space<vmem>>, vector<1x16xf32>,
    %swap3A_102 = vector.shape_cast %swap3A_101 : vector<1x16xf32> to vector<16xf32>
    %swap3A_103 = vector.shape_cast %broadcast_in_dim3A_1 : vector<16xf32> to vector<1x16xf32>
    tpu.vector_store %arg8[%swap3A_99, %swap3A_100], %swap3A_103 {strides = array<i32>} : memref<33x128xf32, #tpu.memory_space<vmem>>, vector<1x16xf32>,
    %scan3A_104 = arith.constant 0 : i32
    %scan3A_105 = arith.constant 0 : i32
    %scan3A_106 = arith.constant 16 : i32
    %scan3A_107 = arith.addi %scan3A_105, %scan3A_106 : i32
    %scan3A_108 = arith.constant 1 : i32
    scf.for %scan3A_173 = %scan3A_105 to %scan3A_107 step %scan3A_108  : i32 {
      %mul3A_174 = arith.constant 102400 : i32
      %mul3A_175 = arith.muli %arg1, %mul3A_174 : i32
      %mul3A_176 = arith.constant 6400 : i32
      %mul3A_177 = arith.muli %scan3A_173, %mul3A_176 : i32
      %add3A_178 = arith.addi %mul3A_175, %mul3A_177 : i32
      %dma_start3A_179 = tpu.memref_slice %arg10[%add3A_178] : memref<1638400xf32, #tpu.memory_space<vmem_shared>> -> memref<6400xf32, #tpu.memory_space<vmem_shared>>
      %dma_start3A_180 = tpu.memref_slice %arg10[%add3A_178] : memref<1638400xf32, #tpu.memory_space<vmem_shared>> -> memref<6400xf32, #tpu.memory_space<vmem_shared>>
      tpu.enqueue_dma source(%arg9 : memref<6400xf32, #tpu.memory_space<vmem>>) target(%dma_start3A_180 : memref<6400xf32, #tpu.memory_space<vmem_shared>>) target_semaphore(%arg12 : memref<!tpu.dma_semaphore, #tpu.memory_space<semaphore_mem>>)
    }
    %scan3A_109 = arith.constant 16 : i32
    %scan3A_110 = arith.constant 0 : i32
    %scan3A_111 = arith.constant 0 : i32
    %scan3A_112 = arith.constant 16 : i32
    %scan3A_113 = arith.addi %scan3A_111, %scan3A_112 : i32
    %scan3A_114 = arith.constant 1 : i32
    scf.for %scan3A_173 = %scan3A_111 to %scan3A_113 step %scan3A_114  : i32 {
      %mul3A_174 = arith.constant 102400 : i32
      %mul3A_175 = arith.muli %arg1, %mul3A_174 : i32
      %mul3A_176 = arith.constant 6400 : i32
      %mul3A_177 = arith.muli %scan3A_173, %mul3A_176 : i32
      %add3A_178 = arith.addi %mul3A_175, %mul3A_177 : i32
      %dma_wait3A_179 = tpu.memref_slice %arg10[%add3A_178] : memref<1638400xf32, #tpu.memory_space<vmem_shared>> -> memref<6400xf32, #tpu.memory_space<vmem_shared>>
      %dma_wait3A_180 = tpu.memref_slice %arg10[%add3A_178] : memref<1638400xf32, #tpu.memory_space<vmem_shared>> -> memref<6400xf32, #tpu.memory_space<vmem_shared>>
      tpu.wait_dma2 semaphore(%arg12 : memref<!tpu.dma_semaphore, #tpu.memory_space<semaphore_mem>>) src(%arg9 : memref<6400xf32, #tpu.memory_space<vmem>>) dst(%dma_wait3A_180 : memref<6400xf32, #tpu.memory_space<vmem_shared>>)
    }
    %scan3A_115 = arith.constant 16 : i32
    %barrier3A = arith.constant 0 : index
    tpu.barrier barrier_id(%barrier3A)
    %iota3A = tpu.iota {dimensions = array<i32: 0>} : vector<16xi32>
    %sub3A = arith.constant 488 : i32
    %sub3A_116 = arith.subi %sub3A, %add3A : i32
    %jit3A = arith.constant 32 : i32
    %div3A = arith.divsi %sub3A_116, %jit3A : i32
    %sign3A = arith.constant 0 : i32
    %sign3A_117 = arith.cmpi sgt, %sub3A_116, %sign3A : i32
    %sign3A_118 = arith.extui %sign3A_117 : i1 to i32
    %sign3A_119 = arith.constant 0 : i32
    %sign3A_120 = arith.cmpi slt, %sub3A_116, %sign3A_119 : i32
    %sign3A_121 = arith.extui %sign3A_120 : i1 to i32
    %sign3A_122 = arith.subi %sign3A_118, %sign3A_121 : i32
    %sign3A_123 = arith.constant 0 : i32
    %sign3A_124 = arith.cmpi sgt, %jit3A, %sign3A_123 : i32
    %sign3A_125 = arith.extui %sign3A_124 : i1 to i32
    %sign3A_126 = arith.constant 0 : i32
    %sign3A_127 = arith.cmpi slt, %jit3A, %sign3A_126 : i32
    %sign3A_128 = arith.extui %sign3A_127 : i1 to i32
    %sign3A_129 = arith.subi %sign3A_125, %sign3A_128 : i32
    %ne3A = arith.cmpi ne, %sign3A_122, %sign3A_129 : i32
    %rem3A = arith.remsi %sub3A_116, %jit3A : i32
    %ne3A_130 = arith.constant 0 : i32
    %ne3A_131 = arith.cmpi ne, %rem3A, %ne3A_130 : i32
    %and3A = arith.andi %ne3A, %ne3A_131 : i1
    %sub3A_132 = arith.constant 1 : i32
    %sub3A_133 = arith.subi %div3A, %sub3A_132 : i32
    %select_n3A = arith.select %and3A, %sub3A_133, %div3A : i32
    %add3A_134 = arith.constant 1 : i32
    %add3A_135 = arith.addi %select_n3A, %add3A_134 : i32
    %mul3A_136 = arith.constant 4096 : i32
    %mul3A_137 = arith.muli %add3A, %mul3A_136 : i32
    %min3A = arith.constant 1995896 : i32
    %min3A_138 = arith.minsi %mul3A_137, %min3A : i32
    %dma_start3A = tpu.memref_slice %arg2[%min3A_138] : memref<2000000xi32, #tpu.memory_space<hbm>> -> memref<4104xi32, #tpu.memory_space<hbm>>
    %dma_start3A_139 = tpu.memref_slice %arg2[%min3A_138] : memref<2000000xi32, #tpu.memory_space<hbm>> -> memref<4104xi32, #tpu.memory_space<hbm>>
    tpu.enqueue_dma source(%dma_start3A_139 : memref<4104xi32, #tpu.memory_space<hbm>>) target(%arg5 : memref<4104xi32, #tpu.memory_space<vmem>>) target_semaphore(%arg12 : memref<!tpu.dma_semaphore, #tpu.memory_space<semaphore_mem>>)
    %dma_start3A_140 = tpu.memref_slice %arg3[%min3A_138] : memref<2000000xi32, #tpu.memory_space<hbm>> -> memref<4104xi32, #tpu.memory_space<hbm>>
    %dma_start3A_141 = tpu.memref_slice %arg3[%min3A_138] : memref<2000000xi32, #tpu.memory_space<hbm>> -> memref<4104xi32, #tpu.memory_space<hbm>>
    tpu.enqueue_dma source(%dma_start3A_141 : memref<4104xi32, #tpu.memory_space<hbm>>) target(%arg6 : memref<4104xi32, #tpu.memory_space<vmem>>) target_semaphore(%arg12 : memref<!tpu.dma_semaphore, #tpu.memory_space<semaphore_mem>>)
    %while3A = arith.constant 0 : i32
    %while3A_142 = arith.constant 0 : i32
    %while3A_143 = arith.constant 1 : i32
    %while3A_144 = arith.constant 0 : i32
    %while3A_145 = arith.subi %add3A_135, %while3A_144 : i32
    %while3A_146 = arith.addi %while3A_144, %while3A_145 : i32
    %while3A_147 = arith.constant 1 : i32
    %while3A_148 = arith.divsi %while3A_145, %while3A_147 : i32
    %while3A_149 = arith.muli %while3A_148, %while3A_147 : i32
    %while3A_150 = arith.addi %while3A_144, %while3A_149 : i32
    %while3A_151 = arith.constant 1 : i32
    scf.for %while3A_173 = %while3A_144 to %while3A_150 step %while3A_151  : i32 {
      %mul3A_174 = arith.constant 32 : i32
      %mul3A_175 = arith.muli %mul3A_174, %while3A_173 : i32
      %add3A_176 = arith.addi %add3A, %mul3A_175 : i32
      %dma_wait3A_177 = arith.constant 0 : i32
      %dma_wait3A_178 = tpu.memref_slice %arg2[%dma_wait3A_177] : memref<2000000xi32, #tpu.memory_space<hbm>> -> memref<4104xi32, #tpu.memory_space<hbm>>
      %dma_wait3A_179 = arith.constant 0 : i32
      %dma_wait3A_180 = tpu.memref_slice %arg2[%dma_wait3A_179] : memref<2000000xi32, #tpu.memory_space<hbm>> -> memref<4104xi32, #tpu.memory_space<hbm>>
      tpu.wait_dma2 semaphore(%arg12 : memref<!tpu.dma_semaphore, #tpu.memory_space<semaphore_mem>>) src(%dma_wait3A_180 : memref<4104xi32, #tpu.memory_space<hbm>>) dst(%arg5 : memref<4104xi32, #tpu.memory_space<vmem>>)
      %dma_wait3A_181 = arith.constant 0 : i32
      %dma_wait3A_182 = tpu.memref_slice %arg3[%dma_wait3A_181] : memref<2000000xi32, #tpu.memory_space<hbm>> -> memref<4104xi32, #tpu.memory_space<hbm>>
      %dma_wait3A_183 = arith.constant 0 : i32
      %dma_wait3A_184 = tpu.memref_slice %arg3[%dma_wait3A_183] : memref<2000000xi32, #tpu.memory_space<hbm>> -> memref<4104xi32, #tpu.memory_space<hbm>>
      tpu.wait_dma2 semaphore(%arg12 : memref<!tpu.dma_semaphore, #tpu.memory_space<semaphore_mem>>) src(%dma_wait3A_184 : memref<4104xi32, #tpu.memory_space<hbm>>) dst(%arg6 : memref<4104xi32, #tpu.memory_space<vmem>>)
      %mul3A_185 = arith.constant 4096 : i32
      %mul3A_186 = arith.muli %add3A_176, %mul3A_185 : i32
      %mul3A_187 = arith.constant 4096 : i32
      %mul3A_188 = arith.muli %add3A_176, %mul3A_187 : i32
      %min3A_189 = arith.constant 1995896 : i32
      %min3A_190 = arith.minsi %mul3A_188, %min3A_189 : i32
      %sub3A_191 = arith.subi %mul3A_186, %min3A_190 : i32
      %scan3A_192 = arith.constant 0 : i32
      %scan3A_193 = arith.constant 0 : i32
      %scan3A_194 = arith.constant 32 : i32
      %scan3A_195 = arith.addi %scan3A_193, %scan3A_194 : i32
      %scan3A_196 = arith.constant 1 : i32
      scf.for %scan3A_623 = %scan3A_193 to %scan3A_195 step %scan3A_196  : i32 {
        %mul3A_624 = arith.constant 128 : i32
        %mul3A_625 = arith.muli %scan3A_623, %mul3A_624 : i32
        %add3A_626 = arith.constant 0 : i32
        %add3A_627 = arith.addi %mul3A_625, %add3A_626 : i32
        %get3A_628 = arith.index_cast %add3A_627 : i32 to index
        %get3A_629 = tpu.vector_load %arg5[%get3A_628] {strides = array<i32>} : memref<4104xi32, #tpu.memory_space<vmem>>, vector<16xi32>,
        %get3A_630 = vector.shape_cast %get3A_629 : vector<16xi32> to vector<16xi32>
        %add3A_631 = arith.constant 1 : i32
        %add3A_632 = arith.addi %add3A_627, %add3A_631 : i32
        %get3A_633 = arith.index_cast %add3A_632 : i32 to index
        %get3A_634 = tpu.vector_load %arg5[%get3A_633] {strides = array<i32>} : memref<4104xi32, #tpu.memory_space<vmem>>, vector<16xi32>,
        %get3A_635 = vector.shape_cast %get3A_634 : vector<16xi32> to vector<16xi32>
        %get3A_636 = arith.index_cast %add3A_627 : i32 to index
        %get3A_637 = tpu.vector_load %arg6[%get3A_636] {strides = array<i32>} : memref<4104xi32, #tpu.memory_space<vmem>>, vector<16xi32>,
        %get3A_638 = vector.shape_cast %get3A_637 : vector<16xi32> to vector<16xi32>
        %add3A_639 = arith.constant 1 : i32
        %add3A_640 = arith.addi %add3A_627, %add3A_639 : i32
        %get3A_641 = arith.index_cast %add3A_640 : i32 to index
        %get3A_642 = tpu.vector_load %arg6[%get3A_641] {strides = array<i32>} : memref<4104xi32, #tpu.memory_space<vmem>>, vector<16xi32>,
        %get3A_643 = vector.shape_cast %get3A_642 : vector<16xi32> to vector<16xi32>
        %sub3A_644 = arith.subi %add3A_627, %sub3A_191 : i32
        %add3A_645 = arith.constant 1 : i32
        %add3A_646 = arith.addi %sub3A_644, %add3A_645 : i32
        %add3A_647 = vector.broadcast %add3A_646 : i32 to vector<16xi32>
        %add3A_648 = arith.addi %add3A_647, %iota3A : vector<16xi32>
        %max3A_649 = vector.broadcast %while3A_142 : i32 to vector<16xi32>
        %max3A_650 = arith.maxsi %max3A_649, %add3A_648 : vector<16xi32>
        %min3A_651 = vector.broadcast %while3A_143 : i32 to vector<16xi32>
        %min3A_652 = arith.minsi %min3A_651, %max3A_650 : vector<16xi32>
        %sub3A_653 = arith.subi %get3A_643, %get3A_638 : vector<16xi32>
        %max3A_654 = vector.broadcast %while3A_142 : i32 to vector<16xi32>
        %max3A_655 = arith.maxsi %max3A_654, %sub3A_653 : vector<16xi32>
        %min3A_656 = vector.broadcast %while3A_143 : i32 to vector<16xi32>
        %min3A_657 = arith.minsi %min3A_656, %max3A_655 : vector<16xi32>
        %sub3A_658 = vector.broadcast %while3A_143 : i32 to vector<16xi32>
        %sub3A_659 = arith.subi %sub3A_658, %min3A_657 : vector<16xi32>
        %mul3A_660 = arith.muli %min3A_652, %sub3A_659 : vector<16xi32>
        %convert_element_type3A_661 = arith.sitofp %mul3A_660 : vector<16xi32> to vector<16xf32>
        %mul3A_662 = arith.constant 400 : i32
        %mul3A_663 = vector.broadcast %mul3A_662 : i32 to vector<16xi32>
        %mul3A_664 = arith.muli %get3A_638, %mul3A_663 : vector<16xi32>
        %mul3A_665 = arith.constant 20 : i32
        %mul3A_666 = vector.broadcast %mul3A_665 : i32 to vector<16xi32>
        %mul3A_667 = arith.muli %get3A_630, %mul3A_666 : vector<16xi32>
        %add3A_668 = arith.addi %mul3A_667, %get3A_635 : vector<16xi32>
        %add3A_669 = arith.addi %mul3A_664, %add3A_668 : vector<16xi32>
        %mul3A_670 = arith.muli %add3A_669, %min3A_652 : vector<16xi32>
        %swap3A_671 = arith.index_cast %scan3A_623 : i32 to index
        %swap3A_672 = arith.constant 0 : index
        %swap3A_673 = tpu.vector_load %arg7[%swap3A_671, %swap3A_672] {strides = array<i32>} : memref<33x128xi32, #tpu.memory_space<vmem>>, vector<1x16xi32>,
        %swap3A_674 = vector.shape_cast %swap3A_673 : vector<1x16xi32> to vector<16xi32>
        %swap3A_675 = vector.shape_cast %mul3A_670 : vector<16xi32> to vector<1x16xi32>
        tpu.vector_store %arg7[%swap3A_671, %swap3A_672], %swap3A_675 {strides = array<i32>} : memref<33x128xi32, #tpu.memory_space<vmem>>, vector<1x16xi32>,
        %swap3A_676 = arith.index_cast %scan3A_623 : i32 to index
        %swap3A_677 = arith.constant 0 : index
        %swap3A_678 = tpu.vector_load %arg8[%swap3A_676, %swap3A_677] {strides = array<i32>} : memref<33x128xf32, #tpu.memory_space<vmem>>, vector<1x16xf32>,
        %swap3A_679 = vector.shape_cast %swap3A_678 : vector<1x16xf32> to vector<16xf32>
        %swap3A_680 = vector.shape_cast %convert_element_type3A_661 : vector<16xf32> to vector<1x16xf32>
        tpu.vector_store %arg8[%swap3A_676, %swap3A_677], %swap3A_680 {strides = array<i32>} : memref<33x128xf32, #tpu.memory_space<vmem>>, vector<1x16xf32>,
        %add3A_681 = arith.constant 16 : i32
        %add3A_682 = arith.addi %mul3A_625, %add3A_681 : i32
        %get3A_683 = arith.index_cast %add3A_682 : i32 to index
        %get3A_684 = tpu.vector_load %arg5[%get3A_683] {strides = array<i32>} : memref<4104xi32, #tpu.memory_space<vmem>>, vector<16xi32>,
        %get3A_685 = vector.shape_cast %get3A_684 : vector<16xi32> to vector<16xi32>
        %add3A_686 = arith.constant 1 : i32
        %add3A_687 = arith.addi %add3A_682, %add3A_686 : i32
        %get3A_688 = arith.index_cast %add3A_687 : i32 to index
        %get3A_689 = tpu.vector_load %arg5[%get3A_688] {strides = array<i32>} : memref<4104xi32, #tpu.memory_space<vmem>>, vector<16xi32>,
        %get3A_690 = vector.shape_cast %get3A_689 : vector<16xi32> to vector<16xi32>
        %get3A_691 = arith.index_cast %add3A_682 : i32 to index
        %get3A_692 = tpu.vector_load %arg6[%get3A_691] {strides = array<i32>} : memref<4104xi32, #tpu.memory_space<vmem>>, vector<16xi32>,
        %get3A_693 = vector.shape_cast %get3A_692 : vector<16xi32> to vector<16xi32>
        %add3A_694 = arith.constant 1 : i32
        %add3A_695 = arith.addi %add3A_682, %add3A_694 : i32
        %get3A_696 = arith.index_cast %add3A_695 : i32 to index
        %get3A_697 = tpu.vector_load %arg6[%get3A_696] {strides = array<i32>} : memref<4104xi32, #tpu.memory_space<vmem>>, vector<16xi32>,
        %get3A_698 = vector.shape_cast %get3A_697 : vector<16xi32> to vector<16xi32>
        %sub3A_699 = arith.subi %add3A_682, %sub3A_191 : i32
        %add3A_700 = arith.constant 1 : i32
        %add3A_701 = arith.addi %sub3A_699, %add3A_700 : i32
        %add3A_702 = vector.broadcast %add3A_701 : i32 to vector<16xi32>
        %add3A_703 = arith.addi %add3A_702, %iota3A : vector<16xi32>
        %max3A_704 = vector.broadcast %while3A_142 : i32 to vector<16xi32>
        %max3A_705 = arith.maxsi %max3A_704, %add3A_703 : vector<16xi32>
        %min3A_706 = vector.broadcast %while3A_143 : i32 to vector<16xi32>
        %min3A_707 = arith.minsi %min3A_706, %max3A_705 : vector<16xi32>
        %sub3A_708 = arith.subi %get3A_698, %get3A_693 : vector<16xi32>
        %max3A_709 = vector.broadcast %while3A_142 : i32 to vector<16xi32>
        %max3A_710 = arith.maxsi %max3A_709, %sub3A_708 : vector<16xi32>
        %min3A_711 = vector.broadcast %while3A_143 : i32 to vector<16xi32>
        %min3A_712 = arith.minsi %min3A_711, %max3A_710 : vector<16xi32>
        %sub3A_713 = vector.broadcast %while3A_143 : i32 to vector<16xi32>
        %sub3A_714 = arith.subi %sub3A_713, %min3A_712 : vector<16xi32>
        %mul3A_715 = arith.muli %min3A_707, %sub3A_714 : vector<16xi32>
        %convert_element_type3A_716 = arith.sitofp %mul3A_715 : vector<16xi32> to vector<16xf32>
        %mul3A_717 = arith.constant 400 : i32
        %mul3A_718 = vector.broadcast %mul3A_717 : i32 to vector<16xi32>
        %mul3A_719 = arith.muli %get3A_693, %mul3A_718 : vector<16xi32>
        %mul3A_720 = arith.constant 20 : i32
        %mul3A_721 = vector.broadcast %mul3A_720 : i32 to vector<16xi32>
        %mul3A_722 = arith.muli %get3A_685, %mul3A_721 : vector<16xi32>
        %add3A_723 = arith.addi %mul3A_722, %get3A_690 : vector<16xi32>
        %add3A_724 = arith.addi %mul3A_719, %add3A_723 : vector<16xi32>
        %mul3A_725 = arith.muli %add3A_724, %min3A_707 : vector<16xi32>
        %swap3A_726 = arith.index_cast %scan3A_623 : i32 to index
        %swap3A_727 = arith.constant 16 : index
        %swap3A_728 = tpu.vector_load %arg7[%swap3A_726, %swap3A_727] {strides = array<i32>} : memref<33x128xi32, #tpu.memory_space<vmem>>, vector<1x16xi32>,
        %swap3A_729 = vector.shape_cast %swap3A_728 : vector<1x16xi32> to vector<16xi32>
        %swap3A_730 = vector.shape_cast %mul3A_725 : vector<16xi32> to vector<1x16xi32>
        tpu.vector_store %arg7[%swap3A_726, %swap3A_727], %swap3A_730 {strides = array<i32>} : memref<33x128xi32, #tpu.memory_space<vmem>>, vector<1x16xi32>,
        %swap3A_731 = arith.index_cast %scan3A_623 : i32 to index
        %swap3A_732 = arith.constant 16 : index
        %swap3A_733 = tpu.vector_load %arg8[%swap3A_731, %swap3A_732] {strides = array<i32>} : memref<33x128xf32, #tpu.memory_space<vmem>>, vector<1x16xf32>,
        %swap3A_734 = vector.shape_cast %swap3A_733 : vector<1x16xf32> to vector<16xf32>
        %swap3A_735 = vector.shape_cast %convert_element_type3A_716 : vector<16xf32> to vector<1x16xf32>
        tpu.vector_store %arg8[%swap3A_731, %swap3A_732], %swap3A_735 {strides = array<i32>} : memref<33x128xf32, #tpu.memory_space<vmem>>, vector<1x16xf32>,
        %add3A_736 = arith.constant 32 : i32
        %add3A_737 = arith.addi %mul3A_625, %add3A_736 : i32
        %get3A_738 = arith.index_cast %add3A_737 : i32 to index
        %get3A_739 = tpu.vector_load %arg5[%get3A_738] {strides = array<i32>} : memref<4104xi32, #tpu.memory_space<vmem>>, vector<16xi32>,
        %get3A_740 = vector.shape_cast %get3A_739 : vector<16xi32> to vector<16xi32>
        %add3A_741 = arith.constant 1 : i32
        %add3A_742 = arith.addi %add3A_737, %add3A_741 : i32
        %get3A_743 = arith.index_cast %add3A_742 : i32 to index
        %get3A_744 = tpu.vector_load %arg5[%get3A_743] {strides = array<i32>} : memref<4104xi32, #tpu.memory_space<vmem>>, vector<16xi32>,
        %get3A_745 = vector.shape_cast %get3A_744 : vector<16xi32> to vector<16xi32>
        %get3A_746 = arith.index_cast %add3A_737 : i32 to index
        %get3A_747 = tpu.vector_load %arg6[%get3A_746] {strides = array<i32>} : memref<4104xi32, #tpu.memory_space<vmem>>, vector<16xi32>,
        %get3A_748 = vector.shape_cast %get3A_747 : vector<16xi32> to vector<16xi32>
        %add3A_749 = arith.constant 1 : i32
        %add3A_750 = arith.addi %add3A_737, %add3A_749 : i32
        %get3A_751 = arith.index_cast %add3A_750 : i32 to index
        %get3A_752 = tpu.vector_load %arg6[%get3A_751] {strides = array<i32>} : memref<4104xi32, #tpu.memory_space<vmem>>, vector<16xi32>,
        %get3A_753 = vector.shape_cast %get3A_752 : vector<16xi32> to vector<16xi32>
        %sub3A_754 = arith.subi %add3A_737, %sub3A_191 : i32
        %add3A_755 = arith.constant 1 : i32
        %add3A_756 = arith.addi %sub3A_754, %add3A_755 : i32
        %add3A_757 = vector.broadcast %add3A_756 : i32 to vector<16xi32>
        %add3A_758 = arith.addi %add3A_757, %iota3A : vector<16xi32>
        %max3A_759 = vector.broadcast %while3A_142 : i32 to vector<16xi32>
        %max3A_760 = arith.maxsi %max3A_759, %add3A_758 : vector<16xi32>
        %min3A_761 = vector.broadcast %while3A_143 : i32 to vector<16xi32>
        %min3A_762 = arith.minsi %min3A_761, %max3A_760 : vector<16xi32>
        %sub3A_763 = arith.subi %get3A_753, %get3A_748 : vector<16xi32>
        %max3A_764 = vector.broadcast %while3A_142 : i32 to vector<16xi32>
        %max3A_765 = arith.maxsi %max3A_764, %sub3A_763 : vector<16xi32>
        %min3A_766 = vector.broadcast %while3A_143 : i32 to vector<16xi32>
        %min3A_767 = arith.minsi %min3A_766, %max3A_765 : vector<16xi32>
        %sub3A_768 = vector.broadcast %while3A_143 : i32 to vector<16xi32>
        %sub3A_769 = arith.subi %sub3A_768, %min3A_767 : vector<16xi32>
        %mul3A_770 = arith.muli %min3A_762, %sub3A_769 : vector<16xi32>
        %convert_element_type3A_771 = arith.sitofp %mul3A_770 : vector<16xi32> to vector<16xf32>
        %mul3A_772 = arith.constant 400 : i32
        %mul3A_773 = vector.broadcast %mul3A_772 : i32 to vector<16xi32>
        %mul3A_774 = arith.muli %get3A_748, %mul3A_773 : vector<16xi32>
        %mul3A_775 = arith.constant 20 : i32
        %mul3A_776 = vector.broadcast %mul3A_775 : i32 to vector<16xi32>
        %mul3A_777 = arith.muli %get3A_740, %mul3A_776 : vector<16xi32>
        %add3A_778 = arith.addi %mul3A_777, %get3A_745 : vector<16xi32>
        %add3A_779 = arith.addi %mul3A_774, %add3A_778 : vector<16xi32>
        %mul3A_780 = arith.muli %add3A_779, %min3A_762 : vector<16xi32>
        %swap3A_781 = arith.index_cast %scan3A_623 : i32 to index
        %swap3A_782 = arith.constant 32 : index
        %swap3A_783 = tpu.vector_load %arg7[%swap3A_781, %swap3A_782] {strides = array<i32>} : memref<33x128xi32, #tpu.memory_space<vmem>>, vector<1x16xi32>,
        %swap3A_784 = vector.shape_cast %swap3A_783 : vector<1x16xi32> to vector<16xi32>
        %swap3A_785 = vector.shape_cast %mul3A_780 : vector<16xi32> to vector<1x16xi32>
        tpu.vector_store %arg7[%swap3A_781, %swap3A_782], %swap3A_785 {strides = array<i32>} : memref<33x128xi32, #tpu.memory_space<vmem>>, vector<1x16xi32>,
        %swap3A_786 = arith.index_cast %scan3A_623 : i32 to index
        %swap3A_787 = arith.constant 32 : index
        %swap3A_788 = tpu.vector_load %arg8[%swap3A_786, %swap3A_787] {strides = array<i32>} : memref<33x128xf32, #tpu.memory_space<vmem>>, vector<1x16xf32>,
        %swap3A_789 = vector.shape_cast %swap3A_788 : vector<1x16xf32> to vector<16xf32>
        %swap3A_790 = vector.shape_cast %convert_element_type3A_771 : vector<16xf32> to vector<1x16xf32>
        tpu.vector_store %arg8[%swap3A_786, %swap3A_787], %swap3A_790 {strides = array<i32>} : memref<33x128xf32, #tpu.memory_space<vmem>>, vector<1x16xf32>,
        %add3A_791 = arith.constant 48 : i32
        %add3A_792 = arith.addi %mul3A_625, %add3A_791 : i32
        %get3A_793 = arith.index_cast %add3A_792 : i32 to index
        %get3A_794 = tpu.vector_load %arg5[%get3A_793] {strides = array<i32>} : memref<4104xi32, #tpu.memory_space<vmem>>, vector<16xi32>,
        %get3A_795 = vector.shape_cast %get3A_794 : vector<16xi32> to vector<16xi32>
        %add3A_796 = arith.constant 1 : i32
        %add3A_797 = arith.addi %add3A_792, %add3A_796 : i32
        %get3A_798 = arith.index_cast %add3A_797 : i32 to index
        %get3A_799 = tpu.vector_load %arg5[%get3A_798] {strides = array<i32>} : memref<4104xi32, #tpu.memory_space<vmem>>, vector<16xi32>,
        %get3A_800 = vector.shape_cast %get3A_799 : vector<16xi32> to vector<16xi32>
        %get3A_801 = arith.index_cast %add3A_792 : i32 to index
        %get3A_802 = tpu.vector_load %arg6[%get3A_801] {strides = array<i32>} : memref<4104xi32, #tpu.memory_space<vmem>>, vector<16xi32>,
        %get3A_803 = vector.shape_cast %get3A_802 : vector<16xi32> to vector<16xi32>
        %add3A_804 = arith.constant 1 : i32
        %add3A_805 = arith.addi %add3A_792, %add3A_804 : i32
        %get3A_806 = arith.index_cast %add3A_805 : i32 to index
        %get3A_807 = tpu.vector_load %arg6[%get3A_806] {strides = array<i32>} : memref<4104xi32, #tpu.memory_space<vmem>>, vector<16xi32>,
        %get3A_808 = vector.shape_cast %get3A_807 : vector<16xi32> to vector<16xi32>
        %sub3A_809 = arith.subi %add3A_792, %sub3A_191 : i32
        %add3A_810 = arith.constant 1 : i32
        %add3A_811 = arith.addi %sub3A_809, %add3A_810 : i32
        %add3A_812 = vector.broadcast %add3A_811 : i32 to vector<16xi32>
        %add3A_813 = arith.addi %add3A_812, %iota3A : vector<16xi32>
        %max3A_814 = vector.broadcast %while3A_142 : i32 to vector<16xi32>
        %max3A_815 = arith.maxsi %max3A_814, %add3A_813 : vector<16xi32>
        %min3A_816 = vector.broadcast %while3A_143 : i32 to vector<16xi32>
        %min3A_817 = arith.minsi %min3A_816, %max3A_815 : vector<16xi32>
        %sub3A_818 = arith.subi %get3A_808, %get3A_803 : vector<16xi32>
        %max3A_819 = vector.broadcast %while3A_142 : i32 to vector<16xi32>
        %max3A_820 = arith.maxsi %max3A_819, %sub3A_818 : vector<16xi32>
        %min3A_821 = vector.broadcast %while3A_143 : i32 to vector<16xi32>
        %min3A_822 = arith.minsi %min3A_821, %max3A_820 : vector<16xi32>
        %sub3A_823 = vector.broadcast %while3A_143 : i32 to vector<16xi32>
        %sub3A_824 = arith.subi %sub3A_823, %min3A_822 : vector<16xi32>
        %mul3A_825 = arith.muli %min3A_817, %sub3A_824 : vector<16xi32>
        %convert_element_type3A_826 = arith.sitofp %mul3A_825 : vector<16xi32> to vector<16xf32>
        %mul3A_827 = arith.constant 400 : i32
        %mul3A_828 = vector.broadcast %mul3A_827 : i32 to vector<16xi32>
        %mul3A_829 = arith.muli %get3A_803, %mul3A_828 : vector<16xi32>
        %mul3A_830 = arith.constant 20 : i32
        %mul3A_831 = vector.broadcast %mul3A_830 : i32 to vector<16xi32>
        %mul3A_832 = arith.muli %get3A_795, %mul3A_831 : vector<16xi32>
        %add3A_833 = arith.addi %mul3A_832, %get3A_800 : vector<16xi32>
        %add3A_834 = arith.addi %mul3A_829, %add3A_833 : vector<16xi32>
        %mul3A_835 = arith.muli %add3A_834, %min3A_817 : vector<16xi32>
        %swap3A_836 = arith.index_cast %scan3A_623 : i32 to index
        %swap3A_837 = arith.constant 48 : index
        %swap3A_838 = tpu.vector_load %arg7[%swap3A_836, %swap3A_837] {strides = array<i32>} : memref<33x128xi32, #tpu.memory_space<vmem>>, vector<1x16xi32>,
        %swap3A_839 = vector.shape_cast %swap3A_838 : vector<1x16xi32> to vector<16xi32>
        %swap3A_840 = vector.shape_cast %mul3A_835 : vector<16xi32> to vector<1x16xi32>
        tpu.vector_store %arg7[%swap3A_836, %swap3A_837], %swap3A_840 {strides = array<i32>} : memref<33x128xi32, #tpu.memory_space<vmem>>, vector<1x16xi32>,
        %swap3A_841 = arith.index_cast %scan3A_623 : i32 to index
        %swap3A_842 = arith.constant 48 : index
        %swap3A_843 = tpu.vector_load %arg8[%swap3A_841, %swap3A_842] {strides = array<i32>} : memref<33x128xf32, #tpu.memory_space<vmem>>, vector<1x16xf32>,
        %swap3A_844 = vector.shape_cast %swap3A_843 : vector<1x16xf32> to vector<16xf32>
        %swap3A_845 = vector.shape_cast %convert_element_type3A_826 : vector<16xf32> to vector<1x16xf32>
        tpu.vector_store %arg8[%swap3A_841, %swap3A_842], %swap3A_845 {strides = array<i32>} : memref<33x128xf32, #tpu.memory_space<vmem>>, vector<1x16xf32>,
        %add3A_846 = arith.constant 64 : i32
        %add3A_847 = arith.addi %mul3A_625, %add3A_846 : i32
        %get3A_848 = arith.index_cast %add3A_847 : i32 to index
        %get3A_849 = tpu.vector_load %arg5[%get3A_848] {strides = array<i32>} : memref<4104xi32, #tpu.memory_space<vmem>>, vector<16xi32>,
        %get3A_850 = vector.shape_cast %get3A_849 : vector<16xi32> to vector<16xi32>
        %add3A_851 = arith.constant 1 : i32
        %add3A_852 = arith.addi %add3A_847, %add3A_851 : i32
        %get3A_853 = arith.index_cast %add3A_852 : i32 to index
        %get3A_854 = tpu.vector_load %arg5[%get3A_853] {strides = array<i32>} : memref<4104xi32, #tpu.memory_space<vmem>>, vector<16xi32>,
        %get3A_855 = vector.shape_cast %get3A_854 : vector<16xi32> to vector<16xi32>
        %get3A_856 = arith.index_cast %add3A_847 : i32 to index
        %get3A_857 = tpu.vector_load %arg6[%get3A_856] {strides = array<i32>} : memref<4104xi32, #tpu.memory_space<vmem>>, vector<16xi32>,
        %get3A_858 = vector.shape_cast %get3A_857 : vector<16xi32> to vector<16xi32>
        %add3A_859 = arith.constant 1 : i32
        %add3A_860 = arith.addi %add3A_847, %add3A_859 : i32
        %get3A_861 = arith.index_cast %add3A_860 : i32 to index
        %get3A_862 = tpu.vector_load %arg6[%get3A_861] {strides = array<i32>} : memref<4104xi32, #tpu.memory_space<vmem>>, vector<16xi32>,
        %get3A_863 = vector.shape_cast %get3A_862 : vector<16xi32> to vector<16xi32>
        %sub3A_864 = arith.subi %add3A_847, %sub3A_191 : i32
        %add3A_865 = arith.constant 1 : i32
        %add3A_866 = arith.addi %sub3A_864, %add3A_865 : i32
        %add3A_867 = vector.broadcast %add3A_866 : i32 to vector<16xi32>
        %add3A_868 = arith.addi %add3A_867, %iota3A : vector<16xi32>
        %max3A_869 = vector.broadcast %while3A_142 : i32 to vector<16xi32>
        %max3A_870 = arith.maxsi %max3A_869, %add3A_868 : vector<16xi32>
        %min3A_871 = vector.broadcast %while3A_143 : i32 to vector<16xi32>
        %min3A_872 = arith.minsi %min3A_871, %max3A_870 : vector<16xi32>
        %sub3A_873 = arith.subi %get3A_863, %get3A_858 : vector<16xi32>
        %max3A_874 = vector.broadcast %while3A_142 : i32 to vector<16xi32>
        %max3A_875 = arith.maxsi %max3A_874, %sub3A_873 : vector<16xi32>
        %min3A_876 = vector.broadcast %while3A_143 : i32 to vector<16xi32>
        %min3A_877 = arith.minsi %min3A_876, %max3A_875 : vector<16xi32>
        %sub3A_878 = vector.broadcast %while3A_143 : i32 to vector<16xi32>
        %sub3A_879 = arith.subi %sub3A_878, %min3A_877 : vector<16xi32>
        %mul3A_880 = arith.muli %min3A_872, %sub3A_879 : vector<16xi32>
        %convert_element_type3A_881 = arith.sitofp %mul3A_880 : vector<16xi32> to vector<16xf32>
        %mul3A_882 = arith.constant 400 : i32
        %mul3A_883 = vector.broadcast %mul3A_882 : i32 to vector<16xi32>
        %mul3A_884 = arith.muli %get3A_858, %mul3A_883 : vector<16xi32>
        %mul3A_885 = arith.constant 20 : i32
        %mul3A_886 = vector.broadcast %mul3A_885 : i32 to vector<16xi32>
        %mul3A_887 = arith.muli %get3A_850, %mul3A_886 : vector<16xi32>
        %add3A_888 = arith.addi %mul3A_887, %get3A_855 : vector<16xi32>
        %add3A_889 = arith.addi %mul3A_884, %add3A_888 : vector<16xi32>
        %mul3A_890 = arith.muli %add3A_889, %min3A_872 : vector<16xi32>
        %swap3A_891 = arith.index_cast %scan3A_623 : i32 to index
        %swap3A_892 = arith.constant 64 : index
        %swap3A_893 = tpu.vector_load %arg7[%swap3A_891, %swap3A_892] {strides = array<i32>} : memref<33x128xi32, #tpu.memory_space<vmem>>, vector<1x16xi32>,
        %swap3A_894 = vector.shape_cast %swap3A_893 : vector<1x16xi32> to vector<16xi32>
        %swap3A_895 = vector.shape_cast %mul3A_890 : vector<16xi32> to vector<1x16xi32>
        tpu.vector_store %arg7[%swap3A_891, %swap3A_892], %swap3A_895 {strides = array<i32>} : memref<33x128xi32, #tpu.memory_space<vmem>>, vector<1x16xi32>,
        %swap3A_896 = arith.index_cast %scan3A_623 : i32 to index
        %swap3A_897 = arith.constant 64 : index
        %swap3A_898 = tpu.vector_load %arg8[%swap3A_896, %swap3A_897] {strides = array<i32>} : memref<33x128xf32, #tpu.memory_space<vmem>>, vector<1x16xf32>,
        %swap3A_899 = vector.shape_cast %swap3A_898 : vector<1x16xf32> to vector<16xf32>
        %swap3A_900 = vector.shape_cast %convert_element_type3A_881 : vector<16xf32> to vector<1x16xf32>
        tpu.vector_store %arg8[%swap3A_896, %swap3A_897], %swap3A_900 {strides = array<i32>} : memref<33x128xf32, #tpu.memory_space<vmem>>, vector<1x16xf32>,
        %add3A_901 = arith.constant 80 : i32
        %add3A_902 = arith.addi %mul3A_625, %add3A_901 : i32
        %get3A_903 = arith.index_cast %add3A_902 : i32 to index
        %get3A_904 = tpu.vector_load %arg5[%get3A_903] {strides = array<i32>} : memref<4104xi32, #tpu.memory_space<vmem>>, vector<16xi32>,
        %get3A_905 = vector.shape_cast %get3A_904 : vector<16xi32> to vector<16xi32>
        %add3A_906 = arith.constant 1 : i32
        %add3A_907 = arith.addi %add3A_902, %add3A_906 : i32
        %get3A_908 = arith.index_cast %add3A_907 : i32 to index
        %get3A_909 = tpu.vector_load %arg5[%get3A_908] {strides = array<i32>} : memref<4104xi32, #tpu.memory_space<vmem>>, vector<16xi32>,
        %get3A_910 = vector.shape_cast %get3A_909 : vector<16xi32> to vector<16xi32>
        %get3A_911 = arith.index_cast %add3A_902 : i32 to index
        %get3A_912 = tpu.vector_load %arg6[%get3A_911] {strides = array<i32>} : memref<4104xi32, #tpu.memory_space<vmem>>, vector<16xi32>,
        %get3A_913 = vector.shape_cast %get3A_912 : vector<16xi32> to vector<16xi32>
        %add3A_914 = arith.constant 1 : i32
        %add3A_915 = arith.addi %add3A_902, %add3A_914 : i32
        %get3A_916 = arith.index_cast %add3A_915 : i32 to index
        %get3A_917 = tpu.vector_load %arg6[%get3A_916] {strides = array<i32>} : memref<4104xi32, #tpu.memory_space<vmem>>, vector<16xi32>,
        %get3A_918 = vector.shape_cast %get3A_917 : vector<16xi32> to vector<16xi32>
        %sub3A_919 = arith.subi %add3A_902, %sub3A_191 : i32
        %add3A_920 = arith.constant 1 : i32
        %add3A_921 = arith.addi %sub3A_919, %add3A_920 : i32
        %add3A_922 = vector.broadcast %add3A_921 : i32 to vector<16xi32>
        %add3A_923 = arith.addi %add3A_922, %iota3A : vector<16xi32>
        %max3A_924 = vector.broadcast %while3A_142 : i32 to vector<16xi32>
        %max3A_925 = arith.maxsi %max3A_924, %add3A_923 : vector<16xi32>
        %min3A_926 = vector.broadcast %while3A_143 : i32 to vector<16xi32>
        %min3A_927 = arith.minsi %min3A_926, %max3A_925 : vector<16xi32>
        %sub3A_928 = arith.subi %get3A_918, %get3A_913 : vector<16xi32>
        %max3A_929 = vector.broadcast %while3A_142 : i32 to vector<16xi32>
        %max3A_930 = arith.maxsi %max3A_929, %sub3A_928 : vector<16xi32>
        %min3A_931 = vector.broadcast %while3A_143 : i32 to vector<16xi32>
        %min3A_932 = arith.minsi %min3A_931, %max3A_930 : vector<16xi32>
        %sub3A_933 = vector.broadcast %while3A_143 : i32 to vector<16xi32>
        %sub3A_934 = arith.subi %sub3A_933, %min3A_932 : vector<16xi32>
        %mul3A_935 = arith.muli %min3A_927, %sub3A_934 : vector<16xi32>
        %convert_element_type3A_936 = arith.sitofp %mul3A_935 : vector<16xi32> to vector<16xf32>
        %mul3A_937 = arith.constant 400 : i32
        %mul3A_938 = vector.broadcast %mul3A_937 : i32 to vector<16xi32>
        %mul3A_939 = arith.muli %get3A_913, %mul3A_938 : vector<16xi32>
        %mul3A_940 = arith.constant 20 : i32
        %mul3A_941 = vector.broadcast %mul3A_940 : i32 to vector<16xi32>
        %mul3A_942 = arith.muli %get3A_905, %mul3A_941 : vector<16xi32>
        %add3A_943 = arith.addi %mul3A_942, %get3A_910 : vector<16xi32>
        %add3A_944 = arith.addi %mul3A_939, %add3A_943 : vector<16xi32>
        %mul3A_945 = arith.muli %add3A_944, %min3A_927 : vector<16xi32>
        %swap3A_946 = arith.index_cast %scan3A_623 : i32 to index
        %swap3A_947 = arith.constant 80 : index
        %swap3A_948 = tpu.vector_load %arg7[%swap3A_946, %swap3A_947] {strides = array<i32>} : memref<33x128xi32, #tpu.memory_space<vmem>>, vector<1x16xi32>,
        %swap3A_949 = vector.shape_cast %swap3A_948 : vector<1x16xi32> to vector<16xi32>
        %swap3A_950 = vector.shape_cast %mul3A_945 : vector<16xi32> to vector<1x16xi32>
        tpu.vector_store %arg7[%swap3A_946, %swap3A_947], %swap3A_950 {strides = array<i32>} : memref<33x128xi32, #tpu.memory_space<vmem>>, vector<1x16xi32>,
        %swap3A_951 = arith.index_cast %scan3A_623 : i32 to index
        %swap3A_952 = arith.constant 80 : index
        %swap3A_953 = tpu.vector_load %arg8[%swap3A_951, %swap3A_952] {strides = array<i32>} : memref<33x128xf32, #tpu.memory_space<vmem>>, vector<1x16xf32>,
        %swap3A_954 = vector.shape_cast %swap3A_953 : vector<1x16xf32> to vector<16xf32>
        %swap3A_955 = vector.shape_cast %convert_element_type3A_936 : vector<16xf32> to vector<1x16xf32>
        tpu.vector_store %arg8[%swap3A_951, %swap3A_952], %swap3A_955 {strides = array<i32>} : memref<33x128xf32, #tpu.memory_space<vmem>>, vector<1x16xf32>,
        %add3A_956 = arith.constant 96 : i32
        %add3A_957 = arith.addi %mul3A_625, %add3A_956 : i32
        %get3A_958 = arith.index_cast %add3A_957 : i32 to index
        %get3A_959 = tpu.vector_load %arg5[%get3A_958] {strides = array<i32>} : memref<4104xi32, #tpu.memory_space<vmem>>, vector<16xi32>,
        %get3A_960 = vector.shape_cast %get3A_959 : vector<16xi32> to vector<16xi32>
        %add3A_961 = arith.constant 1 : i32
        %add3A_962 = arith.addi %add3A_957, %add3A_961 : i32
        %get3A_963 = arith.index_cast %add3A_962 : i32 to index
        %get3A_964 = tpu.vector_load %arg5[%get3A_963] {strides = array<i32>} : memref<4104xi32, #tpu.memory_space<vmem>>, vector<16xi32>,
        %get3A_965 = vector.shape_cast %get3A_964 : vector<16xi32> to vector<16xi32>
        %get3A_966 = arith.index_cast %add3A_957 : i32 to index
        %get3A_967 = tpu.vector_load %arg6[%get3A_966] {strides = array<i32>} : memref<4104xi32, #tpu.memory_space<vmem>>, vector<16xi32>,
        %get3A_968 = vector.shape_cast %get3A_967 : vector<16xi32> to vector<16xi32>
        %add3A_969 = arith.constant 1 : i32
        %add3A_970 = arith.addi %add3A_957, %add3A_969 : i32
        %get3A_971 = arith.index_cast %add3A_970 : i32 to index
        %get3A_972 = tpu.vector_load %arg6[%get3A_971] {strides = array<i32>} : memref<4104xi32, #tpu.memory_space<vmem>>, vector<16xi32>,
        %get3A_973 = vector.shape_cast %get3A_972 : vector<16xi32> to vector<16xi32>
        %sub3A_974 = arith.subi %add3A_957, %sub3A_191 : i32
        %add3A_975 = arith.constant 1 : i32
        %add3A_976 = arith.addi %sub3A_974, %add3A_975 : i32
        %add3A_977 = vector.broadcast %add3A_976 : i32 to vector<16xi32>
        %add3A_978 = arith.addi %add3A_977, %iota3A : vector<16xi32>
        %max3A_979 = vector.broadcast %while3A_142 : i32 to vector<16xi32>
        %max3A_980 = arith.maxsi %max3A_979, %add3A_978 : vector<16xi32>
        %min3A_981 = vector.broadcast %while3A_143 : i32 to vector<16xi32>
        %min3A_982 = arith.minsi %min3A_981, %max3A_980 : vector<16xi32>
        %sub3A_983 = arith.subi %get3A_973, %get3A_968 : vector<16xi32>
        %max3A_984 = vector.broadcast %while3A_142 : i32 to vector<16xi32>
        %max3A_985 = arith.maxsi %max3A_984, %sub3A_983 : vector<16xi32>
        %min3A_986 = vector.broadcast %while3A_143 : i32 to vector<16xi32>
        %min3A_987 = arith.minsi %min3A_986, %max3A_985 : vector<16xi32>
        %sub3A_988 = vector.broadcast %while3A_143 : i32 to vector<16xi32>
        %sub3A_989 = arith.subi %sub3A_988, %min3A_987 : vector<16xi32>
        %mul3A_990 = arith.muli %min3A_982, %sub3A_989 : vector<16xi32>
        %convert_element_type3A_991 = arith.sitofp %mul3A_990 : vector<16xi32> to vector<16xf32>
        %mul3A_992 = arith.constant 400 : i32
        %mul3A_993 = vector.broadcast %mul3A_992 : i32 to vector<16xi32>
        %mul3A_994 = arith.muli %get3A_968, %mul3A_993 : vector<16xi32>
        %mul3A_995 = arith.constant 20 : i32
        %mul3A_996 = vector.broadcast %mul3A_995 : i32 to vector<16xi32>
        %mul3A_997 = arith.muli %get3A_960, %mul3A_996 : vector<16xi32>
        %add3A_998 = arith.addi %mul3A_997, %get3A_965 : vector<16xi32>
        %add3A_999 = arith.addi %mul3A_994, %add3A_998 : vector<16xi32>
        %mul3A_1000 = arith.muli %add3A_999, %min3A_982 : vector<16xi32>
        %swap3A_1001 = arith.index_cast %scan3A_623 : i32 to index
        %swap3A_1002 = arith.constant 96 : index
        %swap3A_1003 = tpu.vector_load %arg7[%swap3A_1001, %swap3A_1002] {strides = array<i32>} : memref<33x128xi32, #tpu.memory_space<vmem>>, vector<1x16xi32>,
        %swap3A_1004 = vector.shape_cast %swap3A_1003 : vector<1x16xi32> to vector<16xi32>
        %swap3A_1005 = vector.shape_cast %mul3A_1000 : vector<16xi32> to vector<1x16xi32>
        tpu.vector_store %arg7[%swap3A_1001, %swap3A_1002], %swap3A_1005 {strides = array<i32>} : memref<33x128xi32, #tpu.memory_space<vmem>>, vector<1x16xi32>,
        %swap3A_1006 = arith.index_cast %scan3A_623 : i32 to index
        %swap3A_1007 = arith.constant 96 : index
        %swap3A_1008 = tpu.vector_load %arg8[%swap3A_1006, %swap3A_1007] {strides = array<i32>} : memref<33x128xf32, #tpu.memory_space<vmem>>, vector<1x16xf32>,
        %swap3A_1009 = vector.shape_cast %swap3A_1008 : vector<1x16xf32> to vector<16xf32>
        %swap3A_1010 = vector.shape_cast %convert_element_type3A_991 : vector<16xf32> to vector<1x16xf32>
        tpu.vector_store %arg8[%swap3A_1006, %swap3A_1007], %swap3A_1010 {strides = array<i32>} : memref<33x128xf32, #tpu.memory_space<vmem>>, vector<1x16xf32>,
        %add3A_1011 = arith.constant 112 : i32
        %add3A_1012 = arith.addi %mul3A_625, %add3A_1011 : i32
        %get3A_1013 = arith.index_cast %add3A_1012 : i32 to index
        %get3A_1014 = tpu.vector_load %arg5[%get3A_1013] {strides = array<i32>} : memref<4104xi32, #tpu.memory_space<vmem>>, vector<16xi32>,
        %get3A_1015 = vector.shape_cast %get3A_1014 : vector<16xi32> to vector<16xi32>
        %add3A_1016 = arith.constant 1 : i32
        %add3A_1017 = arith.addi %add3A_1012, %add3A_1016 : i32
        %get3A_1018 = arith.index_cast %add3A_1017 : i32 to index
        %get3A_1019 = tpu.vector_load %arg5[%get3A_1018] {strides = array<i32>} : memref<4104xi32, #tpu.memory_space<vmem>>, vector<16xi32>,
        %get3A_1020 = vector.shape_cast %get3A_1019 : vector<16xi32> to vector<16xi32>
        %get3A_1021 = arith.index_cast %add3A_1012 : i32 to index
        %get3A_1022 = tpu.vector_load %arg6[%get3A_1021] {strides = array<i32>} : memref<4104xi32, #tpu.memory_space<vmem>>, vector<16xi32>,
        %get3A_1023 = vector.shape_cast %get3A_1022 : vector<16xi32> to vector<16xi32>
        %add3A_1024 = arith.constant 1 : i32
        %add3A_1025 = arith.addi %add3A_1012, %add3A_1024 : i32
        %get3A_1026 = arith.index_cast %add3A_1025 : i32 to index
        %get3A_1027 = tpu.vector_load %arg6[%get3A_1026] {strides = array<i32>} : memref<4104xi32, #tpu.memory_space<vmem>>, vector<16xi32>,
        %get3A_1028 = vector.shape_cast %get3A_1027 : vector<16xi32> to vector<16xi32>
        %sub3A_1029 = arith.subi %add3A_1012, %sub3A_191 : i32
        %add3A_1030 = arith.constant 1 : i32
        %add3A_1031 = arith.addi %sub3A_1029, %add3A_1030 : i32
        %add3A_1032 = vector.broadcast %add3A_1031 : i32 to vector<16xi32>
        %add3A_1033 = arith.addi %add3A_1032, %iota3A : vector<16xi32>
        %max3A_1034 = vector.broadcast %while3A_142 : i32 to vector<16xi32>
        %max3A_1035 = arith.maxsi %max3A_1034, %add3A_1033 : vector<16xi32>
        %min3A_1036 = vector.broadcast %while3A_143 : i32 to vector<16xi32>
        %min3A_1037 = arith.minsi %min3A_1036, %max3A_1035 : vector<16xi32>
        %sub3A_1038 = arith.subi %get3A_1028, %get3A_1023 : vector<16xi32>
        %max3A_1039 = vector.broadcast %while3A_142 : i32 to vector<16xi32>
        %max3A_1040 = arith.maxsi %max3A_1039, %sub3A_1038 : vector<16xi32>
        %min3A_1041 = vector.broadcast %while3A_143 : i32 to vector<16xi32>
        %min3A_1042 = arith.minsi %min3A_1041, %max3A_1040 : vector<16xi32>
        %sub3A_1043 = vector.broadcast %while3A_143 : i32 to vector<16xi32>
        %sub3A_1044 = arith.subi %sub3A_1043, %min3A_1042 : vector<16xi32>
        %mul3A_1045 = arith.muli %min3A_1037, %sub3A_1044 : vector<16xi32>
        %convert_element_type3A_1046 = arith.sitofp %mul3A_1045 : vector<16xi32> to vector<16xf32>
        %mul3A_1047 = arith.constant 400 : i32
        %mul3A_1048 = vector.broadcast %mul3A_1047 : i32 to vector<16xi32>
        %mul3A_1049 = arith.muli %get3A_1023, %mul3A_1048 : vector<16xi32>
        %mul3A_1050 = arith.constant 20 : i32
        %mul3A_1051 = vector.broadcast %mul3A_1050 : i32 to vector<16xi32>
        %mul3A_1052 = arith.muli %get3A_1015, %mul3A_1051 : vector<16xi32>
        %add3A_1053 = arith.addi %mul3A_1052, %get3A_1020 : vector<16xi32>
        %add3A_1054 = arith.addi %mul3A_1049, %add3A_1053 : vector<16xi32>
        %mul3A_1055 = arith.muli %add3A_1054, %min3A_1037 : vector<16xi32>
        %swap3A_1056 = arith.index_cast %scan3A_623 : i32 to index
        %swap3A_1057 = arith.constant 112 : index
        %swap3A_1058 = tpu.vector_load %arg7[%swap3A_1056, %swap3A_1057] {strides = array<i32>} : memref<33x128xi32, #tpu.memory_space<vmem>>, vector<1x16xi32>,
        %swap3A_1059 = vector.shape_cast %swap3A_1058 : vector<1x16xi32> to vector<16xi32>
        %swap3A_1060 = vector.shape_cast %mul3A_1055 : vector<16xi32> to vector<1x16xi32>
        tpu.vector_store %arg7[%swap3A_1056, %swap3A_1057], %swap3A_1060 {strides = array<i32>} : memref<33x128xi32, #tpu.memory_space<vmem>>, vector<1x16xi32>,
        %swap3A_1061 = arith.index_cast %scan3A_623 : i32 to index
        %swap3A_1062 = arith.constant 112 : index
        %swap3A_1063 = tpu.vector_load %arg8[%swap3A_1061, %swap3A_1062] {strides = array<i32>} : memref<33x128xf32, #tpu.memory_space<vmem>>, vector<1x16xf32>,
        %swap3A_1064 = vector.shape_cast %swap3A_1063 : vector<1x16xf32> to vector<16xf32>
        %swap3A_1065 = vector.shape_cast %convert_element_type3A_1046 : vector<16xf32> to vector<1x16xf32>
        tpu.vector_store %arg8[%swap3A_1061, %swap3A_1062], %swap3A_1065 {strides = array<i32>} : memref<33x128xf32, #tpu.memory_space<vmem>>, vector<1x16xf32>,
        %dma_start3A_1066 = arith.constant 0 : i32
        %dma_start3A_1067 = tpu.memref_slice %arg8[%scan3A_623, %dma_start3A_1066] : memref<33x128xf32, #tpu.memory_space<vmem>> -> memref<1x128xf32, #tpu.memory_space<vmem>>
        %dma_start3A_1068 = tpu.memref_squeeze %dma_start3A_1067 : memref<1x128xf32, #tpu.memory_space<vmem>> -> memref<128xf32, #tpu.memory_space<vmem>>
        %dma_start3A_1069 = arith.constant 0 : i32
        %dma_start3A_1070 = tpu.memref_slice %arg7[%scan3A_623, %dma_start3A_1069] : memref<33x128xi32, #tpu.memory_space<vmem>> -> memref<1x128xi32, #tpu.memory_space<vmem>>
        %dma_start3A_1071 = tpu.memref_squeeze %dma_start3A_1070 : memref<1x128xi32, #tpu.memory_space<vmem>> -> memref<128xi32, #tpu.memory_space<vmem>>
        %dma_start3A_1072 = arith.constant 0 : i32
        %dma_start3A_1073 = tpu.memref_slice %arg10[%dma_start3A_1072] : memref<1638400xf32, #tpu.memory_space<vmem_shared>> -> memref<1638400xf32, #tpu.memory_space<vmem_shared>>
        tpu.enqueue_indirect_dma source(%dma_start3A_1068 : memref<128xf32, #tpu.memory_space<vmem>>) target(%dma_start3A_1073 : memref<1638400xf32, #tpu.memory_space<vmem_shared>>) offsets(%dma_start3A_1071 : memref<128xi32, #tpu.memory_space<vmem>>) semaphore(%arg11 : memref<!tpu.dma_semaphore, #tpu.memory_space<semaphore_mem>>) {add = true}
      }
      %scan3A_197 = arith.constant 32 : i32
      %get3A = arith.constant 4087 : index
      %get3A_198 = tpu.vector_load %arg5[%get3A] {strides = array<i32>} : memref<4104xi32, #tpu.memory_space<vmem>>, vector<16xi32>,
      %get3A_199 = vector.shape_cast %get3A_198 : vector<16xi32> to vector<16xi32>
      %get3A_200 = arith.constant 4088 : index
      %get3A_201 = tpu.vector_load %arg5[%get3A_200] {strides = array<i32>} : memref<4104xi32, #tpu.memory_space<vmem>>, vector<16xi32>,
      %get3A_202 = vector.shape_cast %get3A_201 : vector<16xi32> to vector<16xi32>
      %get3A_203 = arith.constant 4087 : index
      %get3A_204 = tpu.vector_load %arg6[%get3A_203] {strides = array<i32>} : memref<4104xi32, #tpu.memory_space<vmem>>, vector<16xi32>,
      %get3A_205 = vector.shape_cast %get3A_204 : vector<16xi32> to vector<16xi32>
      %get3A_206 = arith.constant 4088 : index
      %get3A_207 = tpu.vector_load %arg6[%get3A_206] {strides = array<i32>} : memref<4104xi32, #tpu.memory_space<vmem>>, vector<16xi32>,
      %get3A_208 = vector.shape_cast %get3A_207 : vector<16xi32> to vector<16xi32>
      %add3A_209 = arith.constant 4087 : i32
      %add3A_210 = arith.addi %min3A_190, %add3A_209 : i32
      %add3A_211 = vector.broadcast %add3A_210 : i32 to vector<16xi32>
      %add3A_212 = arith.addi %add3A_211, %iota3A : vector<16xi32>
      %sub3A_213 = arith.subi %mul3A_186, %min3A_190 : i32
      %max3A = arith.maxsi %while3A_142, %sub3A_213 : i32
      %min3A_214 = arith.minsi %while3A_143, %max3A : i32
      %add3A_215 = arith.constant 4096 : i32
      %add3A_216 = arith.addi %min3A_190, %add3A_215 : i32
      %sub3A_217 = arith.constant 1 : i32
      %sub3A_218 = arith.subi %add3A_216, %sub3A_217 : i32
      %sub3A_219 = vector.broadcast %sub3A_218 : i32 to vector<16xi32>
      %sub3A_220 = arith.subi %add3A_212, %sub3A_219 : vector<16xi32>
      %max3A_221 = vector.broadcast %while3A_142 : i32 to vector<16xi32>
      %max3A_222 = arith.maxsi %max3A_221, %sub3A_220 : vector<16xi32>
      %min3A_223 = vector.broadcast %while3A_143 : i32 to vector<16xi32>
      %min3A_224 = arith.minsi %min3A_223, %max3A_222 : vector<16xi32>
      %sub3A_225 = arith.constant 1 : i32
      %sub3A_226 = arith.subi %mul3A_186, %sub3A_225 : i32
      %sub3A_227 = vector.broadcast %sub3A_226 : i32 to vector<16xi32>
      %sub3A_228 = arith.subi %add3A_212, %sub3A_227 : vector<16xi32>
      %max3A_229 = vector.broadcast %while3A_142 : i32 to vector<16xi32>
      %max3A_230 = arith.maxsi %max3A_229, %sub3A_228 : vector<16xi32>
      %min3A_231 = vector.broadcast %while3A_143 : i32 to vector<16xi32>
      %min3A_232 = arith.minsi %min3A_231, %max3A_230 : vector<16xi32>
      %mul3A_233 = arith.muli %min3A_224, %min3A_232 : vector<16xi32>
      %sub3A_234 = arith.constant 1999999 : i32
      %sub3A_235 = vector.broadcast %sub3A_234 : i32 to vector<16xi32>
      %sub3A_236 = arith.subi %sub3A_235, %add3A_212 : vector<16xi32>
      %max3A_237 = vector.broadcast %while3A_142 : i32 to vector<16xi32>
      %max3A_238 = arith.maxsi %max3A_237, %sub3A_236 : vector<16xi32>
      %min3A_239 = vector.broadcast %while3A_143 : i32 to vector<16xi32>
      %min3A_240 = arith.minsi %min3A_239, %max3A_238 : vector<16xi32>
      %mul3A_241 = arith.muli %mul3A_233, %min3A_240 : vector<16xi32>
      %mul3A_242 = vector.broadcast %min3A_214 : i32 to vector<16xi32>
      %mul3A_243 = arith.muli %mul3A_241, %mul3A_242 : vector<16xi32>
      %sub3A_244 = arith.subi %get3A_208, %get3A_205 : vector<16xi32>
      %max3A_245 = vector.broadcast %while3A_142 : i32 to vector<16xi32>
      %max3A_246 = arith.maxsi %max3A_245, %sub3A_244 : vector<16xi32>
      %min3A_247 = vector.broadcast %while3A_143 : i32 to vector<16xi32>
      %min3A_248 = arith.minsi %min3A_247, %max3A_246 : vector<16xi32>
      %sub3A_249 = vector.broadcast %while3A_143 : i32 to vector<16xi32>
      %sub3A_250 = arith.subi %sub3A_249, %min3A_248 : vector<16xi32>
      %mul3A_251 = arith.muli %mul3A_243, %sub3A_250 : vector<16xi32>
      %convert_element_type3A = arith.sitofp %mul3A_251 : vector<16xi32> to vector<16xf32>
      %mul3A_252 = arith.constant 400 : i32
      %mul3A_253 = vector.broadcast %mul3A_252 : i32 to vector<16xi32>
      %mul3A_254 = arith.muli %get3A_205, %mul3A_253 : vector<16xi32>
      %mul3A_255 = arith.constant 20 : i32
      %mul3A_256 = vector.broadcast %mul3A_255 : i32 to vector<16xi32>
      %mul3A_257 = arith.muli %get3A_199, %mul3A_256 : vector<16xi32>
      %add3A_258 = arith.addi %mul3A_257, %get3A_202 : vector<16xi32>
      %add3A_259 = arith.addi %mul3A_254, %add3A_258 : vector<16xi32>
      %mul3A_260 = arith.muli %add3A_259, %mul3A_243 : vector<16xi32>
      %swap3A_261 = arith.constant 32 : i32
      %swap3A_262 = arith.index_cast %swap3A_261 : i32 to index
      %swap3A_263 = arith.constant 0 : index
      %swap3A_264 = tpu.vector_load %arg7[%swap3A_262, %swap3A_263] {strides = array<i32>} : memref<33x128xi32, #tpu.memory_space<vmem>>, vector<1x16xi32>,
      %swap3A_265 = vector.shape_cast %swap3A_264 : vector<1x16xi32> to vector<16xi32>
      %swap3A_266 = vector.shape_cast %mul3A_260 : vector<16xi32> to vector<1x16xi32>
      tpu.vector_store %arg7[%swap3A_262, %swap3A_263], %swap3A_266 {strides = array<i32>} : memref<33x128xi32, #tpu.memory_space<vmem>>, vector<1x16xi32>,
      %swap3A_267 = arith.constant 32 : i32
      %swap3A_268 = arith.index_cast %swap3A_267 : i32 to index
      %swap3A_269 = arith.constant 0 : index
      %swap3A_270 = tpu.vector_load %arg8[%swap3A_268, %swap3A_269] {strides = array<i32>} : memref<33x128xf32, #tpu.memory_space<vmem>>, vector<1x16xf32>,
      %swap3A_271 = vector.shape_cast %swap3A_270 : vector<1x16xf32> to vector<16xf32>
      %swap3A_272 = vector.shape_cast %convert_element_type3A : vector<16xf32> to vector<1x16xf32>
      tpu.vector_store %arg8[%swap3A_268, %swap3A_269], %swap3A_272 {strides = array<i32>} : memref<33x128xf32, #tpu.memory_space<vmem>>, vector<1x16xf32>,
      %dma_start3A_273 = arith.constant 32 : i32
      %dma_start3A_274 = arith.constant 32 : i32
      %dma_start3A_275 = arith.constant 0 : i32
      %dma_start3A_276 = tpu.memref_slice %arg8[%dma_start3A_273, %dma_start3A_275] : memref<33x128xf32, #tpu.memory_space<vmem>> -> memref<1x128xf32, #tpu.memory_space<vmem>>
      %dma_start3A_277 = tpu.memref_squeeze %dma_start3A_276 : memref<1x128xf32, #tpu.memory_space<vmem>> -> memref<128xf32, #tpu.memory_space<vmem>>
      %dma_start3A_278 = arith.constant 0 : i32
      %dma_start3A_279 = tpu.memref_slice %arg7[%dma_start3A_274, %dma_start3A_278] : memref<33x128xi32, #tpu.memory_space<vmem>> -> memref<1x128xi32, #tpu.memory_space<vmem>>
      %dma_start3A_280 = tpu.memref_squeeze %dma_start3A_279 : memref<1x128xi32, #tpu.memory_space<vmem>> -> memref<128xi32, #tpu.memory_space<vmem>>
      %dma_start3A_281 = arith.constant 0 : i32
      %dma_start3A_282 = tpu.memref_slice %arg10[%dma_start3A_281] : memref<1638400xf32, #tpu.memory_space<vmem_shared>> -> memref<1638400xf32, #tpu.memory_space<vmem_shared>>
      tpu.enqueue_indirect_dma source(%dma_start3A_277 : memref<128xf32, #tpu.memory_space<vmem>>) target(%dma_start3A_282 : memref<1638400xf32, #tpu.memory_space<vmem_shared>>) offsets(%dma_start3A_280 : memref<128xi32, #tpu.memory_space<vmem>>) semaphore(%arg11 : memref<!tpu.dma_semaphore, #tpu.memory_space<semaphore_mem>>) {add = true}
      %add3A_283 = arith.constant 32 : i32
      %add3A_284 = arith.addi %add3A_176, %add3A_283 : i32
      %mul3A_285 = arith.constant 4096 : i32
      %mul3A_286 = arith.muli %add3A_284, %mul3A_285 : i32
      %min3A_287 = arith.constant 1995896 : i32
      %min3A_288 = arith.minsi %mul3A_286, %min3A_287 : i32
      %dma_start3A_289 = tpu.memref_slice %arg2[%min3A_288] : memref<2000000xi32, #tpu.memory_space<hbm>> -> memref<4104xi32, #tpu.memory_space<hbm>>
      %dma_start3A_290 = tpu.memref_slice %arg2[%min3A_288] : memref<2000000xi32, #tpu.memory_space<hbm>> -> memref<4104xi32, #tpu.memory_space<hbm>>
      tpu.enqueue_dma source(%dma_start3A_290 : memref<4104xi32, #tpu.memory_space<hbm>>) target(%arg5 : memref<4104xi32, #tpu.memory_space<vmem>>) target_semaphore(%arg12 : memref<!tpu.dma_semaphore, #tpu.memory_space<semaphore_mem>>)
      %dma_start3A_291 = tpu.memref_slice %arg3[%min3A_288] : memref<2000000xi32, #tpu.memory_space<hbm>> -> memref<4104xi32, #tpu.memory_space<hbm>>
      %dma_start3A_292 = tpu.memref_slice %arg3[%min3A_288] : memref<2000000xi32, #tpu.memory_space<hbm>> -> memref<4104xi32, #tpu.memory_space<hbm>>
      tpu.enqueue_dma source(%dma_start3A_292 : memref<4104xi32, #tpu.memory_space<hbm>>) target(%arg6 : memref<4104xi32, #tpu.memory_space<vmem>>) target_semaphore(%arg12 : memref<!tpu.dma_semaphore, #tpu.memory_space<semaphore_mem>>)
      %dma_wait3A_293 = arith.constant 0 : i32
      %dma_wait3A_294 = arith.constant 0 : i32
      %dma_wait3A_295 = arith.constant 0 : i32
      %dma_wait3A_296 = tpu.memref_slice %arg8[%dma_wait3A_293, %dma_wait3A_295] : memref<33x128xf32, #tpu.memory_space<vmem>> -> memref<1x128xf32, #tpu.memory_space<vmem>>
      %dma_wait3A_297 = tpu.memref_squeeze %dma_wait3A_296 : memref<1x128xf32, #tpu.memory_space<vmem>> -> memref<128xf32, #tpu.memory_space<vmem>>
      %dma_wait3A_298 = arith.constant 0 : i32
      %dma_wait3A_299 = tpu.memref_slice %arg7[%dma_wait3A_294, %dma_wait3A_298] : memref<33x128xi32, #tpu.memory_space<vmem>> -> memref<1x128xi32, #tpu.memory_space<vmem>>
      %dma_wait3A_300 = tpu.memref_squeeze %dma_wait3A_299 : memref<1x128xi32, #tpu.memory_space<vmem>> -> memref<128xi32, #tpu.memory_space<vmem>>
      %dma_wait3A_301 = arith.constant 0 : i32
      %dma_wait3A_302 = tpu.memref_slice %arg10[%dma_wait3A_301] : memref<1638400xf32, #tpu.memory_space<vmem_shared>> -> memref<1638400xf32, #tpu.memory_space<vmem_shared>>
      tpu.wait_indirect_dma semaphore(%arg11 : memref<!tpu.dma_semaphore, #tpu.memory_space<semaphore_mem>>) src(%dma_wait3A_297 : memref<128xf32, #tpu.memory_space<vmem>>) dst(%dma_wait3A_302 : memref<1638400xf32, #tpu.memory_space<vmem_shared>>)
      %dma_wait3A_303 = arith.constant 1 : i32
      %dma_wait3A_304 = arith.constant 1 : i32
      %dma_wait3A_305 = arith.constant 0 : i32
      %dma_wait3A_306 = tpu.memref_slice %arg8[%dma_wait3A_303, %dma_wait3A_305] : memref<33x128xf32, #tpu.memory_space<vmem>> -> memref<1x128xf32, #tpu.memory_space<vmem>>
      %dma_wait3A_307 = tpu.memref_squeeze %dma_wait3A_306 : memref<1x128xf32, #tpu.memory_space<vmem>> -> memref<128xf32, #tpu.memory_space<vmem>>
      %dma_wait3A_308 = arith.constant 0 : i32
      %dma_wait3A_309 = tpu.memref_slice %arg7[%dma_wait3A_304, %dma_wait3A_308] : memref<33x128xi32, #tpu.memory_space<vmem>> -> memref<1x128xi32, #tpu.memory_space<vmem>>
      %dma_wait3A_310 = tpu.memref_squeeze %dma_wait3A_309 : memref<1x128xi32, #tpu.memory_space<vmem>> -> memref<128xi32, #tpu.memory_space<vmem>>
      %dma_wait3A_311 = arith.constant 0 : i32
      %dma_wait3A_312 = tpu.memref_slice %arg10[%dma_wait3A_311] : memref<1638400xf32, #tpu.memory_space<vmem_shared>> -> memref<1638400xf32, #tpu.memory_space<vmem_shared>>
      tpu.wait_indirect_dma semaphore(%arg11 : memref<!tpu.dma_semaphore, #tpu.memory_space<semaphore_mem>>) src(%dma_wait3A_307 : memref<128xf32, #tpu.memory_space<vmem>>) dst(%dma_wait3A_312 : memref<1638400xf32, #tpu.memory_space<vmem_shared>>)
      %dma_wait3A_313 = arith.constant 2 : i32
      %dma_wait3A_314 = arith.constant 2 : i32
      %dma_wait3A_315 = arith.constant 0 : i32
      %dma_wait3A_316 = tpu.memref_slice %arg8[%dma_wait3A_313, %dma_wait3A_315] : memref<33x128xf32, #tpu.memory_space<vmem>> -> memref<1x128xf32, #tpu.memory_space<vmem>>
      %dma_wait3A_317 = tpu.memref_squeeze %dma_wait3A_316 : memref<1x128xf32, #tpu.memory_space<vmem>> -> memref<128xf32, #tpu.memory_space<vmem>>
      %dma_wait3A_318 = arith.constant 0 : i32
      %dma_wait3A_319 = tpu.memref_slice %arg7[%dma_wait3A_314, %dma_wait3A_318] : memref<33x128xi32, #tpu.memory_space<vmem>> -> memref<1x128xi32, #tpu.memory_space<vmem>>
      %dma_wait3A_320 = tpu.memref_squeeze %dma_wait3A_319 : memref<1x128xi32, #tpu.memory_space<vmem>> -> memref<128xi32, #tpu.memory_space<vmem>>
      %dma_wait3A_321 = arith.constant 0 : i32
      %dma_wait3A_322 = tpu.memref_slice %arg10[%dma_wait3A_321] : memref<1638400xf32, #tpu.memory_space<vmem_shared>> -> memref<1638400xf32, #tpu.memory_space<vmem_shared>>
      tpu.wait_indirect_dma semaphore(%arg11 : memref<!tpu.dma_semaphore, #tpu.memory_space<semaphore_mem>>) src(%dma_wait3A_317 : memref<128xf32, #tpu.memory_space<vmem>>) dst(%dma_wait3A_322 : memref<1638400xf32, #tpu.memory_space<vmem_shared>>)
      %dma_wait3A_323 = arith.constant 3 : i32
      %dma_wait3A_324 = arith.constant 3 : i32
      %dma_wait3A_325 = arith.constant 0 : i32
      %dma_wait3A_326 = tpu.memref_slice %arg8[%dma_wait3A_323, %dma_wait3A_325] : memref<33x128xf32, #tpu.memory_space<vmem>> -> memref<1x128xf32, #tpu.memory_space<vmem>>
      %dma_wait3A_327 = tpu.memref_squeeze %dma_wait3A_326 : memref<1x128xf32, #tpu.memory_space<vmem>> -> memref<128xf32, #tpu.memory_space<vmem>>
      %dma_wait3A_328 = arith.constant 0 : i32
      %dma_wait3A_329 = tpu.memref_slice %arg7[%dma_wait3A_324, %dma_wait3A_328] : memref<33x128xi32, #tpu.memory_space<vmem>> -> memref<1x128xi32, #tpu.memory_space<vmem>>
      %dma_wait3A_330 = tpu.memref_squeeze %dma_wait3A_329 : memref<1x128xi32, #tpu.memory_space<vmem>> -> memref<128xi32, #tpu.memory_space<vmem>>
      %dma_wait3A_331 = arith.constant 0 : i32
      %dma_wait3A_332 = tpu.memref_slice %arg10[%dma_wait3A_331] : memref<1638400xf32, #tpu.memory_space<vmem_shared>> -> memref<1638400xf32, #tpu.memory_space<vmem_shared>>
      tpu.wait_indirect_dma semaphore(%arg11 : memref<!tpu.dma_semaphore, #tpu.memory_space<semaphore_mem>>) src(%dma_wait3A_327 : memref<128xf32, #tpu.memory_space<vmem>>) dst(%dma_wait3A_332 : memref<1638400xf32, #tpu.memory_space<vmem_shared>>)
      %dma_wait3A_333 = arith.constant 4 : i32
      %dma_wait3A_334 = arith.constant 4 : i32
      %dma_wait3A_335 = arith.constant 0 : i32
      %dma_wait3A_336 = tpu.memref_slice %arg8[%dma_wait3A_333, %dma_wait3A_335] : memref<33x128xf32, #tpu.memory_space<vmem>> -> memref<1x128xf32, #tpu.memory_space<vmem>>
      %dma_wait3A_337 = tpu.memref_squeeze %dma_wait3A_336 : memref<1x128xf32, #tpu.memory_space<vmem>> -> memref<128xf32, #tpu.memory_space<vmem>>
      %dma_wait3A_338 = arith.constant 0 : i32
      %dma_wait3A_339 = tpu.memref_slice %arg7[%dma_wait3A_334, %dma_wait3A_338] : memref<33x128xi32, #tpu.memory_space<vmem>> -> memref<1x128xi32, #tpu.memory_space<vmem>>
      %dma_wait3A_340 = tpu.memref_squeeze %dma_wait3A_339 : memref<1x128xi32, #tpu.memory_space<vmem>> -> memref<128xi32, #tpu.memory_space<vmem>>
      %dma_wait3A_341 = arith.constant 0 : i32
      %dma_wait3A_342 = tpu.memref_slice %arg10[%dma_wait3A_341] : memref<1638400xf32, #tpu.memory_space<vmem_shared>> -> memref<1638400xf32, #tpu.memory_space<vmem_shared>>
      tpu.wait_indirect_dma semaphore(%arg11 : memref<!tpu.dma_semaphore, #tpu.memory_space<semaphore_mem>>) src(%dma_wait3A_337 : memref<128xf32, #tpu.memory_space<vmem>>) dst(%dma_wait3A_342 : memref<1638400xf32, #tpu.memory_space<vmem_shared>>)
      %dma_wait3A_343 = arith.constant 5 : i32
      %dma_wait3A_344 = arith.constant 5 : i32
      %dma_wait3A_345 = arith.constant 0 : i32
      %dma_wait3A_346 = tpu.memref_slice %arg8[%dma_wait3A_343, %dma_wait3A_345] : memref<33x128xf32, #tpu.memory_space<vmem>> -> memref<1x128xf32, #tpu.memory_space<vmem>>
      %dma_wait3A_347 = tpu.memref_squeeze %dma_wait3A_346 : memref<1x128xf32, #tpu.memory_space<vmem>> -> memref<128xf32, #tpu.memory_space<vmem>>
      %dma_wait3A_348 = arith.constant 0 : i32
      %dma_wait3A_349 = tpu.memref_slice %arg7[%dma_wait3A_344, %dma_wait3A_348] : memref<33x128xi32, #tpu.memory_space<vmem>> -> memref<1x128xi32, #tpu.memory_space<vmem>>
      %dma_wait3A_350 = tpu.memref_squeeze %dma_wait3A_349 : memref<1x128xi32, #tpu.memory_space<vmem>> -> memref<128xi32, #tpu.memory_space<vmem>>
      %dma_wait3A_351 = arith.constant 0 : i32
      %dma_wait3A_352 = tpu.memref_slice %arg10[%dma_wait3A_351] : memref<1638400xf32, #tpu.memory_space<vmem_shared>> -> memref<1638400xf32, #tpu.memory_space<vmem_shared>>
      tpu.wait_indirect_dma semaphore(%arg11 : memref<!tpu.dma_semaphore, #tpu.memory_space<semaphore_mem>>) src(%dma_wait3A_347 : memref<128xf32, #tpu.memory_space<vmem>>) dst(%dma_wait3A_352 : memref<1638400xf32, #tpu.memory_space<vmem_shared>>)
      %dma_wait3A_353 = arith.constant 6 : i32
      %dma_wait3A_354 = arith.constant 6 : i32
      %dma_wait3A_355 = arith.constant 0 : i32
      %dma_wait3A_356 = tpu.memref_slice %arg8[%dma_wait3A_353, %dma_wait3A_355] : memref<33x128xf32, #tpu.memory_space<vmem>> -> memref<1x128xf32, #tpu.memory_space<vmem>>
      %dma_wait3A_357 = tpu.memref_squeeze %dma_wait3A_356 : memref<1x128xf32, #tpu.memory_space<vmem>> -> memref<128xf32, #tpu.memory_space<vmem>>
      %dma_wait3A_358 = arith.constant 0 : i32
      %dma_wait3A_359 = tpu.memref_slice %arg7[%dma_wait3A_354, %dma_wait3A_358] : memref<33x128xi32, #tpu.memory_space<vmem>> -> memref<1x128xi32, #tpu.memory_space<vmem>>
      %dma_wait3A_360 = tpu.memref_squeeze %dma_wait3A_359 : memref<1x128xi32, #tpu.memory_space<vmem>> -> memref<128xi32, #tpu.memory_space<vmem>>
      %dma_wait3A_361 = arith.constant 0 : i32
      %dma_wait3A_362 = tpu.memref_slice %arg10[%dma_wait3A_361] : memref<1638400xf32, #tpu.memory_space<vmem_shared>> -> memref<1638400xf32, #tpu.memory_space<vmem_shared>>
      tpu.wait_indirect_dma semaphore(%arg11 : memref<!tpu.dma_semaphore, #tpu.memory_space<semaphore_mem>>) src(%dma_wait3A_357 : memref<128xf32, #tpu.memory_space<vmem>>) dst(%dma_wait3A_362 : memref<1638400xf32, #tpu.memory_space<vmem_shared>>)
      %dma_wait3A_363 = arith.constant 7 : i32
      %dma_wait3A_364 = arith.constant 7 : i32
      %dma_wait3A_365 = arith.constant 0 : i32
      %dma_wait3A_366 = tpu.memref_slice %arg8[%dma_wait3A_363, %dma_wait3A_365] : memref<33x128xf32, #tpu.memory_space<vmem>> -> memref<1x128xf32, #tpu.memory_space<vmem>>
      %dma_wait3A_367 = tpu.memref_squeeze %dma_wait3A_366 : memref<1x128xf32, #tpu.memory_space<vmem>> -> memref<128xf32, #tpu.memory_space<vmem>>
      %dma_wait3A_368 = arith.constant 0 : i32
      %dma_wait3A_369 = tpu.memref_slice %arg7[%dma_wait3A_364, %dma_wait3A_368] : memref<33x128xi32, #tpu.memory_space<vmem>> -> memref<1x128xi32, #tpu.memory_space<vmem>>
      %dma_wait3A_370 = tpu.memref_squeeze %dma_wait3A_369 : memref<1x128xi32, #tpu.memory_space<vmem>> -> memref<128xi32, #tpu.memory_space<vmem>>
      %dma_wait3A_371 = arith.constant 0 : i32
      %dma_wait3A_372 = tpu.memref_slice %arg10[%dma_wait3A_371] : memref<1638400xf32, #tpu.memory_space<vmem_shared>> -> memref<1638400xf32, #tpu.memory_space<vmem_shared>>
      tpu.wait_indirect_dma semaphore(%arg11 : memref<!tpu.dma_semaphore, #tpu.memory_space<semaphore_mem>>) src(%dma_wait3A_367 : memref<128xf32, #tpu.memory_space<vmem>>) dst(%dma_wait3A_372 : memref<1638400xf32, #tpu.memory_space<vmem_shared>>)
      %dma_wait3A_373 = arith.constant 8 : i32
      %dma_wait3A_374 = arith.constant 8 : i32
      %dma_wait3A_375 = arith.constant 0 : i32
      %dma_wait3A_376 = tpu.memref_slice %arg8[%dma_wait3A_373, %dma_wait3A_375] : memref<33x128xf32, #tpu.memory_space<vmem>> -> memref<1x128xf32, #tpu.memory_space<vmem>>
      %dma_wait3A_377 = tpu.memref_squeeze %dma_wait3A_376 : memref<1x128xf32, #tpu.memory_space<vmem>> -> memref<128xf32, #tpu.memory_space<vmem>>
      %dma_wait3A_378 = arith.constant 0 : i32
      %dma_wait3A_379 = tpu.memref_slice %arg7[%dma_wait3A_374, %dma_wait3A_378] : memref<33x128xi32, #tpu.memory_space<vmem>> -> memref<1x128xi32, #tpu.memory_space<vmem>>
      %dma_wait3A_380 = tpu.memref_squeeze %dma_wait3A_379 : memref<1x128xi32, #tpu.memory_space<vmem>> -> memref<128xi32, #tpu.memory_space<vmem>>
      %dma_wait3A_381 = arith.constant 0 : i32
      %dma_wait3A_382 = tpu.memref_slice %arg10[%dma_wait3A_381] : memref<1638400xf32, #tpu.memory_space<vmem_shared>> -> memref<1638400xf32, #tpu.memory_space<vmem_shared>>
      tpu.wait_indirect_dma semaphore(%arg11 : memref<!tpu.dma_semaphore, #tpu.memory_space<semaphore_mem>>) src(%dma_wait3A_377 : memref<128xf32, #tpu.memory_space<vmem>>) dst(%dma_wait3A_382 : memref<1638400xf32, #tpu.memory_space<vmem_shared>>)
      %dma_wait3A_383 = arith.constant 9 : i32
      %dma_wait3A_384 = arith.constant 9 : i32
      %dma_wait3A_385 = arith.constant 0 : i32
      %dma_wait3A_386 = tpu.memref_slice %arg8[%dma_wait3A_383, %dma_wait3A_385] : memref<33x128xf32, #tpu.memory_space<vmem>> -> memref<1x128xf32, #tpu.memory_space<vmem>>
      %dma_wait3A_387 = tpu.memref_squeeze %dma_wait3A_386 : memref<1x128xf32, #tpu.memory_space<vmem>> -> memref<128xf32, #tpu.memory_space<vmem>>
      %dma_wait3A_388 = arith.constant 0 : i32
      %dma_wait3A_389 = tpu.memref_slice %arg7[%dma_wait3A_384, %dma_wait3A_388] : memref<33x128xi32, #tpu.memory_space<vmem>> -> memref<1x128xi32, #tpu.memory_space<vmem>>
      %dma_wait3A_390 = tpu.memref_squeeze %dma_wait3A_389 : memref<1x128xi32, #tpu.memory_space<vmem>> -> memref<128xi32, #tpu.memory_space<vmem>>
      %dma_wait3A_391 = arith.constant 0 : i32
      %dma_wait3A_392 = tpu.memref_slice %arg10[%dma_wait3A_391] : memref<1638400xf32, #tpu.memory_space<vmem_shared>> -> memref<1638400xf32, #tpu.memory_space<vmem_shared>>
      tpu.wait_indirect_dma semaphore(%arg11 : memref<!tpu.dma_semaphore, #tpu.memory_space<semaphore_mem>>) src(%dma_wait3A_387 : memref<128xf32, #tpu.memory_space<vmem>>) dst(%dma_wait3A_392 : memref<1638400xf32, #tpu.memory_space<vmem_shared>>)
      %dma_wait3A_393 = arith.constant 10 : i32
      %dma_wait3A_394 = arith.constant 10 : i32
      %dma_wait3A_395 = arith.constant 0 : i32
      %dma_wait3A_396 = tpu.memref_slice %arg8[%dma_wait3A_393, %dma_wait3A_395] : memref<33x128xf32, #tpu.memory_space<vmem>> -> memref<1x128xf32, #tpu.memory_space<vmem>>
      %dma_wait3A_397 = tpu.memref_squeeze %dma_wait3A_396 : memref<1x128xf32, #tpu.memory_space<vmem>> -> memref<128xf32, #tpu.memory_space<vmem>>
      %dma_wait3A_398 = arith.constant 0 : i32
      %dma_wait3A_399 = tpu.memref_slice %arg7[%dma_wait3A_394, %dma_wait3A_398] : memref<33x128xi32, #tpu.memory_space<vmem>> -> memref<1x128xi32, #tpu.memory_space<vmem>>
      %dma_wait3A_400 = tpu.memref_squeeze %dma_wait3A_399 : memref<1x128xi32, #tpu.memory_space<vmem>> -> memref<128xi32, #tpu.memory_space<vmem>>
      %dma_wait3A_401 = arith.constant 0 : i32
      %dma_wait3A_402 = tpu.memref_slice %arg10[%dma_wait3A_401] : memref<1638400xf32, #tpu.memory_space<vmem_shared>> -> memref<1638400xf32, #tpu.memory_space<vmem_shared>>
      tpu.wait_indirect_dma semaphore(%arg11 : memref<!tpu.dma_semaphore, #tpu.memory_space<semaphore_mem>>) src(%dma_wait3A_397 : memref<128xf32, #tpu.memory_space<vmem>>) dst(%dma_wait3A_402 : memref<1638400xf32, #tpu.memory_space<vmem_shared>>)
      %dma_wait3A_403 = arith.constant 11 : i32
      %dma_wait3A_404 = arith.constant 11 : i32
      %dma_wait3A_405 = arith.constant 0 : i32
      %dma_wait3A_406 = tpu.memref_slice %arg8[%dma_wait3A_403, %dma_wait3A_405] : memref<33x128xf32, #tpu.memory_space<vmem>> -> memref<1x128xf32, #tpu.memory_space<vmem>>
      %dma_wait3A_407 = tpu.memref_squeeze %dma_wait3A_406 : memref<1x128xf32, #tpu.memory_space<vmem>> -> memref<128xf32, #tpu.memory_space<vmem>>
      %dma_wait3A_408 = arith.constant 0 : i32
      %dma_wait3A_409 = tpu.memref_slice %arg7[%dma_wait3A_404, %dma_wait3A_408] : memref<33x128xi32, #tpu.memory_space<vmem>> -> memref<1x128xi32, #tpu.memory_space<vmem>>
      %dma_wait3A_410 = tpu.memref_squeeze %dma_wait3A_409 : memref<1x128xi32, #tpu.memory_space<vmem>> -> memref<128xi32, #tpu.memory_space<vmem>>
      %dma_wait3A_411 = arith.constant 0 : i32
      %dma_wait3A_412 = tpu.memref_slice %arg10[%dma_wait3A_411] : memref<1638400xf32, #tpu.memory_space<vmem_shared>> -> memref<1638400xf32, #tpu.memory_space<vmem_shared>>
      tpu.wait_indirect_dma semaphore(%arg11 : memref<!tpu.dma_semaphore, #tpu.memory_space<semaphore_mem>>) src(%dma_wait3A_407 : memref<128xf32, #tpu.memory_space<vmem>>) dst(%dma_wait3A_412 : memref<1638400xf32, #tpu.memory_space<vmem_shared>>)
      %dma_wait3A_413 = arith.constant 12 : i32
      %dma_wait3A_414 = arith.constant 12 : i32
      %dma_wait3A_415 = arith.constant 0 : i32
      %dma_wait3A_416 = tpu.memref_slice %arg8[%dma_wait3A_413, %dma_wait3A_415] : memref<33x128xf32, #tpu.memory_space<vmem>> -> memref<1x128xf32, #tpu.memory_space<vmem>>
      %dma_wait3A_417 = tpu.memref_squeeze %dma_wait3A_416 : memref<1x128xf32, #tpu.memory_space<vmem>> -> memref<128xf32, #tpu.memory_space<vmem>>
      %dma_wait3A_418 = arith.constant 0 : i32
      %dma_wait3A_419 = tpu.memref_slice %arg7[%dma_wait3A_414, %dma_wait3A_418] : memref<33x128xi32, #tpu.memory_space<vmem>> -> memref<1x128xi32, #tpu.memory_space<vmem>>
      %dma_wait3A_420 = tpu.memref_squeeze %dma_wait3A_419 : memref<1x128xi32, #tpu.memory_space<vmem>> -> memref<128xi32, #tpu.memory_space<vmem>>
      %dma_wait3A_421 = arith.constant 0 : i32
      %dma_wait3A_422 = tpu.memref_slice %arg10[%dma_wait3A_421] : memref<1638400xf32, #tpu.memory_space<vmem_shared>> -> memref<1638400xf32, #tpu.memory_space<vmem_shared>>
      tpu.wait_indirect_dma semaphore(%arg11 : memref<!tpu.dma_semaphore, #tpu.memory_space<semaphore_mem>>) src(%dma_wait3A_417 : memref<128xf32, #tpu.memory_space<vmem>>) dst(%dma_wait3A_422 : memref<1638400xf32, #tpu.memory_space<vmem_shared>>)
      %dma_wait3A_423 = arith.constant 13 : i32
      %dma_wait3A_424 = arith.constant 13 : i32
      %dma_wait3A_425 = arith.constant 0 : i32
      %dma_wait3A_426 = tpu.memref_slice %arg8[%dma_wait3A_423, %dma_wait3A_425] : memref<33x128xf32, #tpu.memory_space<vmem>> -> memref<1x128xf32, #tpu.memory_space<vmem>>
      %dma_wait3A_427 = tpu.memref_squeeze %dma_wait3A_426 : memref<1x128xf32, #tpu.memory_space<vmem>> -> memref<128xf32, #tpu.memory_space<vmem>>
      %dma_wait3A_428 = arith.constant 0 : i32
      %dma_wait3A_429 = tpu.memref_slice %arg7[%dma_wait3A_424, %dma_wait3A_428] : memref<33x128xi32, #tpu.memory_space<vmem>> -> memref<1x128xi32, #tpu.memory_space<vmem>>
      %dma_wait3A_430 = tpu.memref_squeeze %dma_wait3A_429 : memref<1x128xi32, #tpu.memory_space<vmem>> -> memref<128xi32, #tpu.memory_space<vmem>>
      %dma_wait3A_431 = arith.constant 0 : i32
      %dma_wait3A_432 = tpu.memref_slice %arg10[%dma_wait3A_431] : memref<1638400xf32, #tpu.memory_space<vmem_shared>> -> memref<1638400xf32, #tpu.memory_space<vmem_shared>>
      tpu.wait_indirect_dma semaphore(%arg11 : memref<!tpu.dma_semaphore, #tpu.memory_space<semaphore_mem>>) src(%dma_wait3A_427 : memref<128xf32, #tpu.memory_space<vmem>>) dst(%dma_wait3A_432 : memref<1638400xf32, #tpu.memory_space<vmem_shared>>)
      %dma_wait3A_433 = arith.constant 14 : i32
      %dma_wait3A_434 = arith.constant 14 : i32
      %dma_wait3A_435 = arith.constant 0 : i32
      %dma_wait3A_436 = tpu.memref_slice %arg8[%dma_wait3A_433, %dma_wait3A_435] : memref<33x128xf32, #tpu.memory_space<vmem>> -> memref<1x128xf32, #tpu.memory_space<vmem>>
      %dma_wait3A_437 = tpu.memref_squeeze %dma_wait3A_436 : memref<1x128xf32, #tpu.memory_space<vmem>> -> memref<128xf32, #tpu.memory_space<vmem>>
      %dma_wait3A_438 = arith.constant 0 : i32
      %dma_wait3A_439 = tpu.memref_slice %arg7[%dma_wait3A_434, %dma_wait3A_438] : memref<33x128xi32, #tpu.memory_space<vmem>> -> memref<1x128xi32, #tpu.memory_space<vmem>>
      %dma_wait3A_440 = tpu.memref_squeeze %dma_wait3A_439 : memref<1x128xi32, #tpu.memory_space<vmem>> -> memref<128xi32, #tpu.memory_space<vmem>>
      %dma_wait3A_441 = arith.constant 0 : i32
      %dma_wait3A_442 = tpu.memref_slice %arg10[%dma_wait3A_441] : memref<1638400xf32, #tpu.memory_space<vmem_shared>> -> memref<1638400xf32, #tpu.memory_space<vmem_shared>>
      tpu.wait_indirect_dma semaphore(%arg11 : memref<!tpu.dma_semaphore, #tpu.memory_space<semaphore_mem>>) src(%dma_wait3A_437 : memref<128xf32, #tpu.memory_space<vmem>>) dst(%dma_wait3A_442 : memref<1638400xf32, #tpu.memory_space<vmem_shared>>)
      %dma_wait3A_443 = arith.constant 15 : i32
      %dma_wait3A_444 = arith.constant 15 : i32
      %dma_wait3A_445 = arith.constant 0 : i32
      %dma_wait3A_446 = tpu.memref_slice %arg8[%dma_wait3A_443, %dma_wait3A_445] : memref<33x128xf32, #tpu.memory_space<vmem>> -> memref<1x128xf32, #tpu.memory_space<vmem>>
      %dma_wait3A_447 = tpu.memref_squeeze %dma_wait3A_446 : memref<1x128xf32, #tpu.memory_space<vmem>> -> memref<128xf32, #tpu.memory_space<vmem>>
      %dma_wait3A_448 = arith.constant 0 : i32
      %dma_wait3A_449 = tpu.memref_slice %arg7[%dma_wait3A_444, %dma_wait3A_448] : memref<33x128xi32, #tpu.memory_space<vmem>> -> memref<1x128xi32, #tpu.memory_space<vmem>>
      %dma_wait3A_450 = tpu.memref_squeeze %dma_wait3A_449 : memref<1x128xi32, #tpu.memory_space<vmem>> -> memref<128xi32, #tpu.memory_space<vmem>>
      %dma_wait3A_451 = arith.constant 0 : i32
      %dma_wait3A_452 = tpu.memref_slice %arg10[%dma_wait3A_451] : memref<1638400xf32, #tpu.memory_space<vmem_shared>> -> memref<1638400xf32, #tpu.memory_space<vmem_shared>>
      tpu.wait_indirect_dma semaphore(%arg11 : memref<!tpu.dma_semaphore, #tpu.memory_space<semaphore_mem>>) src(%dma_wait3A_447 : memref<128xf32, #tpu.memory_space<vmem>>) dst(%dma_wait3A_452 : memref<1638400xf32, #tpu.memory_space<vmem_shared>>)
      %dma_wait3A_453 = arith.constant 16 : i32
      %dma_wait3A_454 = arith.constant 16 : i32
      %dma_wait3A_455 = arith.constant 0 : i32
      %dma_wait3A_456 = tpu.memref_slice %arg8[%dma_wait3A_453, %dma_wait3A_455] : memref<33x128xf32, #tpu.memory_space<vmem>> -> memref<1x128xf32, #tpu.memory_space<vmem>>
      %dma_wait3A_457 = tpu.memref_squeeze %dma_wait3A_456 : memref<1x128xf32, #tpu.memory_space<vmem>> -> memref<128xf32, #tpu.memory_space<vmem>>
      %dma_wait3A_458 = arith.constant 0 : i32
      %dma_wait3A_459 = tpu.memref_slice %arg7[%dma_wait3A_454, %dma_wait3A_458] : memref<33x128xi32, #tpu.memory_space<vmem>> -> memref<1x128xi32, #tpu.memory_space<vmem>>
      %dma_wait3A_460 = tpu.memref_squeeze %dma_wait3A_459 : memref<1x128xi32, #tpu.memory_space<vmem>> -> memref<128xi32, #tpu.memory_space<vmem>>
      %dma_wait3A_461 = arith.constant 0 : i32
      %dma_wait3A_462 = tpu.memref_slice %arg10[%dma_wait3A_461] : memref<1638400xf32, #tpu.memory_space<vmem_shared>> -> memref<1638400xf32, #tpu.memory_space<vmem_shared>>
      tpu.wait_indirect_dma semaphore(%arg11 : memref<!tpu.dma_semaphore, #tpu.memory_space<semaphore_mem>>) src(%dma_wait3A_457 : memref<128xf32, #tpu.memory_space<vmem>>) dst(%dma_wait3A_462 : memref<1638400xf32, #tpu.memory_space<vmem_shared>>)
      %dma_wait3A_463 = arith.constant 17 : i32
      %dma_wait3A_464 = arith.constant 17 : i32
      %dma_wait3A_465 = arith.constant 0 : i32
      %dma_wait3A_466 = tpu.memref_slice %arg8[%dma_wait3A_463, %dma_wait3A_465] : memref<33x128xf32, #tpu.memory_space<vmem>> -> memref<1x128xf32, #tpu.memory_space<vmem>>
      %dma_wait3A_467 = tpu.memref_squeeze %dma_wait3A_466 : memref<1x128xf32, #tpu.memory_space<vmem>> -> memref<128xf32, #tpu.memory_space<vmem>>
      %dma_wait3A_468 = arith.constant 0 : i32
      %dma_wait3A_469 = tpu.memref_slice %arg7[%dma_wait3A_464, %dma_wait3A_468] : memref<33x128xi32, #tpu.memory_space<vmem>> -> memref<1x128xi32, #tpu.memory_space<vmem>>
      %dma_wait3A_470 = tpu.memref_squeeze %dma_wait3A_469 : memref<1x128xi32, #tpu.memory_space<vmem>> -> memref<128xi32, #tpu.memory_space<vmem>>
      %dma_wait3A_471 = arith.constant 0 : i32
      %dma_wait3A_472 = tpu.memref_slice %arg10[%dma_wait3A_471] : memref<1638400xf32, #tpu.memory_space<vmem_shared>> -> memref<1638400xf32, #tpu.memory_space<vmem_shared>>
      tpu.wait_indirect_dma semaphore(%arg11 : memref<!tpu.dma_semaphore, #tpu.memory_space<semaphore_mem>>) src(%dma_wait3A_467 : memref<128xf32, #tpu.memory_space<vmem>>) dst(%dma_wait3A_472 : memref<1638400xf32, #tpu.memory_space<vmem_shared>>)
      %dma_wait3A_473 = arith.constant 18 : i32
      %dma_wait3A_474 = arith.constant 18 : i32
      %dma_wait3A_475 = arith.constant 0 : i32
      %dma_wait3A_476 = tpu.memref_slice %arg8[%dma_wait3A_473, %dma_wait3A_475] : memref<33x128xf32, #tpu.memory_space<vmem>> -> memref<1x128xf32, #tpu.memory_space<vmem>>
      %dma_wait3A_477 = tpu.memref_squeeze %dma_wait3A_476 : memref<1x128xf32, #tpu.memory_space<vmem>> -> memref<128xf32, #tpu.memory_space<vmem>>
      %dma_wait3A_478 = arith.constant 0 : i32
      %dma_wait3A_479 = tpu.memref_slice %arg7[%dma_wait3A_474, %dma_wait3A_478] : memref<33x128xi32, #tpu.memory_space<vmem>> -> memref<1x128xi32, #tpu.memory_space<vmem>>
      %dma_wait3A_480 = tpu.memref_squeeze %dma_wait3A_479 : memref<1x128xi32, #tpu.memory_space<vmem>> -> memref<128xi32, #tpu.memory_space<vmem>>
      %dma_wait3A_481 = arith.constant 0 : i32
      %dma_wait3A_482 = tpu.memref_slice %arg10[%dma_wait3A_481] : memref<1638400xf32, #tpu.memory_space<vmem_shared>> -> memref<1638400xf32, #tpu.memory_space<vmem_shared>>
      tpu.wait_indirect_dma semaphore(%arg11 : memref<!tpu.dma_semaphore, #tpu.memory_space<semaphore_mem>>) src(%dma_wait3A_477 : memref<128xf32, #tpu.memory_space<vmem>>) dst(%dma_wait3A_482 : memref<1638400xf32, #tpu.memory_space<vmem_shared>>)
      %dma_wait3A_483 = arith.constant 19 : i32
      %dma_wait3A_484 = arith.constant 19 : i32
      %dma_wait3A_485 = arith.constant 0 : i32
      %dma_wait3A_486 = tpu.memref_slice %arg8[%dma_wait3A_483, %dma_wait3A_485] : memref<33x128xf32, #tpu.memory_space<vmem>> -> memref<1x128xf32, #tpu.memory_space<vmem>>
      %dma_wait3A_487 = tpu.memref_squeeze %dma_wait3A_486 : memref<1x128xf32, #tpu.memory_space<vmem>> -> memref<128xf32, #tpu.memory_space<vmem>>
      %dma_wait3A_488 = arith.constant 0 : i32
      %dma_wait3A_489 = tpu.memref_slice %arg7[%dma_wait3A_484, %dma_wait3A_488] : memref<33x128xi32, #tpu.memory_space<vmem>> -> memref<1x128xi32, #tpu.memory_space<vmem>>
      %dma_wait3A_490 = tpu.memref_squeeze %dma_wait3A_489 : memref<1x128xi32, #tpu.memory_space<vmem>> -> memref<128xi32, #tpu.memory_space<vmem>>
      %dma_wait3A_491 = arith.constant 0 : i32
      %dma_wait3A_492 = tpu.memref_slice %arg10[%dma_wait3A_491] : memref<1638400xf32, #tpu.memory_space<vmem_shared>> -> memref<1638400xf32, #tpu.memory_space<vmem_shared>>
      tpu.wait_indirect_dma semaphore(%arg11 : memref<!tpu.dma_semaphore, #tpu.memory_space<semaphore_mem>>) src(%dma_wait3A_487 : memref<128xf32, #tpu.memory_space<vmem>>) dst(%dma_wait3A_492 : memref<1638400xf32, #tpu.memory_space<vmem_shared>>)
      %dma_wait3A_493 = arith.constant 20 : i32
      %dma_wait3A_494 = arith.constant 20 : i32
      %dma_wait3A_495 = arith.constant 0 : i32
      %dma_wait3A_496 = tpu.memref_slice %arg8[%dma_wait3A_493, %dma_wait3A_495] : memref<33x128xf32, #tpu.memory_space<vmem>> -> memref<1x128xf32, #tpu.memory_space<vmem>>
      %dma_wait3A_497 = tpu.memref_squeeze %dma_wait3A_496 : memref<1x128xf32, #tpu.memory_space<vmem>> -> memref<128xf32, #tpu.memory_space<vmem>>
      %dma_wait3A_498 = arith.constant 0 : i32
      %dma_wait3A_499 = tpu.memref_slice %arg7[%dma_wait3A_494, %dma_wait3A_498] : memref<33x128xi32, #tpu.memory_space<vmem>> -> memref<1x128xi32, #tpu.memory_space<vmem>>
      %dma_wait3A_500 = tpu.memref_squeeze %dma_wait3A_499 : memref<1x128xi32, #tpu.memory_space<vmem>> -> memref<128xi32, #tpu.memory_space<vmem>>
      %dma_wait3A_501 = arith.constant 0 : i32
      %dma_wait3A_502 = tpu.memref_slice %arg10[%dma_wait3A_501] : memref<1638400xf32, #tpu.memory_space<vmem_shared>> -> memref<1638400xf32, #tpu.memory_space<vmem_shared>>
      tpu.wait_indirect_dma semaphore(%arg11 : memref<!tpu.dma_semaphore, #tpu.memory_space<semaphore_mem>>) src(%dma_wait3A_497 : memref<128xf32, #tpu.memory_space<vmem>>) dst(%dma_wait3A_502 : memref<1638400xf32, #tpu.memory_space<vmem_shared>>)
      %dma_wait3A_503 = arith.constant 21 : i32
      %dma_wait3A_504 = arith.constant 21 : i32
      %dma_wait3A_505 = arith.constant 0 : i32
      %dma_wait3A_506 = tpu.memref_slice %arg8[%dma_wait3A_503, %dma_wait3A_505] : memref<33x128xf32, #tpu.memory_space<vmem>> -> memref<1x128xf32, #tpu.memory_space<vmem>>
      %dma_wait3A_507 = tpu.memref_squeeze %dma_wait3A_506 : memref<1x128xf32, #tpu.memory_space<vmem>> -> memref<128xf32, #tpu.memory_space<vmem>>
      %dma_wait3A_508 = arith.constant 0 : i32
      %dma_wait3A_509 = tpu.memref_slice %arg7[%dma_wait3A_504, %dma_wait3A_508] : memref<33x128xi32, #tpu.memory_space<vmem>> -> memref<1x128xi32, #tpu.memory_space<vmem>>
      %dma_wait3A_510 = tpu.memref_squeeze %dma_wait3A_509 : memref<1x128xi32, #tpu.memory_space<vmem>> -> memref<128xi32, #tpu.memory_space<vmem>>
      %dma_wait3A_511 = arith.constant 0 : i32
      %dma_wait3A_512 = tpu.memref_slice %arg10[%dma_wait3A_511] : memref<1638400xf32, #tpu.memory_space<vmem_shared>> -> memref<1638400xf32, #tpu.memory_space<vmem_shared>>
      tpu.wait_indirect_dma semaphore(%arg11 : memref<!tpu.dma_semaphore, #tpu.memory_space<semaphore_mem>>) src(%dma_wait3A_507 : memref<128xf32, #tpu.memory_space<vmem>>) dst(%dma_wait3A_512 : memref<1638400xf32, #tpu.memory_space<vmem_shared>>)
      %dma_wait3A_513 = arith.constant 22 : i32
      %dma_wait3A_514 = arith.constant 22 : i32
      %dma_wait3A_515 = arith.constant 0 : i32
      %dma_wait3A_516 = tpu.memref_slice %arg8[%dma_wait3A_513, %dma_wait3A_515] : memref<33x128xf32, #tpu.memory_space<vmem>> -> memref<1x128xf32, #tpu.memory_space<vmem>>
      %dma_wait3A_517 = tpu.memref_squeeze %dma_wait3A_516 : memref<1x128xf32, #tpu.memory_space<vmem>> -> memref<128xf32, #tpu.memory_space<vmem>>
      %dma_wait3A_518 = arith.constant 0 : i32
      %dma_wait3A_519 = tpu.memref_slice %arg7[%dma_wait3A_514, %dma_wait3A_518] : memref<33x128xi32, #tpu.memory_space<vmem>> -> memref<1x128xi32, #tpu.memory_space<vmem>>
      %dma_wait3A_520 = tpu.memref_squeeze %dma_wait3A_519 : memref<1x128xi32, #tpu.memory_space<vmem>> -> memref<128xi32, #tpu.memory_space<vmem>>
      %dma_wait3A_521 = arith.constant 0 : i32
      %dma_wait3A_522 = tpu.memref_slice %arg10[%dma_wait3A_521] : memref<1638400xf32, #tpu.memory_space<vmem_shared>> -> memref<1638400xf32, #tpu.memory_space<vmem_shared>>
      tpu.wait_indirect_dma semaphore(%arg11 : memref<!tpu.dma_semaphore, #tpu.memory_space<semaphore_mem>>) src(%dma_wait3A_517 : memref<128xf32, #tpu.memory_space<vmem>>) dst(%dma_wait3A_522 : memref<1638400xf32, #tpu.memory_space<vmem_shared>>)
      %dma_wait3A_523 = arith.constant 23 : i32
      %dma_wait3A_524 = arith.constant 23 : i32
      %dma_wait3A_525 = arith.constant 0 : i32
      %dma_wait3A_526 = tpu.memref_slice %arg8[%dma_wait3A_523, %dma_wait3A_525] : memref<33x128xf32, #tpu.memory_space<vmem>> -> memref<1x128xf32, #tpu.memory_space<vmem>>
      %dma_wait3A_527 = tpu.memref_squeeze %dma_wait3A_526 : memref<1x128xf32, #tpu.memory_space<vmem>> -> memref<128xf32, #tpu.memory_space<vmem>>
      %dma_wait3A_528 = arith.constant 0 : i32
      %dma_wait3A_529 = tpu.memref_slice %arg7[%dma_wait3A_524, %dma_wait3A_528] : memref<33x128xi32, #tpu.memory_space<vmem>> -> memref<1x128xi32, #tpu.memory_space<vmem>>
      %dma_wait3A_530 = tpu.memref_squeeze %dma_wait3A_529 : memref<1x128xi32, #tpu.memory_space<vmem>> -> memref<128xi32, #tpu.memory_space<vmem>>
      %dma_wait3A_531 = arith.constant 0 : i32
      %dma_wait3A_532 = tpu.memref_slice %arg10[%dma_wait3A_531] : memref<1638400xf32, #tpu.memory_space<vmem_shared>> -> memref<1638400xf32, #tpu.memory_space<vmem_shared>>
      tpu.wait_indirect_dma semaphore(%arg11 : memref<!tpu.dma_semaphore, #tpu.memory_space<semaphore_mem>>) src(%dma_wait3A_527 : memref<128xf32, #tpu.memory_space<vmem>>) dst(%dma_wait3A_532 : memref<1638400xf32, #tpu.memory_space<vmem_shared>>)
      %dma_wait3A_533 = arith.constant 24 : i32
      %dma_wait3A_534 = arith.constant 24 : i32
      %dma_wait3A_535 = arith.constant 0 : i32
      %dma_wait3A_536 = tpu.memref_slice %arg8[%dma_wait3A_533, %dma_wait3A_535] : memref<33x128xf32, #tpu.memory_space<vmem>> -> memref<1x128xf32, #tpu.memory_space<vmem>>
      %dma_wait3A_537 = tpu.memref_squeeze %dma_wait3A_536 : memref<1x128xf32, #tpu.memory_space<vmem>> -> memref<128xf32, #tpu.memory_space<vmem>>
      %dma_wait3A_538 = arith.constant 0 : i32
      %dma_wait3A_539 = tpu.memref_slice %arg7[%dma_wait3A_534, %dma_wait3A_538] : memref<33x128xi32, #tpu.memory_space<vmem>> -> memref<1x128xi32, #tpu.memory_space<vmem>>
      %dma_wait3A_540 = tpu.memref_squeeze %dma_wait3A_539 : memref<1x128xi32, #tpu.memory_space<vmem>> -> memref<128xi32, #tpu.memory_space<vmem>>
      %dma_wait3A_541 = arith.constant 0 : i32
      %dma_wait3A_542 = tpu.memref_slice %arg10[%dma_wait3A_541] : memref<1638400xf32, #tpu.memory_space<vmem_shared>> -> memref<1638400xf32, #tpu.memory_space<vmem_shared>>
      tpu.wait_indirect_dma semaphore(%arg11 : memref<!tpu.dma_semaphore, #tpu.memory_space<semaphore_mem>>) src(%dma_wait3A_537 : memref<128xf32, #tpu.memory_space<vmem>>) dst(%dma_wait3A_542 : memref<1638400xf32, #tpu.memory_space<vmem_shared>>)
      %dma_wait3A_543 = arith.constant 25 : i32
      %dma_wait3A_544 = arith.constant 25 : i32
      %dma_wait3A_545 = arith.constant 0 : i32
      %dma_wait3A_546 = tpu.memref_slice %arg8[%dma_wait3A_543, %dma_wait3A_545] : memref<33x128xf32, #tpu.memory_space<vmem>> -> memref<1x128xf32, #tpu.memory_space<vmem>>
      %dma_wait3A_547 = tpu.memref_squeeze %dma_wait3A_546 : memref<1x128xf32, #tpu.memory_space<vmem>> -> memref<128xf32, #tpu.memory_space<vmem>>
      %dma_wait3A_548 = arith.constant 0 : i32
      %dma_wait3A_549 = tpu.memref_slice %arg7[%dma_wait3A_544, %dma_wait3A_548] : memref<33x128xi32, #tpu.memory_space<vmem>> -> memref<1x128xi32, #tpu.memory_space<vmem>>
      %dma_wait3A_550 = tpu.memref_squeeze %dma_wait3A_549 : memref<1x128xi32, #tpu.memory_space<vmem>> -> memref<128xi32, #tpu.memory_space<vmem>>
      %dma_wait3A_551 = arith.constant 0 : i32
      %dma_wait3A_552 = tpu.memref_slice %arg10[%dma_wait3A_551] : memref<1638400xf32, #tpu.memory_space<vmem_shared>> -> memref<1638400xf32, #tpu.memory_space<vmem_shared>>
      tpu.wait_indirect_dma semaphore(%arg11 : memref<!tpu.dma_semaphore, #tpu.memory_space<semaphore_mem>>) src(%dma_wait3A_547 : memref<128xf32, #tpu.memory_space<vmem>>) dst(%dma_wait3A_552 : memref<1638400xf32, #tpu.memory_space<vmem_shared>>)
      %dma_wait3A_553 = arith.constant 26 : i32
      %dma_wait3A_554 = arith.constant 26 : i32
      %dma_wait3A_555 = arith.constant 0 : i32
      %dma_wait3A_556 = tpu.memref_slice %arg8[%dma_wait3A_553, %dma_wait3A_555] : memref<33x128xf32, #tpu.memory_space<vmem>> -> memref<1x128xf32, #tpu.memory_space<vmem>>
      %dma_wait3A_557 = tpu.memref_squeeze %dma_wait3A_556 : memref<1x128xf32, #tpu.memory_space<vmem>> -> memref<128xf32, #tpu.memory_space<vmem>>
      %dma_wait3A_558 = arith.constant 0 : i32
      %dma_wait3A_559 = tpu.memref_slice %arg7[%dma_wait3A_554, %dma_wait3A_558] : memref<33x128xi32, #tpu.memory_space<vmem>> -> memref<1x128xi32, #tpu.memory_space<vmem>>
      %dma_wait3A_560 = tpu.memref_squeeze %dma_wait3A_559 : memref<1x128xi32, #tpu.memory_space<vmem>> -> memref<128xi32, #tpu.memory_space<vmem>>
      %dma_wait3A_561 = arith.constant 0 : i32
      %dma_wait3A_562 = tpu.memref_slice %arg10[%dma_wait3A_561] : memref<1638400xf32, #tpu.memory_space<vmem_shared>> -> memref<1638400xf32, #tpu.memory_space<vmem_shared>>
      tpu.wait_indirect_dma semaphore(%arg11 : memref<!tpu.dma_semaphore, #tpu.memory_space<semaphore_mem>>) src(%dma_wait3A_557 : memref<128xf32, #tpu.memory_space<vmem>>) dst(%dma_wait3A_562 : memref<1638400xf32, #tpu.memory_space<vmem_shared>>)
      %dma_wait3A_563 = arith.constant 27 : i32
      %dma_wait3A_564 = arith.constant 27 : i32
      %dma_wait3A_565 = arith.constant 0 : i32
      %dma_wait3A_566 = tpu.memref_slice %arg8[%dma_wait3A_563, %dma_wait3A_565] : memref<33x128xf32, #tpu.memory_space<vmem>> -> memref<1x128xf32, #tpu.memory_space<vmem>>
      %dma_wait3A_567 = tpu.memref_squeeze %dma_wait3A_566 : memref<1x128xf32, #tpu.memory_space<vmem>> -> memref<128xf32, #tpu.memory_space<vmem>>
      %dma_wait3A_568 = arith.constant 0 : i32
      %dma_wait3A_569 = tpu.memref_slice %arg7[%dma_wait3A_564, %dma_wait3A_568] : memref<33x128xi32, #tpu.memory_space<vmem>> -> memref<1x128xi32, #tpu.memory_space<vmem>>
      %dma_wait3A_570 = tpu.memref_squeeze %dma_wait3A_569 : memref<1x128xi32, #tpu.memory_space<vmem>> -> memref<128xi32, #tpu.memory_space<vmem>>
      %dma_wait3A_571 = arith.constant 0 : i32
      %dma_wait3A_572 = tpu.memref_slice %arg10[%dma_wait3A_571] : memref<1638400xf32, #tpu.memory_space<vmem_shared>> -> memref<1638400xf32, #tpu.memory_space<vmem_shared>>
      tpu.wait_indirect_dma semaphore(%arg11 : memref<!tpu.dma_semaphore, #tpu.memory_space<semaphore_mem>>) src(%dma_wait3A_567 : memref<128xf32, #tpu.memory_space<vmem>>) dst(%dma_wait3A_572 : memref<1638400xf32, #tpu.memory_space<vmem_shared>>)
      %dma_wait3A_573 = arith.constant 28 : i32
      %dma_wait3A_574 = arith.constant 28 : i32
      %dma_wait3A_575 = arith.constant 0 : i32
      %dma_wait3A_576 = tpu.memref_slice %arg8[%dma_wait3A_573, %dma_wait3A_575] : memref<33x128xf32, #tpu.memory_space<vmem>> -> memref<1x128xf32, #tpu.memory_space<vmem>>
      %dma_wait3A_577 = tpu.memref_squeeze %dma_wait3A_576 : memref<1x128xf32, #tpu.memory_space<vmem>> -> memref<128xf32, #tpu.memory_space<vmem>>
      %dma_wait3A_578 = arith.constant 0 : i32
      %dma_wait3A_579 = tpu.memref_slice %arg7[%dma_wait3A_574, %dma_wait3A_578] : memref<33x128xi32, #tpu.memory_space<vmem>> -> memref<1x128xi32, #tpu.memory_space<vmem>>
      %dma_wait3A_580 = tpu.memref_squeeze %dma_wait3A_579 : memref<1x128xi32, #tpu.memory_space<vmem>> -> memref<128xi32, #tpu.memory_space<vmem>>
      %dma_wait3A_581 = arith.constant 0 : i32
      %dma_wait3A_582 = tpu.memref_slice %arg10[%dma_wait3A_581] : memref<1638400xf32, #tpu.memory_space<vmem_shared>> -> memref<1638400xf32, #tpu.memory_space<vmem_shared>>
      tpu.wait_indirect_dma semaphore(%arg11 : memref<!tpu.dma_semaphore, #tpu.memory_space<semaphore_mem>>) src(%dma_wait3A_577 : memref<128xf32, #tpu.memory_space<vmem>>) dst(%dma_wait3A_582 : memref<1638400xf32, #tpu.memory_space<vmem_shared>>)
      %dma_wait3A_583 = arith.constant 29 : i32
      %dma_wait3A_584 = arith.constant 29 : i32
      %dma_wait3A_585 = arith.constant 0 : i32
      %dma_wait3A_586 = tpu.memref_slice %arg8[%dma_wait3A_583, %dma_wait3A_585] : memref<33x128xf32, #tpu.memory_space<vmem>> -> memref<1x128xf32, #tpu.memory_space<vmem>>
      %dma_wait3A_587 = tpu.memref_squeeze %dma_wait3A_586 : memref<1x128xf32, #tpu.memory_space<vmem>> -> memref<128xf32, #tpu.memory_space<vmem>>
      %dma_wait3A_588 = arith.constant 0 : i32
      %dma_wait3A_589 = tpu.memref_slice %arg7[%dma_wait3A_584, %dma_wait3A_588] : memref<33x128xi32, #tpu.memory_space<vmem>> -> memref<1x128xi32, #tpu.memory_space<vmem>>
      %dma_wait3A_590 = tpu.memref_squeeze %dma_wait3A_589 : memref<1x128xi32, #tpu.memory_space<vmem>> -> memref<128xi32, #tpu.memory_space<vmem>>
      %dma_wait3A_591 = arith.constant 0 : i32
      %dma_wait3A_592 = tpu.memref_slice %arg10[%dma_wait3A_591] : memref<1638400xf32, #tpu.memory_space<vmem_shared>> -> memref<1638400xf32, #tpu.memory_space<vmem_shared>>
      tpu.wait_indirect_dma semaphore(%arg11 : memref<!tpu.dma_semaphore, #tpu.memory_space<semaphore_mem>>) src(%dma_wait3A_587 : memref<128xf32, #tpu.memory_space<vmem>>) dst(%dma_wait3A_592 : memref<1638400xf32, #tpu.memory_space<vmem_shared>>)
      %dma_wait3A_593 = arith.constant 30 : i32
      %dma_wait3A_594 = arith.constant 30 : i32
      %dma_wait3A_595 = arith.constant 0 : i32
      %dma_wait3A_596 = tpu.memref_slice %arg8[%dma_wait3A_593, %dma_wait3A_595] : memref<33x128xf32, #tpu.memory_space<vmem>> -> memref<1x128xf32, #tpu.memory_space<vmem>>
      %dma_wait3A_597 = tpu.memref_squeeze %dma_wait3A_596 : memref<1x128xf32, #tpu.memory_space<vmem>> -> memref<128xf32, #tpu.memory_space<vmem>>
      %dma_wait3A_598 = arith.constant 0 : i32
      %dma_wait3A_599 = tpu.memref_slice %arg7[%dma_wait3A_594, %dma_wait3A_598] : memref<33x128xi32, #tpu.memory_space<vmem>> -> memref<1x128xi32, #tpu.memory_space<vmem>>
      %dma_wait3A_600 = tpu.memref_squeeze %dma_wait3A_599 : memref<1x128xi32, #tpu.memory_space<vmem>> -> memref<128xi32, #tpu.memory_space<vmem>>
      %dma_wait3A_601 = arith.constant 0 : i32
      %dma_wait3A_602 = tpu.memref_slice %arg10[%dma_wait3A_601] : memref<1638400xf32, #tpu.memory_space<vmem_shared>> -> memref<1638400xf32, #tpu.memory_space<vmem_shared>>
      tpu.wait_indirect_dma semaphore(%arg11 : memref<!tpu.dma_semaphore, #tpu.memory_space<semaphore_mem>>) src(%dma_wait3A_597 : memref<128xf32, #tpu.memory_space<vmem>>) dst(%dma_wait3A_602 : memref<1638400xf32, #tpu.memory_space<vmem_shared>>)
      %dma_wait3A_603 = arith.constant 31 : i32
      %dma_wait3A_604 = arith.constant 31 : i32
      %dma_wait3A_605 = arith.constant 0 : i32
      %dma_wait3A_606 = tpu.memref_slice %arg8[%dma_wait3A_603, %dma_wait3A_605] : memref<33x128xf32, #tpu.memory_space<vmem>> -> memref<1x128xf32, #tpu.memory_space<vmem>>
      %dma_wait3A_607 = tpu.memref_squeeze %dma_wait3A_606 : memref<1x128xf32, #tpu.memory_space<vmem>> -> memref<128xf32, #tpu.memory_space<vmem>>
      %dma_wait3A_608 = arith.constant 0 : i32
      %dma_wait3A_609 = tpu.memref_slice %arg7[%dma_wait3A_604, %dma_wait3A_608] : memref<33x128xi32, #tpu.memory_space<vmem>> -> memref<1x128xi32, #tpu.memory_space<vmem>>
      %dma_wait3A_610 = tpu.memref_squeeze %dma_wait3A_609 : memref<1x128xi32, #tpu.memory_space<vmem>> -> memref<128xi32, #tpu.memory_space<vmem>>
      %dma_wait3A_611 = arith.constant 0 : i32
      %dma_wait3A_612 = tpu.memref_slice %arg10[%dma_wait3A_611] : memref<1638400xf32, #tpu.memory_space<vmem_shared>> -> memref<1638400xf32, #tpu.memory_space<vmem_shared>>
      tpu.wait_indirect_dma semaphore(%arg11 : memref<!tpu.dma_semaphore, #tpu.memory_space<semaphore_mem>>) src(%dma_wait3A_607 : memref<128xf32, #tpu.memory_space<vmem>>) dst(%dma_wait3A_612 : memref<1638400xf32, #tpu.memory_space<vmem_shared>>)
      %dma_wait3A_613 = arith.constant 32 : i32
      %dma_wait3A_614 = arith.constant 32 : i32
      %dma_wait3A_615 = arith.constant 0 : i32
      %dma_wait3A_616 = tpu.memref_slice %arg8[%dma_wait3A_613, %dma_wait3A_615] : memref<33x128xf32, #tpu.memory_space<vmem>> -> memref<1x128xf32, #tpu.memory_space<vmem>>
      %dma_wait3A_617 = tpu.memref_squeeze %dma_wait3A_616 : memref<1x128xf32, #tpu.memory_space<vmem>> -> memref<128xf32, #tpu.memory_space<vmem>>
      %dma_wait3A_618 = arith.constant 0 : i32
      %dma_wait3A_619 = tpu.memref_slice %arg7[%dma_wait3A_614, %dma_wait3A_618] : memref<33x128xi32, #tpu.memory_space<vmem>> -> memref<1x128xi32, #tpu.memory_space<vmem>>
      %dma_wait3A_620 = tpu.memref_squeeze %dma_wait3A_619 : memref<1x128xi32, #tpu.memory_space<vmem>> -> memref<128xi32, #tpu.memory_space<vmem>>
      %dma_wait3A_621 = arith.constant 0 : i32
      %dma_wait3A_622 = tpu.memref_slice %arg10[%dma_wait3A_621] : memref<1638400xf32, #tpu.memory_space<vmem_shared>> -> memref<1638400xf32, #tpu.memory_space<vmem_shared>>
      tpu.wait_indirect_dma semaphore(%arg11 : memref<!tpu.dma_semaphore, #tpu.memory_space<semaphore_mem>>) src(%dma_wait3A_617 : memref<128xf32, #tpu.memory_space<vmem>>) dst(%dma_wait3A_622 : memref<1638400xf32, #tpu.memory_space<vmem_shared>>)
    }
    %while3A_152 = arith.constant 1 : i32
    scf.for %while3A_173 = %while3A_150 to %while3A_146 step %while3A_152  : i32 {
      %mul3A_174 = arith.constant 32 : i32
      %mul3A_175 = arith.muli %mul3A_174, %while3A_173 : i32
      %add3A_176 = arith.addi %add3A, %mul3A_175 : i32
      %dma_wait3A_177 = arith.constant 0 : i32
      %dma_wait3A_178 = tpu.memref_slice %arg2[%dma_wait3A_177] : memref<2000000xi32, #tpu.memory_space<hbm>> -> memref<4104xi32, #tpu.memory_space<hbm>>
      %dma_wait3A_179 = arith.constant 0 : i32
      %dma_wait3A_180 = tpu.memref_slice %arg2[%dma_wait3A_179] : memref<2000000xi32, #tpu.memory_space<hbm>> -> memref<4104xi32, #tpu.memory_space<hbm>>
      tpu.wait_dma2 semaphore(%arg12 : memref<!tpu.dma_semaphore, #tpu.memory_space<semaphore_mem>>) src(%dma_wait3A_180 : memref<4104xi32, #tpu.memory_space<hbm>>) dst(%arg5 : memref<4104xi32, #tpu.memory_space<vmem>>)
      %dma_wait3A_181 = arith.constant 0 : i32
      %dma_wait3A_182 = tpu.memref_slice %arg3[%dma_wait3A_181] : memref<2000000xi32, #tpu.memory_space<hbm>> -> memref<4104xi32, #tpu.memory_space<hbm>>
      %dma_wait3A_183 = arith.constant 0 : i32
      %dma_wait3A_184 = tpu.memref_slice %arg3[%dma_wait3A_183] : memref<2000000xi32, #tpu.memory_space<hbm>> -> memref<4104xi32, #tpu.memory_space<hbm>>
      tpu.wait_dma2 semaphore(%arg12 : memref<!tpu.dma_semaphore, #tpu.memory_space<semaphore_mem>>) src(%dma_wait3A_184 : memref<4104xi32, #tpu.memory_space<hbm>>) dst(%arg6 : memref<4104xi32, #tpu.memory_space<vmem>>)
      %mul3A_185 = arith.constant 4096 : i32
      %mul3A_186 = arith.muli %add3A_176, %mul3A_185 : i32
      %mul3A_187 = arith.constant 4096 : i32
      %mul3A_188 = arith.muli %add3A_176, %mul3A_187 : i32
      %min3A_189 = arith.constant 1995896 : i32
      %min3A_190 = arith.minsi %mul3A_188, %min3A_189 : i32
      %sub3A_191 = arith.subi %mul3A_186, %min3A_190 : i32
      %scan3A_192 = arith.constant 0 : i32
      %scan3A_193 = arith.constant 0 : i32
      %scan3A_194 = arith.constant 32 : i32
      %scan3A_195 = arith.addi %scan3A_193, %scan3A_194 : i32
      %scan3A_196 = arith.constant 1 : i32
      scf.for %scan3A_623 = %scan3A_193 to %scan3A_195 step %scan3A_196  : i32 {
        %mul3A_624 = arith.constant 128 : i32
        %mul3A_625 = arith.muli %scan3A_623, %mul3A_624 : i32
        %add3A_626 = arith.constant 0 : i32
        %add3A_627 = arith.addi %mul3A_625, %add3A_626 : i32
        %get3A_628 = arith.index_cast %add3A_627 : i32 to index
        %get3A_629 = tpu.vector_load %arg5[%get3A_628] {strides = array<i32>} : memref<4104xi32, #tpu.memory_space<vmem>>, vector<16xi32>,
        %get3A_630 = vector.shape_cast %get3A_629 : vector<16xi32> to vector<16xi32>
        %add3A_631 = arith.constant 1 : i32
        %add3A_632 = arith.addi %add3A_627, %add3A_631 : i32
        %get3A_633 = arith.index_cast %add3A_632 : i32 to index
        %get3A_634 = tpu.vector_load %arg5[%get3A_633] {strides = array<i32>} : memref<4104xi32, #tpu.memory_space<vmem>>, vector<16xi32>,
        %get3A_635 = vector.shape_cast %get3A_634 : vector<16xi32> to vector<16xi32>
        %get3A_636 = arith.index_cast %add3A_627 : i32 to index
        %get3A_637 = tpu.vector_load %arg6[%get3A_636] {strides = array<i32>} : memref<4104xi32, #tpu.memory_space<vmem>>, vector<16xi32>,
        %get3A_638 = vector.shape_cast %get3A_637 : vector<16xi32> to vector<16xi32>
        %add3A_639 = arith.constant 1 : i32
        %add3A_640 = arith.addi %add3A_627, %add3A_639 : i32
        %get3A_641 = arith.index_cast %add3A_640 : i32 to index
        %get3A_642 = tpu.vector_load %arg6[%get3A_641] {strides = array<i32>} : memref<4104xi32, #tpu.memory_space<vmem>>, vector<16xi32>,
        %get3A_643 = vector.shape_cast %get3A_642 : vector<16xi32> to vector<16xi32>
        %sub3A_644 = arith.subi %add3A_627, %sub3A_191 : i32
        %add3A_645 = arith.constant 1 : i32
        %add3A_646 = arith.addi %sub3A_644, %add3A_645 : i32
        %add3A_647 = vector.broadcast %add3A_646 : i32 to vector<16xi32>
        %add3A_648 = arith.addi %add3A_647, %iota3A : vector<16xi32>
        %max3A_649 = vector.broadcast %while3A_142 : i32 to vector<16xi32>
        %max3A_650 = arith.maxsi %max3A_649, %add3A_648 : vector<16xi32>
        %min3A_651 = vector.broadcast %while3A_143 : i32 to vector<16xi32>
        %min3A_652 = arith.minsi %min3A_651, %max3A_650 : vector<16xi32>
        %sub3A_653 = arith.subi %get3A_643, %get3A_638 : vector<16xi32>
        %max3A_654 = vector.broadcast %while3A_142 : i32 to vector<16xi32>
        %max3A_655 = arith.maxsi %max3A_654, %sub3A_653 : vector<16xi32>
        %min3A_656 = vector.broadcast %while3A_143 : i32 to vector<16xi32>
        %min3A_657 = arith.minsi %min3A_656, %max3A_655 : vector<16xi32>
        %sub3A_658 = vector.broadcast %while3A_143 : i32 to vector<16xi32>
        %sub3A_659 = arith.subi %sub3A_658, %min3A_657 : vector<16xi32>
        %mul3A_660 = arith.muli %min3A_652, %sub3A_659 : vector<16xi32>
        %convert_element_type3A_661 = arith.sitofp %mul3A_660 : vector<16xi32> to vector<16xf32>
        %mul3A_662 = arith.constant 400 : i32
        %mul3A_663 = vector.broadcast %mul3A_662 : i32 to vector<16xi32>
        %mul3A_664 = arith.muli %get3A_638, %mul3A_663 : vector<16xi32>
        %mul3A_665 = arith.constant 20 : i32
        %mul3A_666 = vector.broadcast %mul3A_665 : i32 to vector<16xi32>
        %mul3A_667 = arith.muli %get3A_630, %mul3A_666 : vector<16xi32>
        %add3A_668 = arith.addi %mul3A_667, %get3A_635 : vector<16xi32>
        %add3A_669 = arith.addi %mul3A_664, %add3A_668 : vector<16xi32>
        %mul3A_670 = arith.muli %add3A_669, %min3A_652 : vector<16xi32>
        %swap3A_671 = arith.index_cast %scan3A_623 : i32 to index
        %swap3A_672 = arith.constant 0 : index
        %swap3A_673 = tpu.vector_load %arg7[%swap3A_671, %swap3A_672] {strides = array<i32>} : memref<33x128xi32, #tpu.memory_space<vmem>>, vector<1x16xi32>,
        %swap3A_674 = vector.shape_cast %swap3A_673 : vector<1x16xi32> to vector<16xi32>
        %swap3A_675 = vector.shape_cast %mul3A_670 : vector<16xi32> to vector<1x16xi32>
        tpu.vector_store %arg7[%swap3A_671, %swap3A_672], %swap3A_675 {strides = array<i32>} : memref<33x128xi32, #tpu.memory_space<vmem>>, vector<1x16xi32>,
        %swap3A_676 = arith.index_cast %scan3A_623 : i32 to index
        %swap3A_677 = arith.constant 0 : index
        %swap3A_678 = tpu.vector_load %arg8[%swap3A_676, %swap3A_677] {strides = array<i32>} : memref<33x128xf32, #tpu.memory_space<vmem>>, vector<1x16xf32>,
        %swap3A_679 = vector.shape_cast %swap3A_678 : vector<1x16xf32> to vector<16xf32>
        %swap3A_680 = vector.shape_cast %convert_element_type3A_661 : vector<16xf32> to vector<1x16xf32>
        tpu.vector_store %arg8[%swap3A_676, %swap3A_677], %swap3A_680 {strides = array<i32>} : memref<33x128xf32, #tpu.memory_space<vmem>>, vector<1x16xf32>,
        %add3A_681 = arith.constant 16 : i32
        %add3A_682 = arith.addi %mul3A_625, %add3A_681 : i32
        %get3A_683 = arith.index_cast %add3A_682 : i32 to index
        %get3A_684 = tpu.vector_load %arg5[%get3A_683] {strides = array<i32>} : memref<4104xi32, #tpu.memory_space<vmem>>, vector<16xi32>,
        %get3A_685 = vector.shape_cast %get3A_684 : vector<16xi32> to vector<16xi32>
        %add3A_686 = arith.constant 1 : i32
        %add3A_687 = arith.addi %add3A_682, %add3A_686 : i32
        %get3A_688 = arith.index_cast %add3A_687 : i32 to index
        %get3A_689 = tpu.vector_load %arg5[%get3A_688] {strides = array<i32>} : memref<4104xi32, #tpu.memory_space<vmem>>, vector<16xi32>,
        %get3A_690 = vector.shape_cast %get3A_689 : vector<16xi32> to vector<16xi32>
        %get3A_691 = arith.index_cast %add3A_682 : i32 to index
        %get3A_692 = tpu.vector_load %arg6[%get3A_691] {strides = array<i32>} : memref<4104xi32, #tpu.memory_space<vmem>>, vector<16xi32>,
        %get3A_693 = vector.shape_cast %get3A_692 : vector<16xi32> to vector<16xi32>
        %add3A_694 = arith.constant 1 : i32
        %add3A_695 = arith.addi %add3A_682, %add3A_694 : i32
        %get3A_696 = arith.index_cast %add3A_695 : i32 to index
        %get3A_697 = tpu.vector_load %arg6[%get3A_696] {strides = array<i32>} : memref<4104xi32, #tpu.memory_space<vmem>>, vector<16xi32>,
        %get3A_698 = vector.shape_cast %get3A_697 : vector<16xi32> to vector<16xi32>
        %sub3A_699 = arith.subi %add3A_682, %sub3A_191 : i32
        %add3A_700 = arith.constant 1 : i32
        %add3A_701 = arith.addi %sub3A_699, %add3A_700 : i32
        %add3A_702 = vector.broadcast %add3A_701 : i32 to vector<16xi32>
        %add3A_703 = arith.addi %add3A_702, %iota3A : vector<16xi32>
        %max3A_704 = vector.broadcast %while3A_142 : i32 to vector<16xi32>
        %max3A_705 = arith.maxsi %max3A_704, %add3A_703 : vector<16xi32>
        %min3A_706 = vector.broadcast %while3A_143 : i32 to vector<16xi32>
        %min3A_707 = arith.minsi %min3A_706, %max3A_705 : vector<16xi32>
        %sub3A_708 = arith.subi %get3A_698, %get3A_693 : vector<16xi32>
        %max3A_709 = vector.broadcast %while3A_142 : i32 to vector<16xi32>
        %max3A_710 = arith.maxsi %max3A_709, %sub3A_708 : vector<16xi32>
        %min3A_711 = vector.broadcast %while3A_143 : i32 to vector<16xi32>
        %min3A_712 = arith.minsi %min3A_711, %max3A_710 : vector<16xi32>
        %sub3A_713 = vector.broadcast %while3A_143 : i32 to vector<16xi32>
        %sub3A_714 = arith.subi %sub3A_713, %min3A_712 : vector<16xi32>
        %mul3A_715 = arith.muli %min3A_707, %sub3A_714 : vector<16xi32>
        %convert_element_type3A_716 = arith.sitofp %mul3A_715 : vector<16xi32> to vector<16xf32>
        %mul3A_717 = arith.constant 400 : i32
        %mul3A_718 = vector.broadcast %mul3A_717 : i32 to vector<16xi32>
        %mul3A_719 = arith.muli %get3A_693, %mul3A_718 : vector<16xi32>
        %mul3A_720 = arith.constant 20 : i32
        %mul3A_721 = vector.broadcast %mul3A_720 : i32 to vector<16xi32>
        %mul3A_722 = arith.muli %get3A_685, %mul3A_721 : vector<16xi32>
        %add3A_723 = arith.addi %mul3A_722, %get3A_690 : vector<16xi32>
        %add3A_724 = arith.addi %mul3A_719, %add3A_723 : vector<16xi32>
        %mul3A_725 = arith.muli %add3A_724, %min3A_707 : vector<16xi32>
        %swap3A_726 = arith.index_cast %scan3A_623 : i32 to index
        %swap3A_727 = arith.constant 16 : index
        %swap3A_728 = tpu.vector_load %arg7[%swap3A_726, %swap3A_727] {strides = array<i32>} : memref<33x128xi32, #tpu.memory_space<vmem>>, vector<1x16xi32>,
        %swap3A_729 = vector.shape_cast %swap3A_728 : vector<1x16xi32> to vector<16xi32>
        %swap3A_730 = vector.shape_cast %mul3A_725 : vector<16xi32> to vector<1x16xi32>
        tpu.vector_store %arg7[%swap3A_726, %swap3A_727], %swap3A_730 {strides = array<i32>} : memref<33x128xi32, #tpu.memory_space<vmem>>, vector<1x16xi32>,
        %swap3A_731 = arith.index_cast %scan3A_623 : i32 to index
        %swap3A_732 = arith.constant 16 : index
        %swap3A_733 = tpu.vector_load %arg8[%swap3A_731, %swap3A_732] {strides = array<i32>} : memref<33x128xf32, #tpu.memory_space<vmem>>, vector<1x16xf32>,
        %swap3A_734 = vector.shape_cast %swap3A_733 : vector<1x16xf32> to vector<16xf32>
        %swap3A_735 = vector.shape_cast %convert_element_type3A_716 : vector<16xf32> to vector<1x16xf32>
        tpu.vector_store %arg8[%swap3A_731, %swap3A_732], %swap3A_735 {strides = array<i32>} : memref<33x128xf32, #tpu.memory_space<vmem>>, vector<1x16xf32>,
        %add3A_736 = arith.constant 32 : i32
        %add3A_737 = arith.addi %mul3A_625, %add3A_736 : i32
        %get3A_738 = arith.index_cast %add3A_737 : i32 to index
        %get3A_739 = tpu.vector_load %arg5[%get3A_738] {strides = array<i32>} : memref<4104xi32, #tpu.memory_space<vmem>>, vector<16xi32>,
        %get3A_740 = vector.shape_cast %get3A_739 : vector<16xi32> to vector<16xi32>
        %add3A_741 = arith.constant 1 : i32
        %add3A_742 = arith.addi %add3A_737, %add3A_741 : i32
        %get3A_743 = arith.index_cast %add3A_742 : i32 to index
        %get3A_744 = tpu.vector_load %arg5[%get3A_743] {strides = array<i32>} : memref<4104xi32, #tpu.memory_space<vmem>>, vector<16xi32>,
        %get3A_745 = vector.shape_cast %get3A_744 : vector<16xi32> to vector<16xi32>
        %get3A_746 = arith.index_cast %add3A_737 : i32 to index
        %get3A_747 = tpu.vector_load %arg6[%get3A_746] {strides = array<i32>} : memref<4104xi32, #tpu.memory_space<vmem>>, vector<16xi32>,
        %get3A_748 = vector.shape_cast %get3A_747 : vector<16xi32> to vector<16xi32>
        %add3A_749 = arith.constant 1 : i32
        %add3A_750 = arith.addi %add3A_737, %add3A_749 : i32
        %get3A_751 = arith.index_cast %add3A_750 : i32 to index
        %get3A_752 = tpu.vector_load %arg6[%get3A_751] {strides = array<i32>} : memref<4104xi32, #tpu.memory_space<vmem>>, vector<16xi32>,
        %get3A_753 = vector.shape_cast %get3A_752 : vector<16xi32> to vector<16xi32>
        %sub3A_754 = arith.subi %add3A_737, %sub3A_191 : i32
        %add3A_755 = arith.constant 1 : i32
        %add3A_756 = arith.addi %sub3A_754, %add3A_755 : i32
        %add3A_757 = vector.broadcast %add3A_756 : i32 to vector<16xi32>
        %add3A_758 = arith.addi %add3A_757, %iota3A : vector<16xi32>
        %max3A_759 = vector.broadcast %while3A_142 : i32 to vector<16xi32>
        %max3A_760 = arith.maxsi %max3A_759, %add3A_758 : vector<16xi32>
        %min3A_761 = vector.broadcast %while3A_143 : i32 to vector<16xi32>
        %min3A_762 = arith.minsi %min3A_761, %max3A_760 : vector<16xi32>
        %sub3A_763 = arith.subi %get3A_753, %get3A_748 : vector<16xi32>
        %max3A_764 = vector.broadcast %while3A_142 : i32 to vector<16xi32>
        %max3A_765 = arith.maxsi %max3A_764, %sub3A_763 : vector<16xi32>
        %min3A_766 = vector.broadcast %while3A_143 : i32 to vector<16xi32>
        %min3A_767 = arith.minsi %min3A_766, %max3A_765 : vector<16xi32>
        %sub3A_768 = vector.broadcast %while3A_143 : i32 to vector<16xi32>
        %sub3A_769 = arith.subi %sub3A_768, %min3A_767 : vector<16xi32>
        %mul3A_770 = arith.muli %min3A_762, %sub3A_769 : vector<16xi32>
        %convert_element_type3A_771 = arith.sitofp %mul3A_770 : vector<16xi32> to vector<16xf32>
        %mul3A_772 = arith.constant 400 : i32
        %mul3A_773 = vector.broadcast %mul3A_772 : i32 to vector<16xi32>
        %mul3A_774 = arith.muli %get3A_748, %mul3A_773 : vector<16xi32>
        %mul3A_775 = arith.constant 20 : i32
        %mul3A_776 = vector.broadcast %mul3A_775 : i32 to vector<16xi32>
        %mul3A_777 = arith.muli %get3A_740, %mul3A_776 : vector<16xi32>
        %add3A_778 = arith.addi %mul3A_777, %get3A_745 : vector<16xi32>
        %add3A_779 = arith.addi %mul3A_774, %add3A_778 : vector<16xi32>
        %mul3A_780 = arith.muli %add3A_779, %min3A_762 : vector<16xi32>
        %swap3A_781 = arith.index_cast %scan3A_623 : i32 to index
        %swap3A_782 = arith.constant 32 : index
        %swap3A_783 = tpu.vector_load %arg7[%swap3A_781, %swap3A_782] {strides = array<i32>} : memref<33x128xi32, #tpu.memory_space<vmem>>, vector<1x16xi32>,
        %swap3A_784 = vector.shape_cast %swap3A_783 : vector<1x16xi32> to vector<16xi32>
        %swap3A_785 = vector.shape_cast %mul3A_780 : vector<16xi32> to vector<1x16xi32>
        tpu.vector_store %arg7[%swap3A_781, %swap3A_782], %swap3A_785 {strides = array<i32>} : memref<33x128xi32, #tpu.memory_space<vmem>>, vector<1x16xi32>,
        %swap3A_786 = arith.index_cast %scan3A_623 : i32 to index
        %swap3A_787 = arith.constant 32 : index
        %swap3A_788 = tpu.vector_load %arg8[%swap3A_786, %swap3A_787] {strides = array<i32>} : memref<33x128xf32, #tpu.memory_space<vmem>>, vector<1x16xf32>,
        %swap3A_789 = vector.shape_cast %swap3A_788 : vector<1x16xf32> to vector<16xf32>
        %swap3A_790 = vector.shape_cast %convert_element_type3A_771 : vector<16xf32> to vector<1x16xf32>
        tpu.vector_store %arg8[%swap3A_786, %swap3A_787], %swap3A_790 {strides = array<i32>} : memref<33x128xf32, #tpu.memory_space<vmem>>, vector<1x16xf32>,
        %add3A_791 = arith.constant 48 : i32
        %add3A_792 = arith.addi %mul3A_625, %add3A_791 : i32
        %get3A_793 = arith.index_cast %add3A_792 : i32 to index
        %get3A_794 = tpu.vector_load %arg5[%get3A_793] {strides = array<i32>} : memref<4104xi32, #tpu.memory_space<vmem>>, vector<16xi32>,
        %get3A_795 = vector.shape_cast %get3A_794 : vector<16xi32> to vector<16xi32>
        %add3A_796 = arith.constant 1 : i32
        %add3A_797 = arith.addi %add3A_792, %add3A_796 : i32
        %get3A_798 = arith.index_cast %add3A_797 : i32 to index
        %get3A_799 = tpu.vector_load %arg5[%get3A_798] {strides = array<i32>} : memref<4104xi32, #tpu.memory_space<vmem>>, vector<16xi32>,
        %get3A_800 = vector.shape_cast %get3A_799 : vector<16xi32> to vector<16xi32>
        %get3A_801 = arith.index_cast %add3A_792 : i32 to index
        %get3A_802 = tpu.vector_load %arg6[%get3A_801] {strides = array<i32>} : memref<4104xi32, #tpu.memory_space<vmem>>, vector<16xi32>,
        %get3A_803 = vector.shape_cast %get3A_802 : vector<16xi32> to vector<16xi32>
        %add3A_804 = arith.constant 1 : i32
        %add3A_805 = arith.addi %add3A_792, %add3A_804 : i32
        %get3A_806 = arith.index_cast %add3A_805 : i32 to index
        %get3A_807 = tpu.vector_load %arg6[%get3A_806] {strides = array<i32>} : memref<4104xi32, #tpu.memory_space<vmem>>, vector<16xi32>,
        %get3A_808 = vector.shape_cast %get3A_807 : vector<16xi32> to vector<16xi32>
        %sub3A_809 = arith.subi %add3A_792, %sub3A_191 : i32
        %add3A_810 = arith.constant 1 : i32
        %add3A_811 = arith.addi %sub3A_809, %add3A_810 : i32
        %add3A_812 = vector.broadcast %add3A_811 : i32 to vector<16xi32>
        %add3A_813 = arith.addi %add3A_812, %iota3A : vector<16xi32>
        %max3A_814 = vector.broadcast %while3A_142 : i32 to vector<16xi32>
        %max3A_815 = arith.maxsi %max3A_814, %add3A_813 : vector<16xi32>
        %min3A_816 = vector.broadcast %while3A_143 : i32 to vector<16xi32>
        %min3A_817 = arith.minsi %min3A_816, %max3A_815 : vector<16xi32>
        %sub3A_818 = arith.subi %get3A_808, %get3A_803 : vector<16xi32>
        %max3A_819 = vector.broadcast %while3A_142 : i32 to vector<16xi32>
        %max3A_820 = arith.maxsi %max3A_819, %sub3A_818 : vector<16xi32>
        %min3A_821 = vector.broadcast %while3A_143 : i32 to vector<16xi32>
        %min3A_822 = arith.minsi %min3A_821, %max3A_820 : vector<16xi32>
        %sub3A_823 = vector.broadcast %while3A_143 : i32 to vector<16xi32>
        %sub3A_824 = arith.subi %sub3A_823, %min3A_822 : vector<16xi32>
        %mul3A_825 = arith.muli %min3A_817, %sub3A_824 : vector<16xi32>
        %convert_element_type3A_826 = arith.sitofp %mul3A_825 : vector<16xi32> to vector<16xf32>
        %mul3A_827 = arith.constant 400 : i32
        %mul3A_828 = vector.broadcast %mul3A_827 : i32 to vector<16xi32>
        %mul3A_829 = arith.muli %get3A_803, %mul3A_828 : vector<16xi32>
        %mul3A_830 = arith.constant 20 : i32
        %mul3A_831 = vector.broadcast %mul3A_830 : i32 to vector<16xi32>
        %mul3A_832 = arith.muli %get3A_795, %mul3A_831 : vector<16xi32>
        %add3A_833 = arith.addi %mul3A_832, %get3A_800 : vector<16xi32>
        %add3A_834 = arith.addi %mul3A_829, %add3A_833 : vector<16xi32>
        %mul3A_835 = arith.muli %add3A_834, %min3A_817 : vector<16xi32>
        %swap3A_836 = arith.index_cast %scan3A_623 : i32 to index
        %swap3A_837 = arith.constant 48 : index
        %swap3A_838 = tpu.vector_load %arg7[%swap3A_836, %swap3A_837] {strides = array<i32>} : memref<33x128xi32, #tpu.memory_space<vmem>>, vector<1x16xi32>,
        %swap3A_839 = vector.shape_cast %swap3A_838 : vector<1x16xi32> to vector<16xi32>
        %swap3A_840 = vector.shape_cast %mul3A_835 : vector<16xi32> to vector<1x16xi32>
        tpu.vector_store %arg7[%swap3A_836, %swap3A_837], %swap3A_840 {strides = array<i32>} : memref<33x128xi32, #tpu.memory_space<vmem>>, vector<1x16xi32>,
        %swap3A_841 = arith.index_cast %scan3A_623 : i32 to index
        %swap3A_842 = arith.constant 48 : index
        %swap3A_843 = tpu.vector_load %arg8[%swap3A_841, %swap3A_842] {strides = array<i32>} : memref<33x128xf32, #tpu.memory_space<vmem>>, vector<1x16xf32>,
        %swap3A_844 = vector.shape_cast %swap3A_843 : vector<1x16xf32> to vector<16xf32>
        %swap3A_845 = vector.shape_cast %convert_element_type3A_826 : vector<16xf32> to vector<1x16xf32>
        tpu.vector_store %arg8[%swap3A_841, %swap3A_842], %swap3A_845 {strides = array<i32>} : memref<33x128xf32, #tpu.memory_space<vmem>>, vector<1x16xf32>,
        %add3A_846 = arith.constant 64 : i32
        %add3A_847 = arith.addi %mul3A_625, %add3A_846 : i32
        %get3A_848 = arith.index_cast %add3A_847 : i32 to index
        %get3A_849 = tpu.vector_load %arg5[%get3A_848] {strides = array<i32>} : memref<4104xi32, #tpu.memory_space<vmem>>, vector<16xi32>,
        %get3A_850 = vector.shape_cast %get3A_849 : vector<16xi32> to vector<16xi32>
        %add3A_851 = arith.constant 1 : i32
        %add3A_852 = arith.addi %add3A_847, %add3A_851 : i32
        %get3A_853 = arith.index_cast %add3A_852 : i32 to index
        %get3A_854 = tpu.vector_load %arg5[%get3A_853] {strides = array<i32>} : memref<4104xi32, #tpu.memory_space<vmem>>, vector<16xi32>,
        %get3A_855 = vector.shape_cast %get3A_854 : vector<16xi32> to vector<16xi32>
        %get3A_856 = arith.index_cast %add3A_847 : i32 to index
        %get3A_857 = tpu.vector_load %arg6[%get3A_856] {strides = array<i32>} : memref<4104xi32, #tpu.memory_space<vmem>>, vector<16xi32>,
        %get3A_858 = vector.shape_cast %get3A_857 : vector<16xi32> to vector<16xi32>
        %add3A_859 = arith.constant 1 : i32
        %add3A_860 = arith.addi %add3A_847, %add3A_859 : i32
        %get3A_861 = arith.index_cast %add3A_860 : i32 to index
        %get3A_862 = tpu.vector_load %arg6[%get3A_861] {strides = array<i32>} : memref<4104xi32, #tpu.memory_space<vmem>>, vector<16xi32>,
        %get3A_863 = vector.shape_cast %get3A_862 : vector<16xi32> to vector<16xi32>
        %sub3A_864 = arith.subi %add3A_847, %sub3A_191 : i32
        %add3A_865 = arith.constant 1 : i32
        %add3A_866 = arith.addi %sub3A_864, %add3A_865 : i32
        %add3A_867 = vector.broadcast %add3A_866 : i32 to vector<16xi32>
        %add3A_868 = arith.addi %add3A_867, %iota3A : vector<16xi32>
        %max3A_869 = vector.broadcast %while3A_142 : i32 to vector<16xi32>
        %max3A_870 = arith.maxsi %max3A_869, %add3A_868 : vector<16xi32>
        %min3A_871 = vector.broadcast %while3A_143 : i32 to vector<16xi32>
        %min3A_872 = arith.minsi %min3A_871, %max3A_870 : vector<16xi32>
        %sub3A_873 = arith.subi %get3A_863, %get3A_858 : vector<16xi32>
        %max3A_874 = vector.broadcast %while3A_142 : i32 to vector<16xi32>
        %max3A_875 = arith.maxsi %max3A_874, %sub3A_873 : vector<16xi32>
        %min3A_876 = vector.broadcast %while3A_143 : i32 to vector<16xi32>
        %min3A_877 = arith.minsi %min3A_876, %max3A_875 : vector<16xi32>
        %sub3A_878 = vector.broadcast %while3A_143 : i32 to vector<16xi32>
        %sub3A_879 = arith.subi %sub3A_878, %min3A_877 : vector<16xi32>
        %mul3A_880 = arith.muli %min3A_872, %sub3A_879 : vector<16xi32>
        %convert_element_type3A_881 = arith.sitofp %mul3A_880 : vector<16xi32> to vector<16xf32>
        %mul3A_882 = arith.constant 400 : i32
        %mul3A_883 = vector.broadcast %mul3A_882 : i32 to vector<16xi32>
        %mul3A_884 = arith.muli %get3A_858, %mul3A_883 : vector<16xi32>
        %mul3A_885 = arith.constant 20 : i32
        %mul3A_886 = vector.broadcast %mul3A_885 : i32 to vector<16xi32>
        %mul3A_887 = arith.muli %get3A_850, %mul3A_886 : vector<16xi32>
        %add3A_888 = arith.addi %mul3A_887, %get3A_855 : vector<16xi32>
        %add3A_889 = arith.addi %mul3A_884, %add3A_888 : vector<16xi32>
        %mul3A_890 = arith.muli %add3A_889, %min3A_872 : vector<16xi32>
        %swap3A_891 = arith.index_cast %scan3A_623 : i32 to index
        %swap3A_892 = arith.constant 64 : index
        %swap3A_893 = tpu.vector_load %arg7[%swap3A_891, %swap3A_892] {strides = array<i32>} : memref<33x128xi32, #tpu.memory_space<vmem>>, vector<1x16xi32>,
        %swap3A_894 = vector.shape_cast %swap3A_893 : vector<1x16xi32> to vector<16xi32>
        %swap3A_895 = vector.shape_cast %mul3A_890 : vector<16xi32> to vector<1x16xi32>
        tpu.vector_store %arg7[%swap3A_891, %swap3A_892], %swap3A_895 {strides = array<i32>} : memref<33x128xi32, #tpu.memory_space<vmem>>, vector<1x16xi32>,
        %swap3A_896 = arith.index_cast %scan3A_623 : i32 to index
        %swap3A_897 = arith.constant 64 : index
        %swap3A_898 = tpu.vector_load %arg8[%swap3A_896, %swap3A_897] {strides = array<i32>} : memref<33x128xf32, #tpu.memory_space<vmem>>, vector<1x16xf32>,
        %swap3A_899 = vector.shape_cast %swap3A_898 : vector<1x16xf32> to vector<16xf32>
        %swap3A_900 = vector.shape_cast %convert_element_type3A_881 : vector<16xf32> to vector<1x16xf32>
        tpu.vector_store %arg8[%swap3A_896, %swap3A_897], %swap3A_900 {strides = array<i32>} : memref<33x128xf32, #tpu.memory_space<vmem>>, vector<1x16xf32>,
        %add3A_901 = arith.constant 80 : i32
        %add3A_902 = arith.addi %mul3A_625, %add3A_901 : i32
        %get3A_903 = arith.index_cast %add3A_902 : i32 to index
        %get3A_904 = tpu.vector_load %arg5[%get3A_903] {strides = array<i32>} : memref<4104xi32, #tpu.memory_space<vmem>>, vector<16xi32>,
        %get3A_905 = vector.shape_cast %get3A_904 : vector<16xi32> to vector<16xi32>
        %add3A_906 = arith.constant 1 : i32
        %add3A_907 = arith.addi %add3A_902, %add3A_906 : i32
        %get3A_908 = arith.index_cast %add3A_907 : i32 to index
        %get3A_909 = tpu.vector_load %arg5[%get3A_908] {strides = array<i32>} : memref<4104xi32, #tpu.memory_space<vmem>>, vector<16xi32>,
        %get3A_910 = vector.shape_cast %get3A_909 : vector<16xi32> to vector<16xi32>
        %get3A_911 = arith.index_cast %add3A_902 : i32 to index
        %get3A_912 = tpu.vector_load %arg6[%get3A_911] {strides = array<i32>} : memref<4104xi32, #tpu.memory_space<vmem>>, vector<16xi32>,
        %get3A_913 = vector.shape_cast %get3A_912 : vector<16xi32> to vector<16xi32>
        %add3A_914 = arith.constant 1 : i32
        %add3A_915 = arith.addi %add3A_902, %add3A_914 : i32
        %get3A_916 = arith.index_cast %add3A_915 : i32 to index
        %get3A_917 = tpu.vector_load %arg6[%get3A_916] {strides = array<i32>} : memref<4104xi32, #tpu.memory_space<vmem>>, vector<16xi32>,
        %get3A_918 = vector.shape_cast %get3A_917 : vector<16xi32> to vector<16xi32>
        %sub3A_919 = arith.subi %add3A_902, %sub3A_191 : i32
        %add3A_920 = arith.constant 1 : i32
        %add3A_921 = arith.addi %sub3A_919, %add3A_920 : i32
        %add3A_922 = vector.broadcast %add3A_921 : i32 to vector<16xi32>
        %add3A_923 = arith.addi %add3A_922, %iota3A : vector<16xi32>
        %max3A_924 = vector.broadcast %while3A_142 : i32 to vector<16xi32>
        %max3A_925 = arith.maxsi %max3A_924, %add3A_923 : vector<16xi32>
        %min3A_926 = vector.broadcast %while3A_143 : i32 to vector<16xi32>
        %min3A_927 = arith.minsi %min3A_926, %max3A_925 : vector<16xi32>
        %sub3A_928 = arith.subi %get3A_918, %get3A_913 : vector<16xi32>
        %max3A_929 = vector.broadcast %while3A_142 : i32 to vector<16xi32>
        %max3A_930 = arith.maxsi %max3A_929, %sub3A_928 : vector<16xi32>
        %min3A_931 = vector.broadcast %while3A_143 : i32 to vector<16xi32>
        %min3A_932 = arith.minsi %min3A_931, %max3A_930 : vector<16xi32>
        %sub3A_933 = vector.broadcast %while3A_143 : i32 to vector<16xi32>
        %sub3A_934 = arith.subi %sub3A_933, %min3A_932 : vector<16xi32>
        %mul3A_935 = arith.muli %min3A_927, %sub3A_934 : vector<16xi32>
        %convert_element_type3A_936 = arith.sitofp %mul3A_935 : vector<16xi32> to vector<16xf32>
        %mul3A_937 = arith.constant 400 : i32
        %mul3A_938 = vector.broadcast %mul3A_937 : i32 to vector<16xi32>
        %mul3A_939 = arith.muli %get3A_913, %mul3A_938 : vector<16xi32>
        %mul3A_940 = arith.constant 20 : i32
        %mul3A_941 = vector.broadcast %mul3A_940 : i32 to vector<16xi32>
        %mul3A_942 = arith.muli %get3A_905, %mul3A_941 : vector<16xi32>
        %add3A_943 = arith.addi %mul3A_942, %get3A_910 : vector<16xi32>
        %add3A_944 = arith.addi %mul3A_939, %add3A_943 : vector<16xi32>
        %mul3A_945 = arith.muli %add3A_944, %min3A_927 : vector<16xi32>
        %swap3A_946 = arith.index_cast %scan3A_623 : i32 to index
        %swap3A_947 = arith.constant 80 : index
        %swap3A_948 = tpu.vector_load %arg7[%swap3A_946, %swap3A_947] {strides = array<i32>} : memref<33x128xi32, #tpu.memory_space<vmem>>, vector<1x16xi32>,
        %swap3A_949 = vector.shape_cast %swap3A_948 : vector<1x16xi32> to vector<16xi32>
        %swap3A_950 = vector.shape_cast %mul3A_945 : vector<16xi32> to vector<1x16xi32>
        tpu.vector_store %arg7[%swap3A_946, %swap3A_947], %swap3A_950 {strides = array<i32>} : memref<33x128xi32, #tpu.memory_space<vmem>>, vector<1x16xi32>,
        %swap3A_951 = arith.index_cast %scan3A_623 : i32 to index
        %swap3A_952 = arith.constant 80 : index
        %swap3A_953 = tpu.vector_load %arg8[%swap3A_951, %swap3A_952] {strides = array<i32>} : memref<33x128xf32, #tpu.memory_space<vmem>>, vector<1x16xf32>,
        %swap3A_954 = vector.shape_cast %swap3A_953 : vector<1x16xf32> to vector<16xf32>
        %swap3A_955 = vector.shape_cast %convert_element_type3A_936 : vector<16xf32> to vector<1x16xf32>
        tpu.vector_store %arg8[%swap3A_951, %swap3A_952], %swap3A_955 {strides = array<i32>} : memref<33x128xf32, #tpu.memory_space<vmem>>, vector<1x16xf32>,
        %add3A_956 = arith.constant 96 : i32
        %add3A_957 = arith.addi %mul3A_625, %add3A_956 : i32
        %get3A_958 = arith.index_cast %add3A_957 : i32 to index
        %get3A_959 = tpu.vector_load %arg5[%get3A_958] {strides = array<i32>} : memref<4104xi32, #tpu.memory_space<vmem>>, vector<16xi32>,
        %get3A_960 = vector.shape_cast %get3A_959 : vector<16xi32> to vector<16xi32>
        %add3A_961 = arith.constant 1 : i32
        %add3A_962 = arith.addi %add3A_957, %add3A_961 : i32
        %get3A_963 = arith.index_cast %add3A_962 : i32 to index
        %get3A_964 = tpu.vector_load %arg5[%get3A_963] {strides = array<i32>} : memref<4104xi32, #tpu.memory_space<vmem>>, vector<16xi32>,
        %get3A_965 = vector.shape_cast %get3A_964 : vector<16xi32> to vector<16xi32>
        %get3A_966 = arith.index_cast %add3A_957 : i32 to index
        %get3A_967 = tpu.vector_load %arg6[%get3A_966] {strides = array<i32>} : memref<4104xi32, #tpu.memory_space<vmem>>, vector<16xi32>,
        %get3A_968 = vector.shape_cast %get3A_967 : vector<16xi32> to vector<16xi32>
        %add3A_969 = arith.constant 1 : i32
        %add3A_970 = arith.addi %add3A_957, %add3A_969 : i32
        %get3A_971 = arith.index_cast %add3A_970 : i32 to index
        %get3A_972 = tpu.vector_load %arg6[%get3A_971] {strides = array<i32>} : memref<4104xi32, #tpu.memory_space<vmem>>, vector<16xi32>,
        %get3A_973 = vector.shape_cast %get3A_972 : vector<16xi32> to vector<16xi32>
        %sub3A_974 = arith.subi %add3A_957, %sub3A_191 : i32
        %add3A_975 = arith.constant 1 : i32
        %add3A_976 = arith.addi %sub3A_974, %add3A_975 : i32
        %add3A_977 = vector.broadcast %add3A_976 : i32 to vector<16xi32>
        %add3A_978 = arith.addi %add3A_977, %iota3A : vector<16xi32>
        %max3A_979 = vector.broadcast %while3A_142 : i32 to vector<16xi32>
        %max3A_980 = arith.maxsi %max3A_979, %add3A_978 : vector<16xi32>
        %min3A_981 = vector.broadcast %while3A_143 : i32 to vector<16xi32>
        %min3A_982 = arith.minsi %min3A_981, %max3A_980 : vector<16xi32>
        %sub3A_983 = arith.subi %get3A_973, %get3A_968 : vector<16xi32>
        %max3A_984 = vector.broadcast %while3A_142 : i32 to vector<16xi32>
        %max3A_985 = arith.maxsi %max3A_984, %sub3A_983 : vector<16xi32>
        %min3A_986 = vector.broadcast %while3A_143 : i32 to vector<16xi32>
        %min3A_987 = arith.minsi %min3A_986, %max3A_985 : vector<16xi32>
        %sub3A_988 = vector.broadcast %while3A_143 : i32 to vector<16xi32>
        %sub3A_989 = arith.subi %sub3A_988, %min3A_987 : vector<16xi32>
        %mul3A_990 = arith.muli %min3A_982, %sub3A_989 : vector<16xi32>
        %convert_element_type3A_991 = arith.sitofp %mul3A_990 : vector<16xi32> to vector<16xf32>
        %mul3A_992 = arith.constant 400 : i32
        %mul3A_993 = vector.broadcast %mul3A_992 : i32 to vector<16xi32>
        %mul3A_994 = arith.muli %get3A_968, %mul3A_993 : vector<16xi32>
        %mul3A_995 = arith.constant 20 : i32
        %mul3A_996 = vector.broadcast %mul3A_995 : i32 to vector<16xi32>
        %mul3A_997 = arith.muli %get3A_960, %mul3A_996 : vector<16xi32>
        %add3A_998 = arith.addi %mul3A_997, %get3A_965 : vector<16xi32>
        %add3A_999 = arith.addi %mul3A_994, %add3A_998 : vector<16xi32>
        %mul3A_1000 = arith.muli %add3A_999, %min3A_982 : vector<16xi32>
        %swap3A_1001 = arith.index_cast %scan3A_623 : i32 to index
        %swap3A_1002 = arith.constant 96 : index
        %swap3A_1003 = tpu.vector_load %arg7[%swap3A_1001, %swap3A_1002] {strides = array<i32>} : memref<33x128xi32, #tpu.memory_space<vmem>>, vector<1x16xi32>,
        %swap3A_1004 = vector.shape_cast %swap3A_1003 : vector<1x16xi32> to vector<16xi32>
        %swap3A_1005 = vector.shape_cast %mul3A_1000 : vector<16xi32> to vector<1x16xi32>
        tpu.vector_store %arg7[%swap3A_1001, %swap3A_1002], %swap3A_1005 {strides = array<i32>} : memref<33x128xi32, #tpu.memory_space<vmem>>, vector<1x16xi32>,
        %swap3A_1006 = arith.index_cast %scan3A_623 : i32 to index
        %swap3A_1007 = arith.constant 96 : index
        %swap3A_1008 = tpu.vector_load %arg8[%swap3A_1006, %swap3A_1007] {strides = array<i32>} : memref<33x128xf32, #tpu.memory_space<vmem>>, vector<1x16xf32>,
        %swap3A_1009 = vector.shape_cast %swap3A_1008 : vector<1x16xf32> to vector<16xf32>
        %swap3A_1010 = vector.shape_cast %convert_element_type3A_991 : vector<16xf32> to vector<1x16xf32>
        tpu.vector_store %arg8[%swap3A_1006, %swap3A_1007], %swap3A_1010 {strides = array<i32>} : memref<33x128xf32, #tpu.memory_space<vmem>>, vector<1x16xf32>,
        %add3A_1011 = arith.constant 112 : i32
        %add3A_1012 = arith.addi %mul3A_625, %add3A_1011 : i32
        %get3A_1013 = arith.index_cast %add3A_1012 : i32 to index
        %get3A_1014 = tpu.vector_load %arg5[%get3A_1013] {strides = array<i32>} : memref<4104xi32, #tpu.memory_space<vmem>>, vector<16xi32>,
        %get3A_1015 = vector.shape_cast %get3A_1014 : vector<16xi32> to vector<16xi32>
        %add3A_1016 = arith.constant 1 : i32
        %add3A_1017 = arith.addi %add3A_1012, %add3A_1016 : i32
        %get3A_1018 = arith.index_cast %add3A_1017 : i32 to index
        %get3A_1019 = tpu.vector_load %arg5[%get3A_1018] {strides = array<i32>} : memref<4104xi32, #tpu.memory_space<vmem>>, vector<16xi32>,
        %get3A_1020 = vector.shape_cast %get3A_1019 : vector<16xi32> to vector<16xi32>
        %get3A_1021 = arith.index_cast %add3A_1012 : i32 to index
        %get3A_1022 = tpu.vector_load %arg6[%get3A_1021] {strides = array<i32>} : memref<4104xi32, #tpu.memory_space<vmem>>, vector<16xi32>,
        %get3A_1023 = vector.shape_cast %get3A_1022 : vector<16xi32> to vector<16xi32>
        %add3A_1024 = arith.constant 1 : i32
        %add3A_1025 = arith.addi %add3A_1012, %add3A_1024 : i32
        %get3A_1026 = arith.index_cast %add3A_1025 : i32 to index
        %get3A_1027 = tpu.vector_load %arg6[%get3A_1026] {strides = array<i32>} : memref<4104xi32, #tpu.memory_space<vmem>>, vector<16xi32>,
        %get3A_1028 = vector.shape_cast %get3A_1027 : vector<16xi32> to vector<16xi32>
        %sub3A_1029 = arith.subi %add3A_1012, %sub3A_191 : i32
        %add3A_1030 = arith.constant 1 : i32
        %add3A_1031 = arith.addi %sub3A_1029, %add3A_1030 : i32
        %add3A_1032 = vector.broadcast %add3A_1031 : i32 to vector<16xi32>
        %add3A_1033 = arith.addi %add3A_1032, %iota3A : vector<16xi32>
        %max3A_1034 = vector.broadcast %while3A_142 : i32 to vector<16xi32>
        %max3A_1035 = arith.maxsi %max3A_1034, %add3A_1033 : vector<16xi32>
        %min3A_1036 = vector.broadcast %while3A_143 : i32 to vector<16xi32>
        %min3A_1037 = arith.minsi %min3A_1036, %max3A_1035 : vector<16xi32>
        %sub3A_1038 = arith.subi %get3A_1028, %get3A_1023 : vector<16xi32>
        %max3A_1039 = vector.broadcast %while3A_142 : i32 to vector<16xi32>
        %max3A_1040 = arith.maxsi %max3A_1039, %sub3A_1038 : vector<16xi32>
        %min3A_1041 = vector.broadcast %while3A_143 : i32 to vector<16xi32>
        %min3A_1042 = arith.minsi %min3A_1041, %max3A_1040 : vector<16xi32>
        %sub3A_1043 = vector.broadcast %while3A_143 : i32 to vector<16xi32>
        %sub3A_1044 = arith.subi %sub3A_1043, %min3A_1042 : vector<16xi32>
        %mul3A_1045 = arith.muli %min3A_1037, %sub3A_1044 : vector<16xi32>
        %convert_element_type3A_1046 = arith.sitofp %mul3A_1045 : vector<16xi32> to vector<16xf32>
        %mul3A_1047 = arith.constant 400 : i32
        %mul3A_1048 = vector.broadcast %mul3A_1047 : i32 to vector<16xi32>
        %mul3A_1049 = arith.muli %get3A_1023, %mul3A_1048 : vector<16xi32>
        %mul3A_1050 = arith.constant 20 : i32
        %mul3A_1051 = vector.broadcast %mul3A_1050 : i32 to vector<16xi32>
        %mul3A_1052 = arith.muli %get3A_1015, %mul3A_1051 : vector<16xi32>
        %add3A_1053 = arith.addi %mul3A_1052, %get3A_1020 : vector<16xi32>
        %add3A_1054 = arith.addi %mul3A_1049, %add3A_1053 : vector<16xi32>
        %mul3A_1055 = arith.muli %add3A_1054, %min3A_1037 : vector<16xi32>
        %swap3A_1056 = arith.index_cast %scan3A_623 : i32 to index
        %swap3A_1057 = arith.constant 112 : index
        %swap3A_1058 = tpu.vector_load %arg7[%swap3A_1056, %swap3A_1057] {strides = array<i32>} : memref<33x128xi32, #tpu.memory_space<vmem>>, vector<1x16xi32>,
        %swap3A_1059 = vector.shape_cast %swap3A_1058 : vector<1x16xi32> to vector<16xi32>
        %swap3A_1060 = vector.shape_cast %mul3A_1055 : vector<16xi32> to vector<1x16xi32>
        tpu.vector_store %arg7[%swap3A_1056, %swap3A_1057], %swap3A_1060 {strides = array<i32>} : memref<33x128xi32, #tpu.memory_space<vmem>>, vector<1x16xi32>,
        %swap3A_1061 = arith.index_cast %scan3A_623 : i32 to index
        %swap3A_1062 = arith.constant 112 : index
        %swap3A_1063 = tpu.vector_load %arg8[%swap3A_1061, %swap3A_1062] {strides = array<i32>} : memref<33x128xf32, #tpu.memory_space<vmem>>, vector<1x16xf32>,
        %swap3A_1064 = vector.shape_cast %swap3A_1063 : vector<1x16xf32> to vector<16xf32>
        %swap3A_1065 = vector.shape_cast %convert_element_type3A_1046 : vector<16xf32> to vector<1x16xf32>
        tpu.vector_store %arg8[%swap3A_1061, %swap3A_1062], %swap3A_1065 {strides = array<i32>} : memref<33x128xf32, #tpu.memory_space<vmem>>, vector<1x16xf32>,
        %dma_start3A_1066 = arith.constant 0 : i32
        %dma_start3A_1067 = tpu.memref_slice %arg8[%scan3A_623, %dma_start3A_1066] : memref<33x128xf32, #tpu.memory_space<vmem>> -> memref<1x128xf32, #tpu.memory_space<vmem>>
        %dma_start3A_1068 = tpu.memref_squeeze %dma_start3A_1067 : memref<1x128xf32, #tpu.memory_space<vmem>> -> memref<128xf32, #tpu.memory_space<vmem>>
        %dma_start3A_1069 = arith.constant 0 : i32
        %dma_start3A_1070 = tpu.memref_slice %arg7[%scan3A_623, %dma_start3A_1069] : memref<33x128xi32, #tpu.memory_space<vmem>> -> memref<1x128xi32, #tpu.memory_space<vmem>>
        %dma_start3A_1071 = tpu.memref_squeeze %dma_start3A_1070 : memref<1x128xi32, #tpu.memory_space<vmem>> -> memref<128xi32, #tpu.memory_space<vmem>>
        %dma_start3A_1072 = arith.constant 0 : i32
        %dma_start3A_1073 = tpu.memref_slice %arg10[%dma_start3A_1072] : memref<1638400xf32, #tpu.memory_space<vmem_shared>> -> memref<1638400xf32, #tpu.memory_space<vmem_shared>>
        tpu.enqueue_indirect_dma source(%dma_start3A_1068 : memref<128xf32, #tpu.memory_space<vmem>>) target(%dma_start3A_1073 : memref<1638400xf32, #tpu.memory_space<vmem_shared>>) offsets(%dma_start3A_1071 : memref<128xi32, #tpu.memory_space<vmem>>) semaphore(%arg11 : memref<!tpu.dma_semaphore, #tpu.memory_space<semaphore_mem>>) {add = true}
      }
      %scan3A_197 = arith.constant 32 : i32
      %get3A = arith.constant 4087 : index
      %get3A_198 = tpu.vector_load %arg5[%get3A] {strides = array<i32>} : memref<4104xi32, #tpu.memory_space<vmem>>, vector<16xi32>,
      %get3A_199 = vector.shape_cast %get3A_198 : vector<16xi32> to vector<16xi32>
      %get3A_200 = arith.constant 4088 : index
      %get3A_201 = tpu.vector_load %arg5[%get3A_200] {strides = array<i32>} : memref<4104xi32, #tpu.memory_space<vmem>>, vector<16xi32>,
      %get3A_202 = vector.shape_cast %get3A_201 : vector<16xi32> to vector<16xi32>
      %get3A_203 = arith.constant 4087 : index
      %get3A_204 = tpu.vector_load %arg6[%get3A_203] {strides = array<i32>} : memref<4104xi32, #tpu.memory_space<vmem>>, vector<16xi32>,
      %get3A_205 = vector.shape_cast %get3A_204 : vector<16xi32> to vector<16xi32>
      %get3A_206 = arith.constant 4088 : index
      %get3A_207 = tpu.vector_load %arg6[%get3A_206] {strides = array<i32>} : memref<4104xi32, #tpu.memory_space<vmem>>, vector<16xi32>,
      %get3A_208 = vector.shape_cast %get3A_207 : vector<16xi32> to vector<16xi32>
      %add3A_209 = arith.constant 4087 : i32
      %add3A_210 = arith.addi %min3A_190, %add3A_209 : i32
      %add3A_211 = vector.broadcast %add3A_210 : i32 to vector<16xi32>
      %add3A_212 = arith.addi %add3A_211, %iota3A : vector<16xi32>
      %sub3A_213 = arith.subi %mul3A_186, %min3A_190 : i32
      %max3A = arith.maxsi %while3A_142, %sub3A_213 : i32
      %min3A_214 = arith.minsi %while3A_143, %max3A : i32
      %add3A_215 = arith.constant 4096 : i32
      %add3A_216 = arith.addi %min3A_190, %add3A_215 : i32
      %sub3A_217 = arith.constant 1 : i32
      %sub3A_218 = arith.subi %add3A_216, %sub3A_217 : i32
      %sub3A_219 = vector.broadcast %sub3A_218 : i32 to vector<16xi32>
      %sub3A_220 = arith.subi %add3A_212, %sub3A_219 : vector<16xi32>
      %max3A_221 = vector.broadcast %while3A_142 : i32 to vector<16xi32>
      %max3A_222 = arith.maxsi %max3A_221, %sub3A_220 : vector<16xi32>
      %min3A_223 = vector.broadcast %while3A_143 : i32 to vector<16xi32>
      %min3A_224 = arith.minsi %min3A_223, %max3A_222 : vector<16xi32>
      %sub3A_225 = arith.constant 1 : i32
      %sub3A_226 = arith.subi %mul3A_186, %sub3A_225 : i32
      %sub3A_227 = vector.broadcast %sub3A_226 : i32 to vector<16xi32>
      %sub3A_228 = arith.subi %add3A_212, %sub3A_227 : vector<16xi32>
      %max3A_229 = vector.broadcast %while3A_142 : i32 to vector<16xi32>
      %max3A_230 = arith.maxsi %max3A_229, %sub3A_228 : vector<16xi32>
      %min3A_231 = vector.broadcast %while3A_143 : i32 to vector<16xi32>
      %min3A_232 = arith.minsi %min3A_231, %max3A_230 : vector<16xi32>
      %mul3A_233 = arith.muli %min3A_224, %min3A_232 : vector<16xi32>
      %sub3A_234 = arith.constant 1999999 : i32
      %sub3A_235 = vector.broadcast %sub3A_234 : i32 to vector<16xi32>
      %sub3A_236 = arith.subi %sub3A_235, %add3A_212 : vector<16xi32>
      %max3A_237 = vector.broadcast %while3A_142 : i32 to vector<16xi32>
      %max3A_238 = arith.maxsi %max3A_237, %sub3A_236 : vector<16xi32>
      %min3A_239 = vector.broadcast %while3A_143 : i32 to vector<16xi32>
      %min3A_240 = arith.minsi %min3A_239, %max3A_238 : vector<16xi32>
      %mul3A_241 = arith.muli %mul3A_233, %min3A_240 : vector<16xi32>
      %mul3A_242 = vector.broadcast %min3A_214 : i32 to vector<16xi32>
      %mul3A_243 = arith.muli %mul3A_241, %mul3A_242 : vector<16xi32>
      %sub3A_244 = arith.subi %get3A_208, %get3A_205 : vector<16xi32>
      %max3A_245 = vector.broadcast %while3A_142 : i32 to vector<16xi32>
      %max3A_246 = arith.maxsi %max3A_245, %sub3A_244 : vector<16xi32>
      %min3A_247 = vector.broadcast %while3A_143 : i32 to vector<16xi32>
      %min3A_248 = arith.minsi %min3A_247, %max3A_246 : vector<16xi32>
      %sub3A_249 = vector.broadcast %while3A_143 : i32 to vector<16xi32>
      %sub3A_250 = arith.subi %sub3A_249, %min3A_248 : vector<16xi32>
      %mul3A_251 = arith.muli %mul3A_243, %sub3A_250 : vector<16xi32>
      %convert_element_type3A = arith.sitofp %mul3A_251 : vector<16xi32> to vector<16xf32>
      %mul3A_252 = arith.constant 400 : i32
      %mul3A_253 = vector.broadcast %mul3A_252 : i32 to vector<16xi32>
      %mul3A_254 = arith.muli %get3A_205, %mul3A_253 : vector<16xi32>
      %mul3A_255 = arith.constant 20 : i32
      %mul3A_256 = vector.broadcast %mul3A_255 : i32 to vector<16xi32>
      %mul3A_257 = arith.muli %get3A_199, %mul3A_256 : vector<16xi32>
      %add3A_258 = arith.addi %mul3A_257, %get3A_202 : vector<16xi32>
      %add3A_259 = arith.addi %mul3A_254, %add3A_258 : vector<16xi32>
      %mul3A_260 = arith.muli %add3A_259, %mul3A_243 : vector<16xi32>
      %swap3A_261 = arith.constant 32 : i32
      %swap3A_262 = arith.index_cast %swap3A_261 : i32 to index
      %swap3A_263 = arith.constant 0 : index
      %swap3A_264 = tpu.vector_load %arg7[%swap3A_262, %swap3A_263] {strides = array<i32>} : memref<33x128xi32, #tpu.memory_space<vmem>>, vector<1x16xi32>,
      %swap3A_265 = vector.shape_cast %swap3A_264 : vector<1x16xi32> to vector<16xi32>
      %swap3A_266 = vector.shape_cast %mul3A_260 : vector<16xi32> to vector<1x16xi32>
      tpu.vector_store %arg7[%swap3A_262, %swap3A_263], %swap3A_266 {strides = array<i32>} : memref<33x128xi32, #tpu.memory_space<vmem>>, vector<1x16xi32>,
      %swap3A_267 = arith.constant 32 : i32
      %swap3A_268 = arith.index_cast %swap3A_267 : i32 to index
      %swap3A_269 = arith.constant 0 : index
      %swap3A_270 = tpu.vector_load %arg8[%swap3A_268, %swap3A_269] {strides = array<i32>} : memref<33x128xf32, #tpu.memory_space<vmem>>, vector<1x16xf32>,
      %swap3A_271 = vector.shape_cast %swap3A_270 : vector<1x16xf32> to vector<16xf32>
      %swap3A_272 = vector.shape_cast %convert_element_type3A : vector<16xf32> to vector<1x16xf32>
      tpu.vector_store %arg8[%swap3A_268, %swap3A_269], %swap3A_272 {strides = array<i32>} : memref<33x128xf32, #tpu.memory_space<vmem>>, vector<1x16xf32>,
      %dma_start3A_273 = arith.constant 32 : i32
      %dma_start3A_274 = arith.constant 32 : i32
      %dma_start3A_275 = arith.constant 0 : i32
      %dma_start3A_276 = tpu.memref_slice %arg8[%dma_start3A_273, %dma_start3A_275] : memref<33x128xf32, #tpu.memory_space<vmem>> -> memref<1x128xf32, #tpu.memory_space<vmem>>
      %dma_start3A_277 = tpu.memref_squeeze %dma_start3A_276 : memref<1x128xf32, #tpu.memory_space<vmem>> -> memref<128xf32, #tpu.memory_space<vmem>>
      %dma_start3A_278 = arith.constant 0 : i32
      %dma_start3A_279 = tpu.memref_slice %arg7[%dma_start3A_274, %dma_start3A_278] : memref<33x128xi32, #tpu.memory_space<vmem>> -> memref<1x128xi32, #tpu.memory_space<vmem>>
      %dma_start3A_280 = tpu.memref_squeeze %dma_start3A_279 : memref<1x128xi32, #tpu.memory_space<vmem>> -> memref<128xi32, #tpu.memory_space<vmem>>
      %dma_start3A_281 = arith.constant 0 : i32
      %dma_start3A_282 = tpu.memref_slice %arg10[%dma_start3A_281] : memref<1638400xf32, #tpu.memory_space<vmem_shared>> -> memref<1638400xf32, #tpu.memory_space<vmem_shared>>
      tpu.enqueue_indirect_dma source(%dma_start3A_277 : memref<128xf32, #tpu.memory_space<vmem>>) target(%dma_start3A_282 : memref<1638400xf32, #tpu.memory_space<vmem_shared>>) offsets(%dma_start3A_280 : memref<128xi32, #tpu.memory_space<vmem>>) semaphore(%arg11 : memref<!tpu.dma_semaphore, #tpu.memory_space<semaphore_mem>>) {add = true}
      %add3A_283 = arith.constant 32 : i32
      %add3A_284 = arith.addi %add3A_176, %add3A_283 : i32
      %mul3A_285 = arith.constant 4096 : i32
      %mul3A_286 = arith.muli %add3A_284, %mul3A_285 : i32
      %min3A_287 = arith.constant 1995896 : i32
      %min3A_288 = arith.minsi %mul3A_286, %min3A_287 : i32
      %dma_start3A_289 = tpu.memref_slice %arg2[%min3A_288] : memref<2000000xi32, #tpu.memory_space<hbm>> -> memref<4104xi32, #tpu.memory_space<hbm>>
      %dma_start3A_290 = tpu.memref_slice %arg2[%min3A_288] : memref<2000000xi32, #tpu.memory_space<hbm>> -> memref<4104xi32, #tpu.memory_space<hbm>>
      tpu.enqueue_dma source(%dma_start3A_290 : memref<4104xi32, #tpu.memory_space<hbm>>) target(%arg5 : memref<4104xi32, #tpu.memory_space<vmem>>) target_semaphore(%arg12 : memref<!tpu.dma_semaphore, #tpu.memory_space<semaphore_mem>>)
      %dma_start3A_291 = tpu.memref_slice %arg3[%min3A_288] : memref<2000000xi32, #tpu.memory_space<hbm>> -> memref<4104xi32, #tpu.memory_space<hbm>>
      %dma_start3A_292 = tpu.memref_slice %arg3[%min3A_288] : memref<2000000xi32, #tpu.memory_space<hbm>> -> memref<4104xi32, #tpu.memory_space<hbm>>
      tpu.enqueue_dma source(%dma_start3A_292 : memref<4104xi32, #tpu.memory_space<hbm>>) target(%arg6 : memref<4104xi32, #tpu.memory_space<vmem>>) target_semaphore(%arg12 : memref<!tpu.dma_semaphore, #tpu.memory_space<semaphore_mem>>)
      %dma_wait3A_293 = arith.constant 0 : i32
      %dma_wait3A_294 = arith.constant 0 : i32
      %dma_wait3A_295 = arith.constant 0 : i32
      %dma_wait3A_296 = tpu.memref_slice %arg8[%dma_wait3A_293, %dma_wait3A_295] : memref<33x128xf32, #tpu.memory_space<vmem>> -> memref<1x128xf32, #tpu.memory_space<vmem>>
      %dma_wait3A_297 = tpu.memref_squeeze %dma_wait3A_296 : memref<1x128xf32, #tpu.memory_space<vmem>> -> memref<128xf32, #tpu.memory_space<vmem>>
      %dma_wait3A_298 = arith.constant 0 : i32
      %dma_wait3A_299 = tpu.memref_slice %arg7[%dma_wait3A_294, %dma_wait3A_298] : memref<33x128xi32, #tpu.memory_space<vmem>> -> memref<1x128xi32, #tpu.memory_space<vmem>>
      %dma_wait3A_300 = tpu.memref_squeeze %dma_wait3A_299 : memref<1x128xi32, #tpu.memory_space<vmem>> -> memref<128xi32, #tpu.memory_space<vmem>>
      %dma_wait3A_301 = arith.constant 0 : i32
      %dma_wait3A_302 = tpu.memref_slice %arg10[%dma_wait3A_301] : memref<1638400xf32, #tpu.memory_space<vmem_shared>> -> memref<1638400xf32, #tpu.memory_space<vmem_shared>>
      tpu.wait_indirect_dma semaphore(%arg11 : memref<!tpu.dma_semaphore, #tpu.memory_space<semaphore_mem>>) src(%dma_wait3A_297 : memref<128xf32, #tpu.memory_space<vmem>>) dst(%dma_wait3A_302 : memref<1638400xf32, #tpu.memory_space<vmem_shared>>)
      %dma_wait3A_303 = arith.constant 1 : i32
      %dma_wait3A_304 = arith.constant 1 : i32
      %dma_wait3A_305 = arith.constant 0 : i32
      %dma_wait3A_306 = tpu.memref_slice %arg8[%dma_wait3A_303, %dma_wait3A_305] : memref<33x128xf32, #tpu.memory_space<vmem>> -> memref<1x128xf32, #tpu.memory_space<vmem>>
      %dma_wait3A_307 = tpu.memref_squeeze %dma_wait3A_306 : memref<1x128xf32, #tpu.memory_space<vmem>> -> memref<128xf32, #tpu.memory_space<vmem>>
      %dma_wait3A_308 = arith.constant 0 : i32
      %dma_wait3A_309 = tpu.memref_slice %arg7[%dma_wait3A_304, %dma_wait3A_308] : memref<33x128xi32, #tpu.memory_space<vmem>> -> memref<1x128xi32, #tpu.memory_space<vmem>>
      %dma_wait3A_310 = tpu.memref_squeeze %dma_wait3A_309 : memref<1x128xi32, #tpu.memory_space<vmem>> -> memref<128xi32, #tpu.memory_space<vmem>>
      %dma_wait3A_311 = arith.constant 0 : i32
      %dma_wait3A_312 = tpu.memref_slice %arg10[%dma_wait3A_311] : memref<1638400xf32, #tpu.memory_space<vmem_shared>> -> memref<1638400xf32, #tpu.memory_space<vmem_shared>>
      tpu.wait_indirect_dma semaphore(%arg11 : memref<!tpu.dma_semaphore, #tpu.memory_space<semaphore_mem>>) src(%dma_wait3A_307 : memref<128xf32, #tpu.memory_space<vmem>>) dst(%dma_wait3A_312 : memref<1638400xf32, #tpu.memory_space<vmem_shared>>)
      %dma_wait3A_313 = arith.constant 2 : i32
      %dma_wait3A_314 = arith.constant 2 : i32
      %dma_wait3A_315 = arith.constant 0 : i32
      %dma_wait3A_316 = tpu.memref_slice %arg8[%dma_wait3A_313, %dma_wait3A_315] : memref<33x128xf32, #tpu.memory_space<vmem>> -> memref<1x128xf32, #tpu.memory_space<vmem>>
      %dma_wait3A_317 = tpu.memref_squeeze %dma_wait3A_316 : memref<1x128xf32, #tpu.memory_space<vmem>> -> memref<128xf32, #tpu.memory_space<vmem>>
      %dma_wait3A_318 = arith.constant 0 : i32
      %dma_wait3A_319 = tpu.memref_slice %arg7[%dma_wait3A_314, %dma_wait3A_318] : memref<33x128xi32, #tpu.memory_space<vmem>> -> memref<1x128xi32, #tpu.memory_space<vmem>>
      %dma_wait3A_320 = tpu.memref_squeeze %dma_wait3A_319 : memref<1x128xi32, #tpu.memory_space<vmem>> -> memref<128xi32, #tpu.memory_space<vmem>>
      %dma_wait3A_321 = arith.constant 0 : i32
      %dma_wait3A_322 = tpu.memref_slice %arg10[%dma_wait3A_321] : memref<1638400xf32, #tpu.memory_space<vmem_shared>> -> memref<1638400xf32, #tpu.memory_space<vmem_shared>>
      tpu.wait_indirect_dma semaphore(%arg11 : memref<!tpu.dma_semaphore, #tpu.memory_space<semaphore_mem>>) src(%dma_wait3A_317 : memref<128xf32, #tpu.memory_space<vmem>>) dst(%dma_wait3A_322 : memref<1638400xf32, #tpu.memory_space<vmem_shared>>)
      %dma_wait3A_323 = arith.constant 3 : i32
      %dma_wait3A_324 = arith.constant 3 : i32
      %dma_wait3A_325 = arith.constant 0 : i32
      %dma_wait3A_326 = tpu.memref_slice %arg8[%dma_wait3A_323, %dma_wait3A_325] : memref<33x128xf32, #tpu.memory_space<vmem>> -> memref<1x128xf32, #tpu.memory_space<vmem>>
      %dma_wait3A_327 = tpu.memref_squeeze %dma_wait3A_326 : memref<1x128xf32, #tpu.memory_space<vmem>> -> memref<128xf32, #tpu.memory_space<vmem>>
      %dma_wait3A_328 = arith.constant 0 : i32
      %dma_wait3A_329 = tpu.memref_slice %arg7[%dma_wait3A_324, %dma_wait3A_328] : memref<33x128xi32, #tpu.memory_space<vmem>> -> memref<1x128xi32, #tpu.memory_space<vmem>>
      %dma_wait3A_330 = tpu.memref_squeeze %dma_wait3A_329 : memref<1x128xi32, #tpu.memory_space<vmem>> -> memref<128xi32, #tpu.memory_space<vmem>>
      %dma_wait3A_331 = arith.constant 0 : i32
      %dma_wait3A_332 = tpu.memref_slice %arg10[%dma_wait3A_331] : memref<1638400xf32, #tpu.memory_space<vmem_shared>> -> memref<1638400xf32, #tpu.memory_space<vmem_shared>>
      tpu.wait_indirect_dma semaphore(%arg11 : memref<!tpu.dma_semaphore, #tpu.memory_space<semaphore_mem>>) src(%dma_wait3A_327 : memref<128xf32, #tpu.memory_space<vmem>>) dst(%dma_wait3A_332 : memref<1638400xf32, #tpu.memory_space<vmem_shared>>)
      %dma_wait3A_333 = arith.constant 4 : i32
      %dma_wait3A_334 = arith.constant 4 : i32
      %dma_wait3A_335 = arith.constant 0 : i32
      %dma_wait3A_336 = tpu.memref_slice %arg8[%dma_wait3A_333, %dma_wait3A_335] : memref<33x128xf32, #tpu.memory_space<vmem>> -> memref<1x128xf32, #tpu.memory_space<vmem>>
      %dma_wait3A_337 = tpu.memref_squeeze %dma_wait3A_336 : memref<1x128xf32, #tpu.memory_space<vmem>> -> memref<128xf32, #tpu.memory_space<vmem>>
      %dma_wait3A_338 = arith.constant 0 : i32
      %dma_wait3A_339 = tpu.memref_slice %arg7[%dma_wait3A_334, %dma_wait3A_338] : memref<33x128xi32, #tpu.memory_space<vmem>> -> memref<1x128xi32, #tpu.memory_space<vmem>>
      %dma_wait3A_340 = tpu.memref_squeeze %dma_wait3A_339 : memref<1x128xi32, #tpu.memory_space<vmem>> -> memref<128xi32, #tpu.memory_space<vmem>>
      %dma_wait3A_341 = arith.constant 0 : i32
      %dma_wait3A_342 = tpu.memref_slice %arg10[%dma_wait3A_341] : memref<1638400xf32, #tpu.memory_space<vmem_shared>> -> memref<1638400xf32, #tpu.memory_space<vmem_shared>>
      tpu.wait_indirect_dma semaphore(%arg11 : memref<!tpu.dma_semaphore, #tpu.memory_space<semaphore_mem>>) src(%dma_wait3A_337 : memref<128xf32, #tpu.memory_space<vmem>>) dst(%dma_wait3A_342 : memref<1638400xf32, #tpu.memory_space<vmem_shared>>)
      %dma_wait3A_343 = arith.constant 5 : i32
      %dma_wait3A_344 = arith.constant 5 : i32
      %dma_wait3A_345 = arith.constant 0 : i32
      %dma_wait3A_346 = tpu.memref_slice %arg8[%dma_wait3A_343, %dma_wait3A_345] : memref<33x128xf32, #tpu.memory_space<vmem>> -> memref<1x128xf32, #tpu.memory_space<vmem>>
      %dma_wait3A_347 = tpu.memref_squeeze %dma_wait3A_346 : memref<1x128xf32, #tpu.memory_space<vmem>> -> memref<128xf32, #tpu.memory_space<vmem>>
      %dma_wait3A_348 = arith.constant 0 : i32
      %dma_wait3A_349 = tpu.memref_slice %arg7[%dma_wait3A_344, %dma_wait3A_348] : memref<33x128xi32, #tpu.memory_space<vmem>> -> memref<1x128xi32, #tpu.memory_space<vmem>>
      %dma_wait3A_350 = tpu.memref_squeeze %dma_wait3A_349 : memref<1x128xi32, #tpu.memory_space<vmem>> -> memref<128xi32, #tpu.memory_space<vmem>>
      %dma_wait3A_351 = arith.constant 0 : i32
      %dma_wait3A_352 = tpu.memref_slice %arg10[%dma_wait3A_351] : memref<1638400xf32, #tpu.memory_space<vmem_shared>> -> memref<1638400xf32, #tpu.memory_space<vmem_shared>>
      tpu.wait_indirect_dma semaphore(%arg11 : memref<!tpu.dma_semaphore, #tpu.memory_space<semaphore_mem>>) src(%dma_wait3A_347 : memref<128xf32, #tpu.memory_space<vmem>>) dst(%dma_wait3A_352 : memref<1638400xf32, #tpu.memory_space<vmem_shared>>)
      %dma_wait3A_353 = arith.constant 6 : i32
      %dma_wait3A_354 = arith.constant 6 : i32
      %dma_wait3A_355 = arith.constant 0 : i32
      %dma_wait3A_356 = tpu.memref_slice %arg8[%dma_wait3A_353, %dma_wait3A_355] : memref<33x128xf32, #tpu.memory_space<vmem>> -> memref<1x128xf32, #tpu.memory_space<vmem>>
      %dma_wait3A_357 = tpu.memref_squeeze %dma_wait3A_356 : memref<1x128xf32, #tpu.memory_space<vmem>> -> memref<128xf32, #tpu.memory_space<vmem>>
      %dma_wait3A_358 = arith.constant 0 : i32
      %dma_wait3A_359 = tpu.memref_slice %arg7[%dma_wait3A_354, %dma_wait3A_358] : memref<33x128xi32, #tpu.memory_space<vmem>> -> memref<1x128xi32, #tpu.memory_space<vmem>>
      %dma_wait3A_360 = tpu.memref_squeeze %dma_wait3A_359 : memref<1x128xi32, #tpu.memory_space<vmem>> -> memref<128xi32, #tpu.memory_space<vmem>>
      %dma_wait3A_361 = arith.constant 0 : i32
      %dma_wait3A_362 = tpu.memref_slice %arg10[%dma_wait3A_361] : memref<1638400xf32, #tpu.memory_space<vmem_shared>> -> memref<1638400xf32, #tpu.memory_space<vmem_shared>>
      tpu.wait_indirect_dma semaphore(%arg11 : memref<!tpu.dma_semaphore, #tpu.memory_space<semaphore_mem>>) src(%dma_wait3A_357 : memref<128xf32, #tpu.memory_space<vmem>>) dst(%dma_wait3A_362 : memref<1638400xf32, #tpu.memory_space<vmem_shared>>)
      %dma_wait3A_363 = arith.constant 7 : i32
      %dma_wait3A_364 = arith.constant 7 : i32
      %dma_wait3A_365 = arith.constant 0 : i32
      %dma_wait3A_366 = tpu.memref_slice %arg8[%dma_wait3A_363, %dma_wait3A_365] : memref<33x128xf32, #tpu.memory_space<vmem>> -> memref<1x128xf32, #tpu.memory_space<vmem>>
      %dma_wait3A_367 = tpu.memref_squeeze %dma_wait3A_366 : memref<1x128xf32, #tpu.memory_space<vmem>> -> memref<128xf32, #tpu.memory_space<vmem>>
      %dma_wait3A_368 = arith.constant 0 : i32
      %dma_wait3A_369 = tpu.memref_slice %arg7[%dma_wait3A_364, %dma_wait3A_368] : memref<33x128xi32, #tpu.memory_space<vmem>> -> memref<1x128xi32, #tpu.memory_space<vmem>>
      %dma_wait3A_370 = tpu.memref_squeeze %dma_wait3A_369 : memref<1x128xi32, #tpu.memory_space<vmem>> -> memref<128xi32, #tpu.memory_space<vmem>>
      %dma_wait3A_371 = arith.constant 0 : i32
      %dma_wait3A_372 = tpu.memref_slice %arg10[%dma_wait3A_371] : memref<1638400xf32, #tpu.memory_space<vmem_shared>> -> memref<1638400xf32, #tpu.memory_space<vmem_shared>>
      tpu.wait_indirect_dma semaphore(%arg11 : memref<!tpu.dma_semaphore, #tpu.memory_space<semaphore_mem>>) src(%dma_wait3A_367 : memref<128xf32, #tpu.memory_space<vmem>>) dst(%dma_wait3A_372 : memref<1638400xf32, #tpu.memory_space<vmem_shared>>)
      %dma_wait3A_373 = arith.constant 8 : i32
      %dma_wait3A_374 = arith.constant 8 : i32
      %dma_wait3A_375 = arith.constant 0 : i32
      %dma_wait3A_376 = tpu.memref_slice %arg8[%dma_wait3A_373, %dma_wait3A_375] : memref<33x128xf32, #tpu.memory_space<vmem>> -> memref<1x128xf32, #tpu.memory_space<vmem>>
      %dma_wait3A_377 = tpu.memref_squeeze %dma_wait3A_376 : memref<1x128xf32, #tpu.memory_space<vmem>> -> memref<128xf32, #tpu.memory_space<vmem>>
      %dma_wait3A_378 = arith.constant 0 : i32
      %dma_wait3A_379 = tpu.memref_slice %arg7[%dma_wait3A_374, %dma_wait3A_378] : memref<33x128xi32, #tpu.memory_space<vmem>> -> memref<1x128xi32, #tpu.memory_space<vmem>>
      %dma_wait3A_380 = tpu.memref_squeeze %dma_wait3A_379 : memref<1x128xi32, #tpu.memory_space<vmem>> -> memref<128xi32, #tpu.memory_space<vmem>>
      %dma_wait3A_381 = arith.constant 0 : i32
      %dma_wait3A_382 = tpu.memref_slice %arg10[%dma_wait3A_381] : memref<1638400xf32, #tpu.memory_space<vmem_shared>> -> memref<1638400xf32, #tpu.memory_space<vmem_shared>>
      tpu.wait_indirect_dma semaphore(%arg11 : memref<!tpu.dma_semaphore, #tpu.memory_space<semaphore_mem>>) src(%dma_wait3A_377 : memref<128xf32, #tpu.memory_space<vmem>>) dst(%dma_wait3A_382 : memref<1638400xf32, #tpu.memory_space<vmem_shared>>)
      %dma_wait3A_383 = arith.constant 9 : i32
      %dma_wait3A_384 = arith.constant 9 : i32
      %dma_wait3A_385 = arith.constant 0 : i32
      %dma_wait3A_386 = tpu.memref_slice %arg8[%dma_wait3A_383, %dma_wait3A_385] : memref<33x128xf32, #tpu.memory_space<vmem>> -> memref<1x128xf32, #tpu.memory_space<vmem>>
      %dma_wait3A_387 = tpu.memref_squeeze %dma_wait3A_386 : memref<1x128xf32, #tpu.memory_space<vmem>> -> memref<128xf32, #tpu.memory_space<vmem>>
      %dma_wait3A_388 = arith.constant 0 : i32
      %dma_wait3A_389 = tpu.memref_slice %arg7[%dma_wait3A_384, %dma_wait3A_388] : memref<33x128xi32, #tpu.memory_space<vmem>> -> memref<1x128xi32, #tpu.memory_space<vmem>>
      %dma_wait3A_390 = tpu.memref_squeeze %dma_wait3A_389 : memref<1x128xi32, #tpu.memory_space<vmem>> -> memref<128xi32, #tpu.memory_space<vmem>>
      %dma_wait3A_391 = arith.constant 0 : i32
      %dma_wait3A_392 = tpu.memref_slice %arg10[%dma_wait3A_391] : memref<1638400xf32, #tpu.memory_space<vmem_shared>> -> memref<1638400xf32, #tpu.memory_space<vmem_shared>>
      tpu.wait_indirect_dma semaphore(%arg11 : memref<!tpu.dma_semaphore, #tpu.memory_space<semaphore_mem>>) src(%dma_wait3A_387 : memref<128xf32, #tpu.memory_space<vmem>>) dst(%dma_wait3A_392 : memref<1638400xf32, #tpu.memory_space<vmem_shared>>)
      %dma_wait3A_393 = arith.constant 10 : i32
      %dma_wait3A_394 = arith.constant 10 : i32
      %dma_wait3A_395 = arith.constant 0 : i32
      %dma_wait3A_396 = tpu.memref_slice %arg8[%dma_wait3A_393, %dma_wait3A_395] : memref<33x128xf32, #tpu.memory_space<vmem>> -> memref<1x128xf32, #tpu.memory_space<vmem>>
      %dma_wait3A_397 = tpu.memref_squeeze %dma_wait3A_396 : memref<1x128xf32, #tpu.memory_space<vmem>> -> memref<128xf32, #tpu.memory_space<vmem>>
      %dma_wait3A_398 = arith.constant 0 : i32
      %dma_wait3A_399 = tpu.memref_slice %arg7[%dma_wait3A_394, %dma_wait3A_398] : memref<33x128xi32, #tpu.memory_space<vmem>> -> memref<1x128xi32, #tpu.memory_space<vmem>>
      %dma_wait3A_400 = tpu.memref_squeeze %dma_wait3A_399 : memref<1x128xi32, #tpu.memory_space<vmem>> -> memref<128xi32, #tpu.memory_space<vmem>>
      %dma_wait3A_401 = arith.constant 0 : i32
      %dma_wait3A_402 = tpu.memref_slice %arg10[%dma_wait3A_401] : memref<1638400xf32, #tpu.memory_space<vmem_shared>> -> memref<1638400xf32, #tpu.memory_space<vmem_shared>>
      tpu.wait_indirect_dma semaphore(%arg11 : memref<!tpu.dma_semaphore, #tpu.memory_space<semaphore_mem>>) src(%dma_wait3A_397 : memref<128xf32, #tpu.memory_space<vmem>>) dst(%dma_wait3A_402 : memref<1638400xf32, #tpu.memory_space<vmem_shared>>)
      %dma_wait3A_403 = arith.constant 11 : i32
      %dma_wait3A_404 = arith.constant 11 : i32
      %dma_wait3A_405 = arith.constant 0 : i32
      %dma_wait3A_406 = tpu.memref_slice %arg8[%dma_wait3A_403, %dma_wait3A_405] : memref<33x128xf32, #tpu.memory_space<vmem>> -> memref<1x128xf32, #tpu.memory_space<vmem>>
      %dma_wait3A_407 = tpu.memref_squeeze %dma_wait3A_406 : memref<1x128xf32, #tpu.memory_space<vmem>> -> memref<128xf32, #tpu.memory_space<vmem>>
      %dma_wait3A_408 = arith.constant 0 : i32
      %dma_wait3A_409 = tpu.memref_slice %arg7[%dma_wait3A_404, %dma_wait3A_408] : memref<33x128xi32, #tpu.memory_space<vmem>> -> memref<1x128xi32, #tpu.memory_space<vmem>>
      %dma_wait3A_410 = tpu.memref_squeeze %dma_wait3A_409 : memref<1x128xi32, #tpu.memory_space<vmem>> -> memref<128xi32, #tpu.memory_space<vmem>>
      %dma_wait3A_411 = arith.constant 0 : i32
      %dma_wait3A_412 = tpu.memref_slice %arg10[%dma_wait3A_411] : memref<1638400xf32, #tpu.memory_space<vmem_shared>> -> memref<1638400xf32, #tpu.memory_space<vmem_shared>>
      tpu.wait_indirect_dma semaphore(%arg11 : memref<!tpu.dma_semaphore, #tpu.memory_space<semaphore_mem>>) src(%dma_wait3A_407 : memref<128xf32, #tpu.memory_space<vmem>>) dst(%dma_wait3A_412 : memref<1638400xf32, #tpu.memory_space<vmem_shared>>)
      %dma_wait3A_413 = arith.constant 12 : i32
      %dma_wait3A_414 = arith.constant 12 : i32
      %dma_wait3A_415 = arith.constant 0 : i32
      %dma_wait3A_416 = tpu.memref_slice %arg8[%dma_wait3A_413, %dma_wait3A_415] : memref<33x128xf32, #tpu.memory_space<vmem>> -> memref<1x128xf32, #tpu.memory_space<vmem>>
      %dma_wait3A_417 = tpu.memref_squeeze %dma_wait3A_416 : memref<1x128xf32, #tpu.memory_space<vmem>> -> memref<128xf32, #tpu.memory_space<vmem>>
      %dma_wait3A_418 = arith.constant 0 : i32
      %dma_wait3A_419 = tpu.memref_slice %arg7[%dma_wait3A_414, %dma_wait3A_418] : memref<33x128xi32, #tpu.memory_space<vmem>> -> memref<1x128xi32, #tpu.memory_space<vmem>>
      %dma_wait3A_420 = tpu.memref_squeeze %dma_wait3A_419 : memref<1x128xi32, #tpu.memory_space<vmem>> -> memref<128xi32, #tpu.memory_space<vmem>>
      %dma_wait3A_421 = arith.constant 0 : i32
      %dma_wait3A_422 = tpu.memref_slice %arg10[%dma_wait3A_421] : memref<1638400xf32, #tpu.memory_space<vmem_shared>> -> memref<1638400xf32, #tpu.memory_space<vmem_shared>>
      tpu.wait_indirect_dma semaphore(%arg11 : memref<!tpu.dma_semaphore, #tpu.memory_space<semaphore_mem>>) src(%dma_wait3A_417 : memref<128xf32, #tpu.memory_space<vmem>>) dst(%dma_wait3A_422 : memref<1638400xf32, #tpu.memory_space<vmem_shared>>)
      %dma_wait3A_423 = arith.constant 13 : i32
      %dma_wait3A_424 = arith.constant 13 : i32
      %dma_wait3A_425 = arith.constant 0 : i32
      %dma_wait3A_426 = tpu.memref_slice %arg8[%dma_wait3A_423, %dma_wait3A_425] : memref<33x128xf32, #tpu.memory_space<vmem>> -> memref<1x128xf32, #tpu.memory_space<vmem>>
      %dma_wait3A_427 = tpu.memref_squeeze %dma_wait3A_426 : memref<1x128xf32, #tpu.memory_space<vmem>> -> memref<128xf32, #tpu.memory_space<vmem>>
      %dma_wait3A_428 = arith.constant 0 : i32
      %dma_wait3A_429 = tpu.memref_slice %arg7[%dma_wait3A_424, %dma_wait3A_428] : memref<33x128xi32, #tpu.memory_space<vmem>> -> memref<1x128xi32, #tpu.memory_space<vmem>>
      %dma_wait3A_430 = tpu.memref_squeeze %dma_wait3A_429 : memref<1x128xi32, #tpu.memory_space<vmem>> -> memref<128xi32, #tpu.memory_space<vmem>>
      %dma_wait3A_431 = arith.constant 0 : i32
      %dma_wait3A_432 = tpu.memref_slice %arg10[%dma_wait3A_431] : memref<1638400xf32, #tpu.memory_space<vmem_shared>> -> memref<1638400xf32, #tpu.memory_space<vmem_shared>>
      tpu.wait_indirect_dma semaphore(%arg11 : memref<!tpu.dma_semaphore, #tpu.memory_space<semaphore_mem>>) src(%dma_wait3A_427 : memref<128xf32, #tpu.memory_space<vmem>>) dst(%dma_wait3A_432 : memref<1638400xf32, #tpu.memory_space<vmem_shared>>)
      %dma_wait3A_433 = arith.constant 14 : i32
      %dma_wait3A_434 = arith.constant 14 : i32
      %dma_wait3A_435 = arith.constant 0 : i32
      %dma_wait3A_436 = tpu.memref_slice %arg8[%dma_wait3A_433, %dma_wait3A_435] : memref<33x128xf32, #tpu.memory_space<vmem>> -> memref<1x128xf32, #tpu.memory_space<vmem>>
      %dma_wait3A_437 = tpu.memref_squeeze %dma_wait3A_436 : memref<1x128xf32, #tpu.memory_space<vmem>> -> memref<128xf32, #tpu.memory_space<vmem>>
      %dma_wait3A_438 = arith.constant 0 : i32
      %dma_wait3A_439 = tpu.memref_slice %arg7[%dma_wait3A_434, %dma_wait3A_438] : memref<33x128xi32, #tpu.memory_space<vmem>> -> memref<1x128xi32, #tpu.memory_space<vmem>>
      %dma_wait3A_440 = tpu.memref_squeeze %dma_wait3A_439 : memref<1x128xi32, #tpu.memory_space<vmem>> -> memref<128xi32, #tpu.memory_space<vmem>>
      %dma_wait3A_441 = arith.constant 0 : i32
      %dma_wait3A_442 = tpu.memref_slice %arg10[%dma_wait3A_441] : memref<1638400xf32, #tpu.memory_space<vmem_shared>> -> memref<1638400xf32, #tpu.memory_space<vmem_shared>>
      tpu.wait_indirect_dma semaphore(%arg11 : memref<!tpu.dma_semaphore, #tpu.memory_space<semaphore_mem>>) src(%dma_wait3A_437 : memref<128xf32, #tpu.memory_space<vmem>>) dst(%dma_wait3A_442 : memref<1638400xf32, #tpu.memory_space<vmem_shared>>)
      %dma_wait3A_443 = arith.constant 15 : i32
      %dma_wait3A_444 = arith.constant 15 : i32
      %dma_wait3A_445 = arith.constant 0 : i32
      %dma_wait3A_446 = tpu.memref_slice %arg8[%dma_wait3A_443, %dma_wait3A_445] : memref<33x128xf32, #tpu.memory_space<vmem>> -> memref<1x128xf32, #tpu.memory_space<vmem>>
      %dma_wait3A_447 = tpu.memref_squeeze %dma_wait3A_446 : memref<1x128xf32, #tpu.memory_space<vmem>> -> memref<128xf32, #tpu.memory_space<vmem>>
      %dma_wait3A_448 = arith.constant 0 : i32
      %dma_wait3A_449 = tpu.memref_slice %arg7[%dma_wait3A_444, %dma_wait3A_448] : memref<33x128xi32, #tpu.memory_space<vmem>> -> memref<1x128xi32, #tpu.memory_space<vmem>>
      %dma_wait3A_450 = tpu.memref_squeeze %dma_wait3A_449 : memref<1x128xi32, #tpu.memory_space<vmem>> -> memref<128xi32, #tpu.memory_space<vmem>>
      %dma_wait3A_451 = arith.constant 0 : i32
      %dma_wait3A_452 = tpu.memref_slice %arg10[%dma_wait3A_451] : memref<1638400xf32, #tpu.memory_space<vmem_shared>> -> memref<1638400xf32, #tpu.memory_space<vmem_shared>>
      tpu.wait_indirect_dma semaphore(%arg11 : memref<!tpu.dma_semaphore, #tpu.memory_space<semaphore_mem>>) src(%dma_wait3A_447 : memref<128xf32, #tpu.memory_space<vmem>>) dst(%dma_wait3A_452 : memref<1638400xf32, #tpu.memory_space<vmem_shared>>)
      %dma_wait3A_453 = arith.constant 16 : i32
      %dma_wait3A_454 = arith.constant 16 : i32
      %dma_wait3A_455 = arith.constant 0 : i32
      %dma_wait3A_456 = tpu.memref_slice %arg8[%dma_wait3A_453, %dma_wait3A_455] : memref<33x128xf32, #tpu.memory_space<vmem>> -> memref<1x128xf32, #tpu.memory_space<vmem>>
      %dma_wait3A_457 = tpu.memref_squeeze %dma_wait3A_456 : memref<1x128xf32, #tpu.memory_space<vmem>> -> memref<128xf32, #tpu.memory_space<vmem>>
      %dma_wait3A_458 = arith.constant 0 : i32
      %dma_wait3A_459 = tpu.memref_slice %arg7[%dma_wait3A_454, %dma_wait3A_458] : memref<33x128xi32, #tpu.memory_space<vmem>> -> memref<1x128xi32, #tpu.memory_space<vmem>>
      %dma_wait3A_460 = tpu.memref_squeeze %dma_wait3A_459 : memref<1x128xi32, #tpu.memory_space<vmem>> -> memref<128xi32, #tpu.memory_space<vmem>>
      %dma_wait3A_461 = arith.constant 0 : i32
      %dma_wait3A_462 = tpu.memref_slice %arg10[%dma_wait3A_461] : memref<1638400xf32, #tpu.memory_space<vmem_shared>> -> memref<1638400xf32, #tpu.memory_space<vmem_shared>>
      tpu.wait_indirect_dma semaphore(%arg11 : memref<!tpu.dma_semaphore, #tpu.memory_space<semaphore_mem>>) src(%dma_wait3A_457 : memref<128xf32, #tpu.memory_space<vmem>>) dst(%dma_wait3A_462 : memref<1638400xf32, #tpu.memory_space<vmem_shared>>)
      %dma_wait3A_463 = arith.constant 17 : i32
      %dma_wait3A_464 = arith.constant 17 : i32
      %dma_wait3A_465 = arith.constant 0 : i32
      %dma_wait3A_466 = tpu.memref_slice %arg8[%dma_wait3A_463, %dma_wait3A_465] : memref<33x128xf32, #tpu.memory_space<vmem>> -> memref<1x128xf32, #tpu.memory_space<vmem>>
      %dma_wait3A_467 = tpu.memref_squeeze %dma_wait3A_466 : memref<1x128xf32, #tpu.memory_space<vmem>> -> memref<128xf32, #tpu.memory_space<vmem>>
      %dma_wait3A_468 = arith.constant 0 : i32
      %dma_wait3A_469 = tpu.memref_slice %arg7[%dma_wait3A_464, %dma_wait3A_468] : memref<33x128xi32, #tpu.memory_space<vmem>> -> memref<1x128xi32, #tpu.memory_space<vmem>>
      %dma_wait3A_470 = tpu.memref_squeeze %dma_wait3A_469 : memref<1x128xi32, #tpu.memory_space<vmem>> -> memref<128xi32, #tpu.memory_space<vmem>>
      %dma_wait3A_471 = arith.constant 0 : i32
      %dma_wait3A_472 = tpu.memref_slice %arg10[%dma_wait3A_471] : memref<1638400xf32, #tpu.memory_space<vmem_shared>> -> memref<1638400xf32, #tpu.memory_space<vmem_shared>>
      tpu.wait_indirect_dma semaphore(%arg11 : memref<!tpu.dma_semaphore, #tpu.memory_space<semaphore_mem>>) src(%dma_wait3A_467 : memref<128xf32, #tpu.memory_space<vmem>>) dst(%dma_wait3A_472 : memref<1638400xf32, #tpu.memory_space<vmem_shared>>)
      %dma_wait3A_473 = arith.constant 18 : i32
      %dma_wait3A_474 = arith.constant 18 : i32
      %dma_wait3A_475 = arith.constant 0 : i32
      %dma_wait3A_476 = tpu.memref_slice %arg8[%dma_wait3A_473, %dma_wait3A_475] : memref<33x128xf32, #tpu.memory_space<vmem>> -> memref<1x128xf32, #tpu.memory_space<vmem>>
      %dma_wait3A_477 = tpu.memref_squeeze %dma_wait3A_476 : memref<1x128xf32, #tpu.memory_space<vmem>> -> memref<128xf32, #tpu.memory_space<vmem>>
      %dma_wait3A_478 = arith.constant 0 : i32
      %dma_wait3A_479 = tpu.memref_slice %arg7[%dma_wait3A_474, %dma_wait3A_478] : memref<33x128xi32, #tpu.memory_space<vmem>> -> memref<1x128xi32, #tpu.memory_space<vmem>>
      %dma_wait3A_480 = tpu.memref_squeeze %dma_wait3A_479 : memref<1x128xi32, #tpu.memory_space<vmem>> -> memref<128xi32, #tpu.memory_space<vmem>>
      %dma_wait3A_481 = arith.constant 0 : i32
      %dma_wait3A_482 = tpu.memref_slice %arg10[%dma_wait3A_481] : memref<1638400xf32, #tpu.memory_space<vmem_shared>> -> memref<1638400xf32, #tpu.memory_space<vmem_shared>>
      tpu.wait_indirect_dma semaphore(%arg11 : memref<!tpu.dma_semaphore, #tpu.memory_space<semaphore_mem>>) src(%dma_wait3A_477 : memref<128xf32, #tpu.memory_space<vmem>>) dst(%dma_wait3A_482 : memref<1638400xf32, #tpu.memory_space<vmem_shared>>)
      %dma_wait3A_483 = arith.constant 19 : i32
      %dma_wait3A_484 = arith.constant 19 : i32
      %dma_wait3A_485 = arith.constant 0 : i32
      %dma_wait3A_486 = tpu.memref_slice %arg8[%dma_wait3A_483, %dma_wait3A_485] : memref<33x128xf32, #tpu.memory_space<vmem>> -> memref<1x128xf32, #tpu.memory_space<vmem>>
      %dma_wait3A_487 = tpu.memref_squeeze %dma_wait3A_486 : memref<1x128xf32, #tpu.memory_space<vmem>> -> memref<128xf32, #tpu.memory_space<vmem>>
      %dma_wait3A_488 = arith.constant 0 : i32
      %dma_wait3A_489 = tpu.memref_slice %arg7[%dma_wait3A_484, %dma_wait3A_488] : memref<33x128xi32, #tpu.memory_space<vmem>> -> memref<1x128xi32, #tpu.memory_space<vmem>>
      %dma_wait3A_490 = tpu.memref_squeeze %dma_wait3A_489 : memref<1x128xi32, #tpu.memory_space<vmem>> -> memref<128xi32, #tpu.memory_space<vmem>>
      %dma_wait3A_491 = arith.constant 0 : i32
      %dma_wait3A_492 = tpu.memref_slice %arg10[%dma_wait3A_491] : memref<1638400xf32, #tpu.memory_space<vmem_shared>> -> memref<1638400xf32, #tpu.memory_space<vmem_shared>>
      tpu.wait_indirect_dma semaphore(%arg11 : memref<!tpu.dma_semaphore, #tpu.memory_space<semaphore_mem>>) src(%dma_wait3A_487 : memref<128xf32, #tpu.memory_space<vmem>>) dst(%dma_wait3A_492 : memref<1638400xf32, #tpu.memory_space<vmem_shared>>)
      %dma_wait3A_493 = arith.constant 20 : i32
      %dma_wait3A_494 = arith.constant 20 : i32
      %dma_wait3A_495 = arith.constant 0 : i32
      %dma_wait3A_496 = tpu.memref_slice %arg8[%dma_wait3A_493, %dma_wait3A_495] : memref<33x128xf32, #tpu.memory_space<vmem>> -> memref<1x128xf32, #tpu.memory_space<vmem>>
      %dma_wait3A_497 = tpu.memref_squeeze %dma_wait3A_496 : memref<1x128xf32, #tpu.memory_space<vmem>> -> memref<128xf32, #tpu.memory_space<vmem>>
      %dma_wait3A_498 = arith.constant 0 : i32
      %dma_wait3A_499 = tpu.memref_slice %arg7[%dma_wait3A_494, %dma_wait3A_498] : memref<33x128xi32, #tpu.memory_space<vmem>> -> memref<1x128xi32, #tpu.memory_space<vmem>>
      %dma_wait3A_500 = tpu.memref_squeeze %dma_wait3A_499 : memref<1x128xi32, #tpu.memory_space<vmem>> -> memref<128xi32, #tpu.memory_space<vmem>>
      %dma_wait3A_501 = arith.constant 0 : i32
      %dma_wait3A_502 = tpu.memref_slice %arg10[%dma_wait3A_501] : memref<1638400xf32, #tpu.memory_space<vmem_shared>> -> memref<1638400xf32, #tpu.memory_space<vmem_shared>>
      tpu.wait_indirect_dma semaphore(%arg11 : memref<!tpu.dma_semaphore, #tpu.memory_space<semaphore_mem>>) src(%dma_wait3A_497 : memref<128xf32, #tpu.memory_space<vmem>>) dst(%dma_wait3A_502 : memref<1638400xf32, #tpu.memory_space<vmem_shared>>)
      %dma_wait3A_503 = arith.constant 21 : i32
      %dma_wait3A_504 = arith.constant 21 : i32
      %dma_wait3A_505 = arith.constant 0 : i32
      %dma_wait3A_506 = tpu.memref_slice %arg8[%dma_wait3A_503, %dma_wait3A_505] : memref<33x128xf32, #tpu.memory_space<vmem>> -> memref<1x128xf32, #tpu.memory_space<vmem>>
      %dma_wait3A_507 = tpu.memref_squeeze %dma_wait3A_506 : memref<1x128xf32, #tpu.memory_space<vmem>> -> memref<128xf32, #tpu.memory_space<vmem>>
      %dma_wait3A_508 = arith.constant 0 : i32
      %dma_wait3A_509 = tpu.memref_slice %arg7[%dma_wait3A_504, %dma_wait3A_508] : memref<33x128xi32, #tpu.memory_space<vmem>> -> memref<1x128xi32, #tpu.memory_space<vmem>>
      %dma_wait3A_510 = tpu.memref_squeeze %dma_wait3A_509 : memref<1x128xi32, #tpu.memory_space<vmem>> -> memref<128xi32, #tpu.memory_space<vmem>>
      %dma_wait3A_511 = arith.constant 0 : i32
      %dma_wait3A_512 = tpu.memref_slice %arg10[%dma_wait3A_511] : memref<1638400xf32, #tpu.memory_space<vmem_shared>> -> memref<1638400xf32, #tpu.memory_space<vmem_shared>>
      tpu.wait_indirect_dma semaphore(%arg11 : memref<!tpu.dma_semaphore, #tpu.memory_space<semaphore_mem>>) src(%dma_wait3A_507 : memref<128xf32, #tpu.memory_space<vmem>>) dst(%dma_wait3A_512 : memref<1638400xf32, #tpu.memory_space<vmem_shared>>)
      %dma_wait3A_513 = arith.constant 22 : i32
      %dma_wait3A_514 = arith.constant 22 : i32
      %dma_wait3A_515 = arith.constant 0 : i32
      %dma_wait3A_516 = tpu.memref_slice %arg8[%dma_wait3A_513, %dma_wait3A_515] : memref<33x128xf32, #tpu.memory_space<vmem>> -> memref<1x128xf32, #tpu.memory_space<vmem>>
      %dma_wait3A_517 = tpu.memref_squeeze %dma_wait3A_516 : memref<1x128xf32, #tpu.memory_space<vmem>> -> memref<128xf32, #tpu.memory_space<vmem>>
      %dma_wait3A_518 = arith.constant 0 : i32
      %dma_wait3A_519 = tpu.memref_slice %arg7[%dma_wait3A_514, %dma_wait3A_518] : memref<33x128xi32, #tpu.memory_space<vmem>> -> memref<1x128xi32, #tpu.memory_space<vmem>>
      %dma_wait3A_520 = tpu.memref_squeeze %dma_wait3A_519 : memref<1x128xi32, #tpu.memory_space<vmem>> -> memref<128xi32, #tpu.memory_space<vmem>>
      %dma_wait3A_521 = arith.constant 0 : i32
      %dma_wait3A_522 = tpu.memref_slice %arg10[%dma_wait3A_521] : memref<1638400xf32, #tpu.memory_space<vmem_shared>> -> memref<1638400xf32, #tpu.memory_space<vmem_shared>>
      tpu.wait_indirect_dma semaphore(%arg11 : memref<!tpu.dma_semaphore, #tpu.memory_space<semaphore_mem>>) src(%dma_wait3A_517 : memref<128xf32, #tpu.memory_space<vmem>>) dst(%dma_wait3A_522 : memref<1638400xf32, #tpu.memory_space<vmem_shared>>)
      %dma_wait3A_523 = arith.constant 23 : i32
      %dma_wait3A_524 = arith.constant 23 : i32
      %dma_wait3A_525 = arith.constant 0 : i32
      %dma_wait3A_526 = tpu.memref_slice %arg8[%dma_wait3A_523, %dma_wait3A_525] : memref<33x128xf32, #tpu.memory_space<vmem>> -> memref<1x128xf32, #tpu.memory_space<vmem>>
      %dma_wait3A_527 = tpu.memref_squeeze %dma_wait3A_526 : memref<1x128xf32, #tpu.memory_space<vmem>> -> memref<128xf32, #tpu.memory_space<vmem>>
      %dma_wait3A_528 = arith.constant 0 : i32
      %dma_wait3A_529 = tpu.memref_slice %arg7[%dma_wait3A_524, %dma_wait3A_528] : memref<33x128xi32, #tpu.memory_space<vmem>> -> memref<1x128xi32, #tpu.memory_space<vmem>>
      %dma_wait3A_530 = tpu.memref_squeeze %dma_wait3A_529 : memref<1x128xi32, #tpu.memory_space<vmem>> -> memref<128xi32, #tpu.memory_space<vmem>>
      %dma_wait3A_531 = arith.constant 0 : i32
      %dma_wait3A_532 = tpu.memref_slice %arg10[%dma_wait3A_531] : memref<1638400xf32, #tpu.memory_space<vmem_shared>> -> memref<1638400xf32, #tpu.memory_space<vmem_shared>>
      tpu.wait_indirect_dma semaphore(%arg11 : memref<!tpu.dma_semaphore, #tpu.memory_space<semaphore_mem>>) src(%dma_wait3A_527 : memref<128xf32, #tpu.memory_space<vmem>>) dst(%dma_wait3A_532 : memref<1638400xf32, #tpu.memory_space<vmem_shared>>)
      %dma_wait3A_533 = arith.constant 24 : i32
      %dma_wait3A_534 = arith.constant 24 : i32
      %dma_wait3A_535 = arith.constant 0 : i32
      %dma_wait3A_536 = tpu.memref_slice %arg8[%dma_wait3A_533, %dma_wait3A_535] : memref<33x128xf32, #tpu.memory_space<vmem>> -> memref<1x128xf32, #tpu.memory_space<vmem>>
      %dma_wait3A_537 = tpu.memref_squeeze %dma_wait3A_536 : memref<1x128xf32, #tpu.memory_space<vmem>> -> memref<128xf32, #tpu.memory_space<vmem>>
      %dma_wait3A_538 = arith.constant 0 : i32
      %dma_wait3A_539 = tpu.memref_slice %arg7[%dma_wait3A_534, %dma_wait3A_538] : memref<33x128xi32, #tpu.memory_space<vmem>> -> memref<1x128xi32, #tpu.memory_space<vmem>>
      %dma_wait3A_540 = tpu.memref_squeeze %dma_wait3A_539 : memref<1x128xi32, #tpu.memory_space<vmem>> -> memref<128xi32, #tpu.memory_space<vmem>>
      %dma_wait3A_541 = arith.constant 0 : i32
      %dma_wait3A_542 = tpu.memref_slice %arg10[%dma_wait3A_541] : memref<1638400xf32, #tpu.memory_space<vmem_shared>> -> memref<1638400xf32, #tpu.memory_space<vmem_shared>>
      tpu.wait_indirect_dma semaphore(%arg11 : memref<!tpu.dma_semaphore, #tpu.memory_space<semaphore_mem>>) src(%dma_wait3A_537 : memref<128xf32, #tpu.memory_space<vmem>>) dst(%dma_wait3A_542 : memref<1638400xf32, #tpu.memory_space<vmem_shared>>)
      %dma_wait3A_543 = arith.constant 25 : i32
      %dma_wait3A_544 = arith.constant 25 : i32
      %dma_wait3A_545 = arith.constant 0 : i32
      %dma_wait3A_546 = tpu.memref_slice %arg8[%dma_wait3A_543, %dma_wait3A_545] : memref<33x128xf32, #tpu.memory_space<vmem>> -> memref<1x128xf32, #tpu.memory_space<vmem>>
      %dma_wait3A_547 = tpu.memref_squeeze %dma_wait3A_546 : memref<1x128xf32, #tpu.memory_space<vmem>> -> memref<128xf32, #tpu.memory_space<vmem>>
      %dma_wait3A_548 = arith.constant 0 : i32
      %dma_wait3A_549 = tpu.memref_slice %arg7[%dma_wait3A_544, %dma_wait3A_548] : memref<33x128xi32, #tpu.memory_space<vmem>> -> memref<1x128xi32, #tpu.memory_space<vmem>>
      %dma_wait3A_550 = tpu.memref_squeeze %dma_wait3A_549 : memref<1x128xi32, #tpu.memory_space<vmem>> -> memref<128xi32, #tpu.memory_space<vmem>>
      %dma_wait3A_551 = arith.constant 0 : i32
      %dma_wait3A_552 = tpu.memref_slice %arg10[%dma_wait3A_551] : memref<1638400xf32, #tpu.memory_space<vmem_shared>> -> memref<1638400xf32, #tpu.memory_space<vmem_shared>>
      tpu.wait_indirect_dma semaphore(%arg11 : memref<!tpu.dma_semaphore, #tpu.memory_space<semaphore_mem>>) src(%dma_wait3A_547 : memref<128xf32, #tpu.memory_space<vmem>>) dst(%dma_wait3A_552 : memref<1638400xf32, #tpu.memory_space<vmem_shared>>)
      %dma_wait3A_553 = arith.constant 26 : i32
      %dma_wait3A_554 = arith.constant 26 : i32
      %dma_wait3A_555 = arith.constant 0 : i32
      %dma_wait3A_556 = tpu.memref_slice %arg8[%dma_wait3A_553, %dma_wait3A_555] : memref<33x128xf32, #tpu.memory_space<vmem>> -> memref<1x128xf32, #tpu.memory_space<vmem>>
      %dma_wait3A_557 = tpu.memref_squeeze %dma_wait3A_556 : memref<1x128xf32, #tpu.memory_space<vmem>> -> memref<128xf32, #tpu.memory_space<vmem>>
      %dma_wait3A_558 = arith.constant 0 : i32
      %dma_wait3A_559 = tpu.memref_slice %arg7[%dma_wait3A_554, %dma_wait3A_558] : memref<33x128xi32, #tpu.memory_space<vmem>> -> memref<1x128xi32, #tpu.memory_space<vmem>>
      %dma_wait3A_560 = tpu.memref_squeeze %dma_wait3A_559 : memref<1x128xi32, #tpu.memory_space<vmem>> -> memref<128xi32, #tpu.memory_space<vmem>>
      %dma_wait3A_561 = arith.constant 0 : i32
      %dma_wait3A_562 = tpu.memref_slice %arg10[%dma_wait3A_561] : memref<1638400xf32, #tpu.memory_space<vmem_shared>> -> memref<1638400xf32, #tpu.memory_space<vmem_shared>>
      tpu.wait_indirect_dma semaphore(%arg11 : memref<!tpu.dma_semaphore, #tpu.memory_space<semaphore_mem>>) src(%dma_wait3A_557 : memref<128xf32, #tpu.memory_space<vmem>>) dst(%dma_wait3A_562 : memref<1638400xf32, #tpu.memory_space<vmem_shared>>)
      %dma_wait3A_563 = arith.constant 27 : i32
      %dma_wait3A_564 = arith.constant 27 : i32
      %dma_wait3A_565 = arith.constant 0 : i32
      %dma_wait3A_566 = tpu.memref_slice %arg8[%dma_wait3A_563, %dma_wait3A_565] : memref<33x128xf32, #tpu.memory_space<vmem>> -> memref<1x128xf32, #tpu.memory_space<vmem>>
      %dma_wait3A_567 = tpu.memref_squeeze %dma_wait3A_566 : memref<1x128xf32, #tpu.memory_space<vmem>> -> memref<128xf32, #tpu.memory_space<vmem>>
      %dma_wait3A_568 = arith.constant 0 : i32
      %dma_wait3A_569 = tpu.memref_slice %arg7[%dma_wait3A_564, %dma_wait3A_568] : memref<33x128xi32, #tpu.memory_space<vmem>> -> memref<1x128xi32, #tpu.memory_space<vmem>>
      %dma_wait3A_570 = tpu.memref_squeeze %dma_wait3A_569 : memref<1x128xi32, #tpu.memory_space<vmem>> -> memref<128xi32, #tpu.memory_space<vmem>>
      %dma_wait3A_571 = arith.constant 0 : i32
      %dma_wait3A_572 = tpu.memref_slice %arg10[%dma_wait3A_571] : memref<1638400xf32, #tpu.memory_space<vmem_shared>> -> memref<1638400xf32, #tpu.memory_space<vmem_shared>>
      tpu.wait_indirect_dma semaphore(%arg11 : memref<!tpu.dma_semaphore, #tpu.memory_space<semaphore_mem>>) src(%dma_wait3A_567 : memref<128xf32, #tpu.memory_space<vmem>>) dst(%dma_wait3A_572 : memref<1638400xf32, #tpu.memory_space<vmem_shared>>)
      %dma_wait3A_573 = arith.constant 28 : i32
      %dma_wait3A_574 = arith.constant 28 : i32
      %dma_wait3A_575 = arith.constant 0 : i32
      %dma_wait3A_576 = tpu.memref_slice %arg8[%dma_wait3A_573, %dma_wait3A_575] : memref<33x128xf32, #tpu.memory_space<vmem>> -> memref<1x128xf32, #tpu.memory_space<vmem>>
      %dma_wait3A_577 = tpu.memref_squeeze %dma_wait3A_576 : memref<1x128xf32, #tpu.memory_space<vmem>> -> memref<128xf32, #tpu.memory_space<vmem>>
      %dma_wait3A_578 = arith.constant 0 : i32
      %dma_wait3A_579 = tpu.memref_slice %arg7[%dma_wait3A_574, %dma_wait3A_578] : memref<33x128xi32, #tpu.memory_space<vmem>> -> memref<1x128xi32, #tpu.memory_space<vmem>>
      %dma_wait3A_580 = tpu.memref_squeeze %dma_wait3A_579 : memref<1x128xi32, #tpu.memory_space<vmem>> -> memref<128xi32, #tpu.memory_space<vmem>>
      %dma_wait3A_581 = arith.constant 0 : i32
      %dma_wait3A_582 = tpu.memref_slice %arg10[%dma_wait3A_581] : memref<1638400xf32, #tpu.memory_space<vmem_shared>> -> memref<1638400xf32, #tpu.memory_space<vmem_shared>>
      tpu.wait_indirect_dma semaphore(%arg11 : memref<!tpu.dma_semaphore, #tpu.memory_space<semaphore_mem>>) src(%dma_wait3A_577 : memref<128xf32, #tpu.memory_space<vmem>>) dst(%dma_wait3A_582 : memref<1638400xf32, #tpu.memory_space<vmem_shared>>)
      %dma_wait3A_583 = arith.constant 29 : i32
      %dma_wait3A_584 = arith.constant 29 : i32
      %dma_wait3A_585 = arith.constant 0 : i32
      %dma_wait3A_586 = tpu.memref_slice %arg8[%dma_wait3A_583, %dma_wait3A_585] : memref<33x128xf32, #tpu.memory_space<vmem>> -> memref<1x128xf32, #tpu.memory_space<vmem>>
      %dma_wait3A_587 = tpu.memref_squeeze %dma_wait3A_586 : memref<1x128xf32, #tpu.memory_space<vmem>> -> memref<128xf32, #tpu.memory_space<vmem>>
      %dma_wait3A_588 = arith.constant 0 : i32
      %dma_wait3A_589 = tpu.memref_slice %arg7[%dma_wait3A_584, %dma_wait3A_588] : memref<33x128xi32, #tpu.memory_space<vmem>> -> memref<1x128xi32, #tpu.memory_space<vmem>>
      %dma_wait3A_590 = tpu.memref_squeeze %dma_wait3A_589 : memref<1x128xi32, #tpu.memory_space<vmem>> -> memref<128xi32, #tpu.memory_space<vmem>>
      %dma_wait3A_591 = arith.constant 0 : i32
      %dma_wait3A_592 = tpu.memref_slice %arg10[%dma_wait3A_591] : memref<1638400xf32, #tpu.memory_space<vmem_shared>> -> memref<1638400xf32, #tpu.memory_space<vmem_shared>>
      tpu.wait_indirect_dma semaphore(%arg11 : memref<!tpu.dma_semaphore, #tpu.memory_space<semaphore_mem>>) src(%dma_wait3A_587 : memref<128xf32, #tpu.memory_space<vmem>>) dst(%dma_wait3A_592 : memref<1638400xf32, #tpu.memory_space<vmem_shared>>)
      %dma_wait3A_593 = arith.constant 30 : i32
      %dma_wait3A_594 = arith.constant 30 : i32
      %dma_wait3A_595 = arith.constant 0 : i32
      %dma_wait3A_596 = tpu.memref_slice %arg8[%dma_wait3A_593, %dma_wait3A_595] : memref<33x128xf32, #tpu.memory_space<vmem>> -> memref<1x128xf32, #tpu.memory_space<vmem>>
      %dma_wait3A_597 = tpu.memref_squeeze %dma_wait3A_596 : memref<1x128xf32, #tpu.memory_space<vmem>> -> memref<128xf32, #tpu.memory_space<vmem>>
      %dma_wait3A_598 = arith.constant 0 : i32
      %dma_wait3A_599 = tpu.memref_slice %arg7[%dma_wait3A_594, %dma_wait3A_598] : memref<33x128xi32, #tpu.memory_space<vmem>> -> memref<1x128xi32, #tpu.memory_space<vmem>>
      %dma_wait3A_600 = tpu.memref_squeeze %dma_wait3A_599 : memref<1x128xi32, #tpu.memory_space<vmem>> -> memref<128xi32, #tpu.memory_space<vmem>>
      %dma_wait3A_601 = arith.constant 0 : i32
      %dma_wait3A_602 = tpu.memref_slice %arg10[%dma_wait3A_601] : memref<1638400xf32, #tpu.memory_space<vmem_shared>> -> memref<1638400xf32, #tpu.memory_space<vmem_shared>>
      tpu.wait_indirect_dma semaphore(%arg11 : memref<!tpu.dma_semaphore, #tpu.memory_space<semaphore_mem>>) src(%dma_wait3A_597 : memref<128xf32, #tpu.memory_space<vmem>>) dst(%dma_wait3A_602 : memref<1638400xf32, #tpu.memory_space<vmem_shared>>)
      %dma_wait3A_603 = arith.constant 31 : i32
      %dma_wait3A_604 = arith.constant 31 : i32
      %dma_wait3A_605 = arith.constant 0 : i32
      %dma_wait3A_606 = tpu.memref_slice %arg8[%dma_wait3A_603, %dma_wait3A_605] : memref<33x128xf32, #tpu.memory_space<vmem>> -> memref<1x128xf32, #tpu.memory_space<vmem>>
      %dma_wait3A_607 = tpu.memref_squeeze %dma_wait3A_606 : memref<1x128xf32, #tpu.memory_space<vmem>> -> memref<128xf32, #tpu.memory_space<vmem>>
      %dma_wait3A_608 = arith.constant 0 : i32
      %dma_wait3A_609 = tpu.memref_slice %arg7[%dma_wait3A_604, %dma_wait3A_608] : memref<33x128xi32, #tpu.memory_space<vmem>> -> memref<1x128xi32, #tpu.memory_space<vmem>>
      %dma_wait3A_610 = tpu.memref_squeeze %dma_wait3A_609 : memref<1x128xi32, #tpu.memory_space<vmem>> -> memref<128xi32, #tpu.memory_space<vmem>>
      %dma_wait3A_611 = arith.constant 0 : i32
      %dma_wait3A_612 = tpu.memref_slice %arg10[%dma_wait3A_611] : memref<1638400xf32, #tpu.memory_space<vmem_shared>> -> memref<1638400xf32, #tpu.memory_space<vmem_shared>>
      tpu.wait_indirect_dma semaphore(%arg11 : memref<!tpu.dma_semaphore, #tpu.memory_space<semaphore_mem>>) src(%dma_wait3A_607 : memref<128xf32, #tpu.memory_space<vmem>>) dst(%dma_wait3A_612 : memref<1638400xf32, #tpu.memory_space<vmem_shared>>)
      %dma_wait3A_613 = arith.constant 32 : i32
      %dma_wait3A_614 = arith.constant 32 : i32
      %dma_wait3A_615 = arith.constant 0 : i32
      %dma_wait3A_616 = tpu.memref_slice %arg8[%dma_wait3A_613, %dma_wait3A_615] : memref<33x128xf32, #tpu.memory_space<vmem>> -> memref<1x128xf32, #tpu.memory_space<vmem>>
      %dma_wait3A_617 = tpu.memref_squeeze %dma_wait3A_616 : memref<1x128xf32, #tpu.memory_space<vmem>> -> memref<128xf32, #tpu.memory_space<vmem>>
      %dma_wait3A_618 = arith.constant 0 : i32
      %dma_wait3A_619 = tpu.memref_slice %arg7[%dma_wait3A_614, %dma_wait3A_618] : memref<33x128xi32, #tpu.memory_space<vmem>> -> memref<1x128xi32, #tpu.memory_space<vmem>>
      %dma_wait3A_620 = tpu.memref_squeeze %dma_wait3A_619 : memref<1x128xi32, #tpu.memory_space<vmem>> -> memref<128xi32, #tpu.memory_space<vmem>>
      %dma_wait3A_621 = arith.constant 0 : i32
      %dma_wait3A_622 = tpu.memref_slice %arg10[%dma_wait3A_621] : memref<1638400xf32, #tpu.memory_space<vmem_shared>> -> memref<1638400xf32, #tpu.memory_space<vmem_shared>>
      tpu.wait_indirect_dma semaphore(%arg11 : memref<!tpu.dma_semaphore, #tpu.memory_space<semaphore_mem>>) src(%dma_wait3A_617 : memref<128xf32, #tpu.memory_space<vmem>>) dst(%dma_wait3A_622 : memref<1638400xf32, #tpu.memory_space<vmem_shared>>)
    }
    %dma_wait3A = arith.constant 0 : i32
    %dma_wait3A_153 = tpu.memref_slice %arg2[%dma_wait3A] : memref<2000000xi32, #tpu.memory_space<hbm>> -> memref<4104xi32, #tpu.memory_space<hbm>>
    %dma_wait3A_154 = arith.constant 0 : i32
    %dma_wait3A_155 = tpu.memref_slice %arg2[%dma_wait3A_154] : memref<2000000xi32, #tpu.memory_space<hbm>> -> memref<4104xi32, #tpu.memory_space<hbm>>
    tpu.wait_dma2 semaphore(%arg12 : memref<!tpu.dma_semaphore, #tpu.memory_space<semaphore_mem>>) src(%dma_wait3A_155 : memref<4104xi32, #tpu.memory_space<hbm>>) dst(%arg5 : memref<4104xi32, #tpu.memory_space<vmem>>)
    %dma_wait3A_156 = arith.constant 0 : i32
    %dma_wait3A_157 = tpu.memref_slice %arg3[%dma_wait3A_156] : memref<2000000xi32, #tpu.memory_space<hbm>> -> memref<4104xi32, #tpu.memory_space<hbm>>
    %dma_wait3A_158 = arith.constant 0 : i32
    %dma_wait3A_159 = tpu.memref_slice %arg3[%dma_wait3A_158] : memref<2000000xi32, #tpu.memory_space<hbm>> -> memref<4104xi32, #tpu.memory_space<hbm>>
    tpu.wait_dma2 semaphore(%arg12 : memref<!tpu.dma_semaphore, #tpu.memory_space<semaphore_mem>>) src(%dma_wait3A_159 : memref<4104xi32, #tpu.memory_space<hbm>>) dst(%arg6 : memref<4104xi32, #tpu.memory_space<vmem>>)
    %barrier3A_160 = arith.constant 0 : index
    tpu.barrier barrier_id(%barrier3A_160)
    %scan3A_161 = arith.constant 0 : i32
    %scan3A_162 = arith.constant 0 : i32
    %scan3A_163 = arith.constant 25 : i32
    %scan3A_164 = arith.addi %scan3A_162, %scan3A_163 : i32
    %scan3A_165 = arith.constant 1 : i32
    scf.for %scan3A_173 = %scan3A_162 to %scan3A_164 step %scan3A_165  : i32 {
      %mul3A_174 = arith.constant 102400 : i32
      %mul3A_175 = arith.muli %arg1, %mul3A_174 : i32
      %mul3A_176 = arith.constant 4096 : i32
      %mul3A_177 = arith.muli %scan3A_173, %mul3A_176 : i32
      %add3A_178 = arith.addi %mul3A_175, %mul3A_177 : i32
      %mul3A_179 = arith.constant 1638400 : i32
      %mul3A_180 = arith.muli %arg0, %mul3A_179 : i32
      %add3A_181 = arith.addi %mul3A_180, %add3A_178 : i32
      %dma_start3A_182 = tpu.memref_slice %arg4[%add3A_181] : memref<3276800xf32, #tpu.memory_space<hbm>> -> memref<4096xf32, #tpu.memory_space<hbm>>
      %dma_start3A_183 = tpu.memref_slice %arg10[%add3A_178] : memref<1638400xf32, #tpu.memory_space<vmem_shared>> -> memref<4096xf32, #tpu.memory_space<vmem_shared>>
      tpu.enqueue_dma source(%dma_start3A_183 : memref<4096xf32, #tpu.memory_space<vmem_shared>>) target(%dma_start3A_182 : memref<4096xf32, #tpu.memory_space<hbm>>) target_semaphore(%arg11 : memref<!tpu.dma_semaphore, #tpu.memory_space<semaphore_mem>>)
    }
    %scan3A_166 = arith.constant 25 : i32
    %scan3A_167 = arith.constant 0 : i32
    %scan3A_168 = arith.constant 0 : i32
    %scan3A_169 = arith.constant 25 : i32
    %scan3A_170 = arith.addi %scan3A_168, %scan3A_169 : i32
    %scan3A_171 = arith.constant 1 : i32
    scf.for %scan3A_173 = %scan3A_168 to %scan3A_170 step %scan3A_171  : i32 {
      %mul3A_174 = arith.constant 102400 : i32
      %mul3A_175 = arith.muli %arg1, %mul3A_174 : i32
      %mul3A_176 = arith.constant 4096 : i32
      %mul3A_177 = arith.muli %scan3A_173, %mul3A_176 : i32
      %add3A_178 = arith.addi %mul3A_175, %mul3A_177 : i32
      %mul3A_179 = arith.constant 1638400 : i32
      %mul3A_180 = arith.muli %arg0, %mul3A_179 : i32
      %add3A_181 = arith.addi %mul3A_180, %add3A_178 : i32
      %dma_wait3A_182 = tpu.memref_slice %arg4[%add3A_181] : memref<3276800xf32, #tpu.memory_space<hbm>> -> memref<4096xf32, #tpu.memory_space<hbm>>
      %dma_wait3A_183 = tpu.memref_slice %arg10[%add3A_178] : memref<1638400xf32, #tpu.memory_space<vmem_shared>> -> memref<4096xf32, #tpu.memory_space<vmem_shared>>
      tpu.wait_dma2 semaphore(%arg11 : memref<!tpu.dma_semaphore, #tpu.memory_space<semaphore_mem>>) src(%dma_wait3A_183 : memref<4096xf32, #tpu.memory_space<vmem_shared>>) dst(%dma_wait3A_182 : memref<4096xf32, #tpu.memory_space<hbm>>)
    }
    %scan3A_172 = arith.constant 25 : i32
    return
  }
}

module attributes {stable_mosaic.version = 14 : i64} {
  func.func @_tc_post_body(%arg0: i32, %arg1: memref<2x2048x400xf32, #tpu.memory_space<vmem>>, %arg2: memref<1x20xf32, #tpu.memory_space<vmem>>, %arg3: memref<400x512xf32, #tpu.memory_space<vmem>>, %arg4: memref<1x512xf32, #tpu.memory_space<vmem>>, %arg5: memref<2048x512xf32, #tpu.memory_space<vmem>>) attributes {dimension_semantics = [#tpu.dimension_semantics<arbitrary>], iteration_bounds = array<i64: 2>, scalar_prefetch = 0 : i64, scratch_operands = 0 : i64, tpu.core_type = #tpu.core_type<tc>, window_params = [{transform_indices = @transform_0, window_bounds = array<i64: 2, 2048, 400>}, {pipeline_mode = #tpu.pipeline_mode<synchronous>, transform_indices = @transform_1, window_bounds = array<i64: 1, 20>}, {pipeline_mode = #tpu.pipeline_mode<synchronous>, transform_indices = @transform_2, window_bounds = array<i64: 400, 512>}, {pipeline_mode = #tpu.pipeline_mode<synchronous>, transform_indices = @transform_3, window_bounds = array<i64: 1, 512>}, {transform_indices = @transform_4, window_bounds = array<i64: 2048, 512>}]} {
    %get3A = arith.constant 0 : index
    %get3A_0 = arith.constant 0 : index
    %get3A_1 = arith.constant 0 : index
    %get3A_2 = vector.load %arg1[%get3A, %get3A_0, %get3A_1] : memref<2x2048x400xf32, #tpu.memory_space<vmem>>, vector<1x2048x400xf32>
    %get3A_3 = vector.shape_cast %get3A_2 : vector<1x2048x400xf32> to vector<2048x400xf32>
    %get3A_4 = arith.constant 1 : index
    %get3A_5 = arith.constant 0 : index
    %get3A_6 = arith.constant 0 : index
    %get3A_7 = vector.load %arg1[%get3A_4, %get3A_5, %get3A_6] : memref<2x2048x400xf32, #tpu.memory_space<vmem>>, vector<1x2048x400xf32>
    %get3A_8 = vector.shape_cast %get3A_7 : vector<1x2048x400xf32> to vector<2048x400xf32>
    %add3A = arith.addf %get3A_3, %get3A_8 : vector<2048x400xf32>
    %reduce_sum3A = arith.constant dense<0.000000e+00> : vector<2048xf32>
    %reduce_sum3A_9 = vector.multi_reduction <add>, %add3A, %reduce_sum3A [1] : vector<2048x400xf32> to vector<2048xf32>
    %broadcast_in_dim3A = vector.shape_cast %reduce_sum3A_9 : vector<2048xf32> to vector<2048x1xf32>
    %add3A_10 = arith.constant 1.000000e-10 : f32
    %add3A_11 = vector.broadcast %add3A_10 : f32 to vector<2048x1xf32>
    %add3A_12 = arith.addf %broadcast_in_dim3A, %add3A_11 : vector<2048x1xf32>
    %div3A = vector.broadcast %add3A_12 : vector<2048x1xf32> to vector<2048x400xf32>
    %div3A_13 = arith.divf %add3A, %div3A : vector<2048x400xf32>
    %add3A_14 = arith.constant 1.000000e+00 : f32
    %add3A_15 = vector.broadcast %add3A_14 : f32 to vector<2048x1xf32>
    %add3A_16 = arith.addf %broadcast_in_dim3A, %add3A_15 : vector<2048x1xf32>
    %iota3A = tpu.iota {dimensions = array<i32: 1>} : vector<1x400xi32>
    %jit3A = arith.constant 20 : i32
    %div3A_17 = vector.broadcast %jit3A : i32 to vector<1x400xi32>
    %div3A_18 = arith.divsi %iota3A, %div3A_17 : vector<1x400xi32>
    %sign3A = arith.constant 0 : i32
    %sign3A_19 = vector.broadcast %sign3A : i32 to vector<1x400xi32>
    %sign3A_20 = arith.cmpi sgt, %iota3A, %sign3A_19 : vector<1x400xi32>
    %sign3A_21 = arith.extui %sign3A_20 : vector<1x400xi1> to vector<1x400xi32>
    %sign3A_22 = arith.constant 0 : i32
    %sign3A_23 = vector.broadcast %sign3A_22 : i32 to vector<1x400xi32>
    %sign3A_24 = arith.cmpi slt, %iota3A, %sign3A_23 : vector<1x400xi32>
    %sign3A_25 = arith.extui %sign3A_24 : vector<1x400xi1> to vector<1x400xi32>
    %sign3A_26 = arith.subi %sign3A_21, %sign3A_25 : vector<1x400xi32>
    %sign3A_27 = arith.constant 0 : i32
    %sign3A_28 = arith.cmpi sgt, %jit3A, %sign3A_27 : i32
    %sign3A_29 = arith.extui %sign3A_28 : i1 to i32
    %sign3A_30 = arith.constant 0 : i32
    %sign3A_31 = arith.cmpi slt, %jit3A, %sign3A_30 : i32
    %sign3A_32 = arith.extui %sign3A_31 : i1 to i32
    %sign3A_33 = arith.subi %sign3A_29, %sign3A_32 : i32
    %ne3A = vector.broadcast %sign3A_33 : i32 to vector<1x400xi32>
    %ne3A_34 = arith.cmpi ne, %sign3A_26, %ne3A : vector<1x400xi32>
    %rem3A = vector.broadcast %jit3A : i32 to vector<1x400xi32>
    %rem3A_35 = arith.remsi %iota3A, %rem3A : vector<1x400xi32>
    %ne3A_36 = arith.constant 0 : i32
    %ne3A_37 = vector.broadcast %ne3A_36 : i32 to vector<1x400xi32>
    %ne3A_38 = arith.cmpi ne, %rem3A_35, %ne3A_37 : vector<1x400xi32>
    %and3A = arith.andi %ne3A_34, %ne3A_38 : vector<1x400xi1>
    %sub3A = arith.constant 1 : i32
    %sub3A_39 = vector.broadcast %sub3A : i32 to vector<1x400xi32>
    %sub3A_40 = arith.subi %div3A_18, %sub3A_39 : vector<1x400xi32>
    %select_n3A = arith.select %and3A, %sub3A_40, %div3A_18 : vector<1x400xi1>, vector<1x400xi32>
    %mul3A = arith.constant 20 : i32
    %mul3A_41 = vector.broadcast %mul3A : i32 to vector<1x400xi32>
    %mul3A_42 = arith.muli %select_n3A, %mul3A_41 : vector<1x400xi32>
    %sub3A_43 = arith.subi %iota3A, %mul3A_42 : vector<1x400xi32>
    %broadcast_in_dim3A_44 = arith.constant 0.000000e+00 : f32
    %broadcast_in_dim3A_45 = vector.broadcast %broadcast_in_dim3A_44 : f32 to vector<1x400xf32>
    %broadcast_in_dim3A_46 = arith.constant 0.000000e+00 : f32
    %broadcast_in_dim3A_47 = vector.broadcast %broadcast_in_dim3A_46 : f32 to vector<1x400xf32>
    %get3A_48 = arith.constant 0 : index
    %get3A_49 = arith.constant 0 : index
    %get3A_50 = vector.load %arg2[%get3A_48, %get3A_49] : memref<1x20xf32, #tpu.memory_space<vmem>>, vector<1x1xf32>
    %get3A_51 = vector.extract %get3A_50[0, 0] : f32 from vector<1x1xf32>
    %eq3A = arith.constant 0 : i32
    %eq3A_52 = vector.broadcast %eq3A : i32 to vector<1x400xi32>
    %eq3A_53 = arith.cmpi eq, %select_n3A, %eq3A_52 : vector<1x400xi32>
    %broadcast_in_dim3A_54 = vector.broadcast %get3A_51 : f32 to vector<1x400xf32>
    %select_n3A_55 = arith.select %eq3A_53, %broadcast_in_dim3A_54, %broadcast_in_dim3A_45 : vector<1x400xi1>, vector<1x400xf32>
    %eq3A_56 = arith.constant 0 : i32
    %eq3A_57 = vector.broadcast %eq3A_56 : i32 to vector<1x400xi32>
    %eq3A_58 = arith.cmpi eq, %sub3A_43, %eq3A_57 : vector<1x400xi32>
    %broadcast_in_dim3A_59 = vector.broadcast %get3A_51 : f32 to vector<1x400xf32>
    %select_n3A_60 = arith.select %eq3A_58, %broadcast_in_dim3A_59, %broadcast_in_dim3A_47 : vector<1x400xi1>, vector<1x400xf32>
    %get3A_61 = arith.constant 0 : index
    %get3A_62 = arith.constant 1 : index
    %get3A_63 = vector.load %arg2[%get3A_61, %get3A_62] : memref<1x20xf32, #tpu.memory_space<vmem>>, vector<1x1xf32>
    %get3A_64 = vector.extract %get3A_63[0, 0] : f32 from vector<1x1xf32>
    %eq3A_65 = arith.constant 1 : i32
    %eq3A_66 = vector.broadcast %eq3A_65 : i32 to vector<1x400xi32>
    %eq3A_67 = arith.cmpi eq, %select_n3A, %eq3A_66 : vector<1x400xi32>
    %broadcast_in_dim3A_68 = vector.broadcast %get3A_64 : f32 to vector<1x400xf32>
    %select_n3A_69 = arith.select %eq3A_67, %broadcast_in_dim3A_68, %select_n3A_55 : vector<1x400xi1>, vector<1x400xf32>
    %eq3A_70 = arith.constant 1 : i32
    %eq3A_71 = vector.broadcast %eq3A_70 : i32 to vector<1x400xi32>
    %eq3A_72 = arith.cmpi eq, %sub3A_43, %eq3A_71 : vector<1x400xi32>
    %broadcast_in_dim3A_73 = vector.broadcast %get3A_64 : f32 to vector<1x400xf32>
    %select_n3A_74 = arith.select %eq3A_72, %broadcast_in_dim3A_73, %select_n3A_60 : vector<1x400xi1>, vector<1x400xf32>
    %get3A_75 = arith.constant 0 : index
    %get3A_76 = arith.constant 2 : index
    %get3A_77 = vector.load %arg2[%get3A_75, %get3A_76] : memref<1x20xf32, #tpu.memory_space<vmem>>, vector<1x1xf32>
    %get3A_78 = vector.extract %get3A_77[0, 0] : f32 from vector<1x1xf32>
    %eq3A_79 = arith.constant 2 : i32
    %eq3A_80 = vector.broadcast %eq3A_79 : i32 to vector<1x400xi32>
    %eq3A_81 = arith.cmpi eq, %select_n3A, %eq3A_80 : vector<1x400xi32>
    %broadcast_in_dim3A_82 = vector.broadcast %get3A_78 : f32 to vector<1x400xf32>
    %select_n3A_83 = arith.select %eq3A_81, %broadcast_in_dim3A_82, %select_n3A_69 : vector<1x400xi1>, vector<1x400xf32>
    %eq3A_84 = arith.constant 2 : i32
    %eq3A_85 = vector.broadcast %eq3A_84 : i32 to vector<1x400xi32>
    %eq3A_86 = arith.cmpi eq, %sub3A_43, %eq3A_85 : vector<1x400xi32>
    %broadcast_in_dim3A_87 = vector.broadcast %get3A_78 : f32 to vector<1x400xf32>
    %select_n3A_88 = arith.select %eq3A_86, %broadcast_in_dim3A_87, %select_n3A_74 : vector<1x400xi1>, vector<1x400xf32>
    %get3A_89 = arith.constant 0 : index
    %get3A_90 = arith.constant 3 : index
    %get3A_91 = vector.load %arg2[%get3A_89, %get3A_90] : memref<1x20xf32, #tpu.memory_space<vmem>>, vector<1x1xf32>
    %get3A_92 = vector.extract %get3A_91[0, 0] : f32 from vector<1x1xf32>
    %eq3A_93 = arith.constant 3 : i32
    %eq3A_94 = vector.broadcast %eq3A_93 : i32 to vector<1x400xi32>
    %eq3A_95 = arith.cmpi eq, %select_n3A, %eq3A_94 : vector<1x400xi32>
    %broadcast_in_dim3A_96 = vector.broadcast %get3A_92 : f32 to vector<1x400xf32>
    %select_n3A_97 = arith.select %eq3A_95, %broadcast_in_dim3A_96, %select_n3A_83 : vector<1x400xi1>, vector<1x400xf32>
    %eq3A_98 = arith.constant 3 : i32
    %eq3A_99 = vector.broadcast %eq3A_98 : i32 to vector<1x400xi32>
    %eq3A_100 = arith.cmpi eq, %sub3A_43, %eq3A_99 : vector<1x400xi32>
    %broadcast_in_dim3A_101 = vector.broadcast %get3A_92 : f32 to vector<1x400xf32>
    %select_n3A_102 = arith.select %eq3A_100, %broadcast_in_dim3A_101, %select_n3A_88 : vector<1x400xi1>, vector<1x400xf32>
    %get3A_103 = arith.constant 0 : index
    %get3A_104 = arith.constant 4 : index
    %get3A_105 = vector.load %arg2[%get3A_103, %get3A_104] : memref<1x20xf32, #tpu.memory_space<vmem>>, vector<1x1xf32>
    %get3A_106 = vector.extract %get3A_105[0, 0] : f32 from vector<1x1xf32>
    %eq3A_107 = arith.constant 4 : i32
    %eq3A_108 = vector.broadcast %eq3A_107 : i32 to vector<1x400xi32>
    %eq3A_109 = arith.cmpi eq, %select_n3A, %eq3A_108 : vector<1x400xi32>
    %broadcast_in_dim3A_110 = vector.broadcast %get3A_106 : f32 to vector<1x400xf32>
    %select_n3A_111 = arith.select %eq3A_109, %broadcast_in_dim3A_110, %select_n3A_97 : vector<1x400xi1>, vector<1x400xf32>
    %eq3A_112 = arith.constant 4 : i32
    %eq3A_113 = vector.broadcast %eq3A_112 : i32 to vector<1x400xi32>
    %eq3A_114 = arith.cmpi eq, %sub3A_43, %eq3A_113 : vector<1x400xi32>
    %broadcast_in_dim3A_115 = vector.broadcast %get3A_106 : f32 to vector<1x400xf32>
    %select_n3A_116 = arith.select %eq3A_114, %broadcast_in_dim3A_115, %select_n3A_102 : vector<1x400xi1>, vector<1x400xf32>
    %get3A_117 = arith.constant 0 : index
    %get3A_118 = arith.constant 5 : index
    %get3A_119 = vector.load %arg2[%get3A_117, %get3A_118] : memref<1x20xf32, #tpu.memory_space<vmem>>, vector<1x1xf32>
    %get3A_120 = vector.extract %get3A_119[0, 0] : f32 from vector<1x1xf32>
    %eq3A_121 = arith.constant 5 : i32
    %eq3A_122 = vector.broadcast %eq3A_121 : i32 to vector<1x400xi32>
    %eq3A_123 = arith.cmpi eq, %select_n3A, %eq3A_122 : vector<1x400xi32>
    %broadcast_in_dim3A_124 = vector.broadcast %get3A_120 : f32 to vector<1x400xf32>
    %select_n3A_125 = arith.select %eq3A_123, %broadcast_in_dim3A_124, %select_n3A_111 : vector<1x400xi1>, vector<1x400xf32>
    %eq3A_126 = arith.constant 5 : i32
    %eq3A_127 = vector.broadcast %eq3A_126 : i32 to vector<1x400xi32>
    %eq3A_128 = arith.cmpi eq, %sub3A_43, %eq3A_127 : vector<1x400xi32>
    %broadcast_in_dim3A_129 = vector.broadcast %get3A_120 : f32 to vector<1x400xf32>
    %select_n3A_130 = arith.select %eq3A_128, %broadcast_in_dim3A_129, %select_n3A_116 : vector<1x400xi1>, vector<1x400xf32>
    %get3A_131 = arith.constant 0 : index
    %get3A_132 = arith.constant 6 : index
    %get3A_133 = vector.load %arg2[%get3A_131, %get3A_132] : memref<1x20xf32, #tpu.memory_space<vmem>>, vector<1x1xf32>
    %get3A_134 = vector.extract %get3A_133[0, 0] : f32 from vector<1x1xf32>
    %eq3A_135 = arith.constant 6 : i32
    %eq3A_136 = vector.broadcast %eq3A_135 : i32 to vector<1x400xi32>
    %eq3A_137 = arith.cmpi eq, %select_n3A, %eq3A_136 : vector<1x400xi32>
    %broadcast_in_dim3A_138 = vector.broadcast %get3A_134 : f32 to vector<1x400xf32>
    %select_n3A_139 = arith.select %eq3A_137, %broadcast_in_dim3A_138, %select_n3A_125 : vector<1x400xi1>, vector<1x400xf32>
    %eq3A_140 = arith.constant 6 : i32
    %eq3A_141 = vector.broadcast %eq3A_140 : i32 to vector<1x400xi32>
    %eq3A_142 = arith.cmpi eq, %sub3A_43, %eq3A_141 : vector<1x400xi32>
    %broadcast_in_dim3A_143 = vector.broadcast %get3A_134 : f32 to vector<1x400xf32>
    %select_n3A_144 = arith.select %eq3A_142, %broadcast_in_dim3A_143, %select_n3A_130 : vector<1x400xi1>, vector<1x400xf32>
    %get3A_145 = arith.constant 0 : index
    %get3A_146 = arith.constant 7 : index
    %get3A_147 = vector.load %arg2[%get3A_145, %get3A_146] : memref<1x20xf32, #tpu.memory_space<vmem>>, vector<1x1xf32>
    %get3A_148 = vector.extract %get3A_147[0, 0] : f32 from vector<1x1xf32>
    %eq3A_149 = arith.constant 7 : i32
    %eq3A_150 = vector.broadcast %eq3A_149 : i32 to vector<1x400xi32>
    %eq3A_151 = arith.cmpi eq, %select_n3A, %eq3A_150 : vector<1x400xi32>
    %broadcast_in_dim3A_152 = vector.broadcast %get3A_148 : f32 to vector<1x400xf32>
    %select_n3A_153 = arith.select %eq3A_151, %broadcast_in_dim3A_152, %select_n3A_139 : vector<1x400xi1>, vector<1x400xf32>
    %eq3A_154 = arith.constant 7 : i32
    %eq3A_155 = vector.broadcast %eq3A_154 : i32 to vector<1x400xi32>
    %eq3A_156 = arith.cmpi eq, %sub3A_43, %eq3A_155 : vector<1x400xi32>
    %broadcast_in_dim3A_157 = vector.broadcast %get3A_148 : f32 to vector<1x400xf32>
    %select_n3A_158 = arith.select %eq3A_156, %broadcast_in_dim3A_157, %select_n3A_144 : vector<1x400xi1>, vector<1x400xf32>
    %get3A_159 = arith.constant 0 : index
    %get3A_160 = arith.constant 8 : index
    %get3A_161 = vector.load %arg2[%get3A_159, %get3A_160] : memref<1x20xf32, #tpu.memory_space<vmem>>, vector<1x1xf32>
    %get3A_162 = vector.extract %get3A_161[0, 0] : f32 from vector<1x1xf32>
    %eq3A_163 = arith.constant 8 : i32
    %eq3A_164 = vector.broadcast %eq3A_163 : i32 to vector<1x400xi32>
    %eq3A_165 = arith.cmpi eq, %select_n3A, %eq3A_164 : vector<1x400xi32>
    %broadcast_in_dim3A_166 = vector.broadcast %get3A_162 : f32 to vector<1x400xf32>
    %select_n3A_167 = arith.select %eq3A_165, %broadcast_in_dim3A_166, %select_n3A_153 : vector<1x400xi1>, vector<1x400xf32>
    %eq3A_168 = arith.constant 8 : i32
    %eq3A_169 = vector.broadcast %eq3A_168 : i32 to vector<1x400xi32>
    %eq3A_170 = arith.cmpi eq, %sub3A_43, %eq3A_169 : vector<1x400xi32>
    %broadcast_in_dim3A_171 = vector.broadcast %get3A_162 : f32 to vector<1x400xf32>
    %select_n3A_172 = arith.select %eq3A_170, %broadcast_in_dim3A_171, %select_n3A_158 : vector<1x400xi1>, vector<1x400xf32>
    %get3A_173 = arith.constant 0 : index
    %get3A_174 = arith.constant 9 : index
    %get3A_175 = vector.load %arg2[%get3A_173, %get3A_174] : memref<1x20xf32, #tpu.memory_space<vmem>>, vector<1x1xf32>
    %get3A_176 = vector.extract %get3A_175[0, 0] : f32 from vector<1x1xf32>
    %eq3A_177 = arith.constant 9 : i32
    %eq3A_178 = vector.broadcast %eq3A_177 : i32 to vector<1x400xi32>
    %eq3A_179 = arith.cmpi eq, %select_n3A, %eq3A_178 : vector<1x400xi32>
    %broadcast_in_dim3A_180 = vector.broadcast %get3A_176 : f32 to vector<1x400xf32>
    %select_n3A_181 = arith.select %eq3A_179, %broadcast_in_dim3A_180, %select_n3A_167 : vector<1x400xi1>, vector<1x400xf32>
    %eq3A_182 = arith.constant 9 : i32
    %eq3A_183 = vector.broadcast %eq3A_182 : i32 to vector<1x400xi32>
    %eq3A_184 = arith.cmpi eq, %sub3A_43, %eq3A_183 : vector<1x400xi32>
    %broadcast_in_dim3A_185 = vector.broadcast %get3A_176 : f32 to vector<1x400xf32>
    %select_n3A_186 = arith.select %eq3A_184, %broadcast_in_dim3A_185, %select_n3A_172 : vector<1x400xi1>, vector<1x400xf32>
    %get3A_187 = arith.constant 0 : index
    %get3A_188 = arith.constant 10 : index
    %get3A_189 = vector.load %arg2[%get3A_187, %get3A_188] : memref<1x20xf32, #tpu.memory_space<vmem>>, vector<1x1xf32>
    %get3A_190 = vector.extract %get3A_189[0, 0] : f32 from vector<1x1xf32>
    %eq3A_191 = arith.constant 10 : i32
    %eq3A_192 = vector.broadcast %eq3A_191 : i32 to vector<1x400xi32>
    %eq3A_193 = arith.cmpi eq, %select_n3A, %eq3A_192 : vector<1x400xi32>
    %broadcast_in_dim3A_194 = vector.broadcast %get3A_190 : f32 to vector<1x400xf32>
    %select_n3A_195 = arith.select %eq3A_193, %broadcast_in_dim3A_194, %select_n3A_181 : vector<1x400xi1>, vector<1x400xf32>
    %eq3A_196 = arith.constant 10 : i32
    %eq3A_197 = vector.broadcast %eq3A_196 : i32 to vector<1x400xi32>
    %eq3A_198 = arith.cmpi eq, %sub3A_43, %eq3A_197 : vector<1x400xi32>
    %broadcast_in_dim3A_199 = vector.broadcast %get3A_190 : f32 to vector<1x400xf32>
    %select_n3A_200 = arith.select %eq3A_198, %broadcast_in_dim3A_199, %select_n3A_186 : vector<1x400xi1>, vector<1x400xf32>
    %get3A_201 = arith.constant 0 : index
    %get3A_202 = arith.constant 11 : index
    %get3A_203 = vector.load %arg2[%get3A_201, %get3A_202] : memref<1x20xf32, #tpu.memory_space<vmem>>, vector<1x1xf32>
    %get3A_204 = vector.extract %get3A_203[0, 0] : f32 from vector<1x1xf32>
    %eq3A_205 = arith.constant 11 : i32
    %eq3A_206 = vector.broadcast %eq3A_205 : i32 to vector<1x400xi32>
    %eq3A_207 = arith.cmpi eq, %select_n3A, %eq3A_206 : vector<1x400xi32>
    %broadcast_in_dim3A_208 = vector.broadcast %get3A_204 : f32 to vector<1x400xf32>
    %select_n3A_209 = arith.select %eq3A_207, %broadcast_in_dim3A_208, %select_n3A_195 : vector<1x400xi1>, vector<1x400xf32>
    %eq3A_210 = arith.constant 11 : i32
    %eq3A_211 = vector.broadcast %eq3A_210 : i32 to vector<1x400xi32>
    %eq3A_212 = arith.cmpi eq, %sub3A_43, %eq3A_211 : vector<1x400xi32>
    %broadcast_in_dim3A_213 = vector.broadcast %get3A_204 : f32 to vector<1x400xf32>
    %select_n3A_214 = arith.select %eq3A_212, %broadcast_in_dim3A_213, %select_n3A_200 : vector<1x400xi1>, vector<1x400xf32>
    %get3A_215 = arith.constant 0 : index
    %get3A_216 = arith.constant 12 : index
    %get3A_217 = vector.load %arg2[%get3A_215, %get3A_216] : memref<1x20xf32, #tpu.memory_space<vmem>>, vector<1x1xf32>
    %get3A_218 = vector.extract %get3A_217[0, 0] : f32 from vector<1x1xf32>
    %eq3A_219 = arith.constant 12 : i32
    %eq3A_220 = vector.broadcast %eq3A_219 : i32 to vector<1x400xi32>
    %eq3A_221 = arith.cmpi eq, %select_n3A, %eq3A_220 : vector<1x400xi32>
    %broadcast_in_dim3A_222 = vector.broadcast %get3A_218 : f32 to vector<1x400xf32>
    %select_n3A_223 = arith.select %eq3A_221, %broadcast_in_dim3A_222, %select_n3A_209 : vector<1x400xi1>, vector<1x400xf32>
    %eq3A_224 = arith.constant 12 : i32
    %eq3A_225 = vector.broadcast %eq3A_224 : i32 to vector<1x400xi32>
    %eq3A_226 = arith.cmpi eq, %sub3A_43, %eq3A_225 : vector<1x400xi32>
    %broadcast_in_dim3A_227 = vector.broadcast %get3A_218 : f32 to vector<1x400xf32>
    %select_n3A_228 = arith.select %eq3A_226, %broadcast_in_dim3A_227, %select_n3A_214 : vector<1x400xi1>, vector<1x400xf32>
    %get3A_229 = arith.constant 0 : index
    %get3A_230 = arith.constant 13 : index
    %get3A_231 = vector.load %arg2[%get3A_229, %get3A_230] : memref<1x20xf32, #tpu.memory_space<vmem>>, vector<1x1xf32>
    %get3A_232 = vector.extract %get3A_231[0, 0] : f32 from vector<1x1xf32>
    %eq3A_233 = arith.constant 13 : i32
    %eq3A_234 = vector.broadcast %eq3A_233 : i32 to vector<1x400xi32>
    %eq3A_235 = arith.cmpi eq, %select_n3A, %eq3A_234 : vector<1x400xi32>
    %broadcast_in_dim3A_236 = vector.broadcast %get3A_232 : f32 to vector<1x400xf32>
    %select_n3A_237 = arith.select %eq3A_235, %broadcast_in_dim3A_236, %select_n3A_223 : vector<1x400xi1>, vector<1x400xf32>
    %eq3A_238 = arith.constant 13 : i32
    %eq3A_239 = vector.broadcast %eq3A_238 : i32 to vector<1x400xi32>
    %eq3A_240 = arith.cmpi eq, %sub3A_43, %eq3A_239 : vector<1x400xi32>
    %broadcast_in_dim3A_241 = vector.broadcast %get3A_232 : f32 to vector<1x400xf32>
    %select_n3A_242 = arith.select %eq3A_240, %broadcast_in_dim3A_241, %select_n3A_228 : vector<1x400xi1>, vector<1x400xf32>
    %get3A_243 = arith.constant 0 : index
    %get3A_244 = arith.constant 14 : index
    %get3A_245 = vector.load %arg2[%get3A_243, %get3A_244] : memref<1x20xf32, #tpu.memory_space<vmem>>, vector<1x1xf32>
    %get3A_246 = vector.extract %get3A_245[0, 0] : f32 from vector<1x1xf32>
    %eq3A_247 = arith.constant 14 : i32
    %eq3A_248 = vector.broadcast %eq3A_247 : i32 to vector<1x400xi32>
    %eq3A_249 = arith.cmpi eq, %select_n3A, %eq3A_248 : vector<1x400xi32>
    %broadcast_in_dim3A_250 = vector.broadcast %get3A_246 : f32 to vector<1x400xf32>
    %select_n3A_251 = arith.select %eq3A_249, %broadcast_in_dim3A_250, %select_n3A_237 : vector<1x400xi1>, vector<1x400xf32>
    %eq3A_252 = arith.constant 14 : i32
    %eq3A_253 = vector.broadcast %eq3A_252 : i32 to vector<1x400xi32>
    %eq3A_254 = arith.cmpi eq, %sub3A_43, %eq3A_253 : vector<1x400xi32>
    %broadcast_in_dim3A_255 = vector.broadcast %get3A_246 : f32 to vector<1x400xf32>
    %select_n3A_256 = arith.select %eq3A_254, %broadcast_in_dim3A_255, %select_n3A_242 : vector<1x400xi1>, vector<1x400xf32>
    %get3A_257 = arith.constant 0 : index
    %get3A_258 = arith.constant 15 : index
    %get3A_259 = vector.load %arg2[%get3A_257, %get3A_258] : memref<1x20xf32, #tpu.memory_space<vmem>>, vector<1x1xf32>
    %get3A_260 = vector.extract %get3A_259[0, 0] : f32 from vector<1x1xf32>
    %eq3A_261 = arith.constant 15 : i32
    %eq3A_262 = vector.broadcast %eq3A_261 : i32 to vector<1x400xi32>
    %eq3A_263 = arith.cmpi eq, %select_n3A, %eq3A_262 : vector<1x400xi32>
    %broadcast_in_dim3A_264 = vector.broadcast %get3A_260 : f32 to vector<1x400xf32>
    %select_n3A_265 = arith.select %eq3A_263, %broadcast_in_dim3A_264, %select_n3A_251 : vector<1x400xi1>, vector<1x400xf32>
    %eq3A_266 = arith.constant 15 : i32
    %eq3A_267 = vector.broadcast %eq3A_266 : i32 to vector<1x400xi32>
    %eq3A_268 = arith.cmpi eq, %sub3A_43, %eq3A_267 : vector<1x400xi32>
    %broadcast_in_dim3A_269 = vector.broadcast %get3A_260 : f32 to vector<1x400xf32>
    %select_n3A_270 = arith.select %eq3A_268, %broadcast_in_dim3A_269, %select_n3A_256 : vector<1x400xi1>, vector<1x400xf32>
    %get3A_271 = arith.constant 0 : index
    %get3A_272 = arith.constant 16 : index
    %get3A_273 = vector.load %arg2[%get3A_271, %get3A_272] : memref<1x20xf32, #tpu.memory_space<vmem>>, vector<1x1xf32>
    %get3A_274 = vector.extract %get3A_273[0, 0] : f32 from vector<1x1xf32>
    %eq3A_275 = arith.constant 16 : i32
    %eq3A_276 = vector.broadcast %eq3A_275 : i32 to vector<1x400xi32>
    %eq3A_277 = arith.cmpi eq, %select_n3A, %eq3A_276 : vector<1x400xi32>
    %broadcast_in_dim3A_278 = vector.broadcast %get3A_274 : f32 to vector<1x400xf32>
    %select_n3A_279 = arith.select %eq3A_277, %broadcast_in_dim3A_278, %select_n3A_265 : vector<1x400xi1>, vector<1x400xf32>
    %eq3A_280 = arith.constant 16 : i32
    %eq3A_281 = vector.broadcast %eq3A_280 : i32 to vector<1x400xi32>
    %eq3A_282 = arith.cmpi eq, %sub3A_43, %eq3A_281 : vector<1x400xi32>
    %broadcast_in_dim3A_283 = vector.broadcast %get3A_274 : f32 to vector<1x400xf32>
    %select_n3A_284 = arith.select %eq3A_282, %broadcast_in_dim3A_283, %select_n3A_270 : vector<1x400xi1>, vector<1x400xf32>
    %get3A_285 = arith.constant 0 : index
    %get3A_286 = arith.constant 17 : index
    %get3A_287 = vector.load %arg2[%get3A_285, %get3A_286] : memref<1x20xf32, #tpu.memory_space<vmem>>, vector<1x1xf32>
    %get3A_288 = vector.extract %get3A_287[0, 0] : f32 from vector<1x1xf32>
    %eq3A_289 = arith.constant 17 : i32
    %eq3A_290 = vector.broadcast %eq3A_289 : i32 to vector<1x400xi32>
    %eq3A_291 = arith.cmpi eq, %select_n3A, %eq3A_290 : vector<1x400xi32>
    %broadcast_in_dim3A_292 = vector.broadcast %get3A_288 : f32 to vector<1x400xf32>
    %select_n3A_293 = arith.select %eq3A_291, %broadcast_in_dim3A_292, %select_n3A_279 : vector<1x400xi1>, vector<1x400xf32>
    %eq3A_294 = arith.constant 17 : i32
    %eq3A_295 = vector.broadcast %eq3A_294 : i32 to vector<1x400xi32>
    %eq3A_296 = arith.cmpi eq, %sub3A_43, %eq3A_295 : vector<1x400xi32>
    %broadcast_in_dim3A_297 = vector.broadcast %get3A_288 : f32 to vector<1x400xf32>
    %select_n3A_298 = arith.select %eq3A_296, %broadcast_in_dim3A_297, %select_n3A_284 : vector<1x400xi1>, vector<1x400xf32>
    %get3A_299 = arith.constant 0 : index
    %get3A_300 = arith.constant 18 : index
    %get3A_301 = vector.load %arg2[%get3A_299, %get3A_300] : memref<1x20xf32, #tpu.memory_space<vmem>>, vector<1x1xf32>
    %get3A_302 = vector.extract %get3A_301[0, 0] : f32 from vector<1x1xf32>
    %eq3A_303 = arith.constant 18 : i32
    %eq3A_304 = vector.broadcast %eq3A_303 : i32 to vector<1x400xi32>
    %eq3A_305 = arith.cmpi eq, %select_n3A, %eq3A_304 : vector<1x400xi32>
    %broadcast_in_dim3A_306 = vector.broadcast %get3A_302 : f32 to vector<1x400xf32>
    %select_n3A_307 = arith.select %eq3A_305, %broadcast_in_dim3A_306, %select_n3A_293 : vector<1x400xi1>, vector<1x400xf32>
    %eq3A_308 = arith.constant 18 : i32
    %eq3A_309 = vector.broadcast %eq3A_308 : i32 to vector<1x400xi32>
    %eq3A_310 = arith.cmpi eq, %sub3A_43, %eq3A_309 : vector<1x400xi32>
    %broadcast_in_dim3A_311 = vector.broadcast %get3A_302 : f32 to vector<1x400xf32>
    %select_n3A_312 = arith.select %eq3A_310, %broadcast_in_dim3A_311, %select_n3A_298 : vector<1x400xi1>, vector<1x400xf32>
    %get3A_313 = arith.constant 0 : index
    %get3A_314 = arith.constant 19 : index
    %get3A_315 = vector.load %arg2[%get3A_313, %get3A_314] : memref<1x20xf32, #tpu.memory_space<vmem>>, vector<1x1xf32>
    %get3A_316 = vector.extract %get3A_315[0, 0] : f32 from vector<1x1xf32>
    %eq3A_317 = arith.constant 19 : i32
    %eq3A_318 = vector.broadcast %eq3A_317 : i32 to vector<1x400xi32>
    %eq3A_319 = arith.cmpi eq, %select_n3A, %eq3A_318 : vector<1x400xi32>
    %broadcast_in_dim3A_320 = vector.broadcast %get3A_316 : f32 to vector<1x400xf32>
    %select_n3A_321 = arith.select %eq3A_319, %broadcast_in_dim3A_320, %select_n3A_307 : vector<1x400xi1>, vector<1x400xf32>
    %eq3A_322 = arith.constant 19 : i32
    %eq3A_323 = vector.broadcast %eq3A_322 : i32 to vector<1x400xi32>
    %eq3A_324 = arith.cmpi eq, %sub3A_43, %eq3A_323 : vector<1x400xi32>
    %broadcast_in_dim3A_325 = vector.broadcast %get3A_316 : f32 to vector<1x400xf32>
    %select_n3A_326 = arith.select %eq3A_324, %broadcast_in_dim3A_325, %select_n3A_312 : vector<1x400xi1>, vector<1x400xf32>
    %mul3A_327 = arith.mulf %select_n3A_321, %select_n3A_326 : vector<1x400xf32>
    %mul3A_328 = arith.constant 2.68744974E-4 : f32
    %mul3A_329 = vector.broadcast %mul3A_328 : f32 to vector<1x400xf32>
    %mul3A_330 = arith.mulf %mul3A_327, %mul3A_329 : vector<1x400xf32>
    %sub3A_331 = arith.constant 1.000000e+00 : f32
    %sub3A_332 = vector.broadcast %sub3A_331 : f32 to vector<1x400xf32>
    %sub3A_333 = arith.subf %sub3A_332, %mul3A_330 : vector<1x400xf32>
    %mul3A_334 = arith.mulf %mul3A_330, %sub3A_333 : vector<1x400xf32>
    %sub3A_335 = arith.constant 1.000000e+00 : f32
    %sub3A_336 = vector.broadcast %sub3A_335 : f32 to vector<2048x1xf32>
    %sub3A_337 = arith.subf %add3A_16, %sub3A_336 : vector<2048x1xf32>
    %add3A_338 = arith.constant 1.000000e-10 : f32
    %add3A_339 = vector.broadcast %add3A_338 : f32 to vector<2048x1xf32>
    %add3A_340 = arith.addf %sub3A_337, %add3A_339 : vector<2048x1xf32>
    %div3A_341 = vector.broadcast %mul3A_334 : vector<1x400xf32> to vector<2048x400xf32>
    %div3A_342 = vector.broadcast %add3A_340 : vector<2048x1xf32> to vector<2048x400xf32>
    %div3A_343 = arith.divf %div3A_341, %div3A_342 : vector<2048x400xf32>
    %sub3A_344 = vector.broadcast %mul3A_330 : vector<1x400xf32> to vector<2048x400xf32>
    %sub3A_345 = arith.subf %div3A_13, %sub3A_344 : vector<2048x400xf32>
    %sqrt3A = math.sqrt %div3A_343 : vector<2048x400xf32>
    %add3A_346 = arith.constant 1.000000e-10 : f32
    %add3A_347 = vector.broadcast %add3A_346 : f32 to vector<2048x400xf32>
    %add3A_348 = arith.addf %sqrt3A, %add3A_347 : vector<2048x400xf32>
    %div3A_349 = arith.divf %sub3A_345, %add3A_348 : vector<2048x400xf32>
    %get3A_350 = arith.constant 0 : index
    %get3A_351 = arith.constant 0 : index
    %get3A_352 = vector.load %arg3[%get3A_350, %get3A_351] : memref<400x512xf32, #tpu.memory_space<vmem>>, vector<400x512xf32>
    %dot_general3A = arith.constant dense<0.000000e+00> : vector<2048x512xf32>
    %dot_general3A_353 = tpu.matmul %div3A_349, %get3A_352, %dot_general3A {dimension_numbers = #tpu.dot_dimension_numbers<[1], [0], [0], [1], [0, 0, 1, 1], [], []>, transpose_lhs_hint = false} : vector<2048x400xf32>, vector<400x512xf32>, vector<2048x512xf32> -> vector<2048x512xf32>
    %get3A_354 = arith.constant 0 : index
    %get3A_355 = arith.constant 0 : index
    %get3A_356 = vector.load %arg4[%get3A_354, %get3A_355] : memref<1x512xf32, #tpu.memory_space<vmem>>, vector<1x512xf32>
    %add3A_357 = vector.broadcast %get3A_356 : vector<1x512xf32> to vector<2048x512xf32>
    %add3A_358 = arith.addf %dot_general3A_353, %add3A_357 : vector<2048x512xf32>
    %max3A = arith.constant 0.000000e+00 : f32
    %max3A_359 = vector.broadcast %max3A : f32 to vector<2048x512xf32>
    %max3A_360 = arith.maximumf %add3A_358, %max3A_359 : vector<2048x512xf32>
    %swap3A = arith.constant 0 : index
    %swap3A_361 = arith.constant 0 : index
    %swap3A_362 = vector.load %arg5[%swap3A, %swap3A_361] : memref<2048x512xf32, #tpu.memory_space<vmem>>, vector<2048x512xf32>
    tpu.vector_store %arg5[%swap3A, %swap3A_361], %max3A_360 {strides = array<i32>} : memref<2048x512xf32, #tpu.memory_space<vmem>>, vector<2048x512xf32>,
    return
  }
  func.func @transform_0(%arg0: i32) -> (i32, i32, i32) {
    %c0_i32 = arith.constant 0 : i32
    %c0_i32_0 = arith.constant 0 : i32
    %c0_i32_1 = arith.constant 0 : i32
    return %c0_i32, %arg0, %c0_i32_0 : i32, i32, i32
  }
  func.func @transform_1(%arg0: i32) -> (i32, i32) {
    %c0_i32 = arith.constant 0 : i32
    %c0_i32_0 = arith.constant 0 : i32
    %c0_i32_1 = arith.constant 0 : i32
    return %c0_i32, %c0_i32_0 : i32, i32
  }
  func.func @transform_2(%arg0: i32) -> (i32, i32) {
    %c0_i32 = arith.constant 0 : i32
    %c0_i32_0 = arith.constant 0 : i32
    %c0_i32_1 = arith.constant 0 : i32
    return %c0_i32, %c0_i32_0 : i32, i32
  }
  func.func @transform_3(%arg0: i32) -> (i32, i32) {
    %c0_i32 = arith.constant 0 : i32
    %c0_i32_0 = arith.constant 0 : i32
    %c0_i32_1 = arith.constant 0 : i32
    return %c0_i32, %c0_i32_0 : i32, i32
  }
  func.func @transform_4(%arg0: i32) -> (i32, i32) {
    %c0_i32 = arith.constant 0 : i32
    %c0_i32_0 = arith.constant 0 : i32
    return %arg0, %c0_i32 : i32, i32
  }
}

</mosaic_0001>

<sc_bundles>
// kernel: kernel.4.cloned.1.call-start
scs
__scs_entry_jumppad:
0x0: {  	(pc) =	sbr.rel $0x88, $3  }
0x1: {  	(tag) =	ssettag $0x0;
	lr =	simm.s32 $0x1  }
0x2: {  	[smem:$0x3F9B] =	sst lr;
	_ =	strace $0xD0000000  }
0x3: {  	_ = 	snop  }
0x4: {  	_ = 	snop  }
0x5: {  	_ = 	snop  }
0x6: {  	_ = 	snop  }
0x7: {  	_ = 	snop  }
__scs_overlays_trampoline_lowered:
0x8: {  	[smem:$0x3FAA] =	sst s0  }
0x9: {  	[smem:$0x3FAB] =	sst s1  }
0xa: {  	[smem:$0x3FAC] =	sst s2  }
0xb: {  	[smem:$0x3FAD] =	sst s3  }
0xc: {  	[smem:$0x3FAE] =	sst s4  }
0xd: {  	[smem:$0x3FAF] =	sst s5  }
0xe: {  	[smem:$0x3FB0] =	sst s6  }
0xf: {  	[smem:$0x3FB1] =	sst s7  }
0x10: {  	[smem:$0x3FB2] =	sst s8  }
0x11: {  	[smem:$0x3FB3] =	sst s9;
	s0 =	simm.s32 @!p0 $0x0  }
0x12: {  	s1 =	sld [smem:$0x3F99];
	s0 =	simm.s32 @p0 $0x1  }
0x13: {  	[smem:$0x3FB4] =	sst s0;
	s0 =	simm.s32 @!p1 $0x0  }
0x14: {  	s2 =	sld [smem:$0x3F98];
	s0 =	simm.s32 @p1 $0x1  }
0x15: {  	[smem:$0x3FB5] =	sst s0;
	s0 =	simm.s32 @!p2 $0x0  }
0x16: {  	s3 =	sld [smem:$0x3FDB];
	s0 =	simm.s32 @p2 $0x1  }
0x17: {  	s4 =	simm.s32 $0x1BF5;
	[smem:$0x3FB7] =	sst s0  }
0x18: {  	s0 =	sld [smem:$0x3F9A];
	_ =	swait.ge [sflag:s4], $0x0  }
0x19: {  	s7 =	sld [smem:$0x3F9B]  }
0x1a: {  	s8 =	sadd.s32 $0xFFFFE003, lr  }
0x1b: {  	s9 =	sadd.s32 $0xFFFFFEF7, lr;
	s5 =	simm.s32 $0xFFFFFFFF;
	p2 =	slt.u32 s8, $0xFFFFF086  }
0x1c: {  	p1 =	slt.u32 s9, $0xF7A;
	s5 =	simm.s32 @!p2 $0x0  }
0x1d: {  	s5 =	simm.s32 @p1 $0x1;
	p0 =	seq.s32 s7, s2  }
0x1e: {  	s7 =	smul.u32 @!p0 $0xF7A, s2;
	p2 =	seq.s32 @!p0 s5, $0x0  }
0x1f: {  	s9 =	smul.u32 $0xF7A, s1;
	s8 =	simm.s32 @!p0 $0x1BF5;
	p2 =	por !p2, p0  }
0x20: {  	[sflag:s8] =	ssyncset.s32 @!p0 $0xFFFFF086;
	s6 =	sadd.s32 @!p0 s3, s7;
	s7 =	simm.s32 @!p0 $0x108  }
0x21: {  	s3 =	sadd.s32 s3, s9;
	s6 =	sadd.s32 @!p0 $0x88, s6;
	s7 =	simm.s32 @p2 $0x1082  }
0x22: {  	[simem:s7], [sflag:s8] =	dma.local @!p0 [hbm:s6], $0xF7A  }
0x23: {  	s9 =	sor.u32 $0xD0000000, s2;
	s6 =	simm.s32 $0x108;
	_ =	swait.ge @!p0 [sflag:s8], $0x0  }
0x24: {  	s3 =	sadd.s32 $0x88, s3;
	s6 =	simm.s32 @!p1 $0x1082;
	[sflag:s4] =	ssyncset.s32 $0xFFFFF086  }
0x25: {  	[simem:s6], [sflag:s4] =	dma.local [hbm:s3], $0xF7A  }
0x26: {  	[smem:$0x3F9B] =	sst s1;
	(tag) =	ssettag s2;
	_ =	strace s9  }
0x27: {  	s1 =	sld [smem:$0x3FAB]  }
0x28: {  	s2 =	sld [smem:$0x3FAC]  }
0x29: {  	s4 =	sld [smem:$0x3FAE]  }
0x2a: {  	p0 =	seq.s32 s5, $0x0;
	s5 =	sld [smem:$0x3FAF]  }
0x2b: {  	s6 =	sld [smem:$0x3FB0]  }
0x2c: {  	s7 =	sld [smem:$0x3FB1]  }
0x2d: {  	s3 =	simm.s32 $0x108;
	s8 =	sld [smem:$0x3FB2]  }
0x2e: {  	s3 =	simm.s32 @!p0 $0x1082;
	s9 =	sld [smem:$0x3FB3]  }
0x2f: {  	lr =	sadd.s32 s0, s3;
	s0 =	sld [smem:$0x3FAA]  }
0x30: {  	s3 =	sld [smem:$0x3FAD]  }
0x31: {  	[smem:$0x3FB6] =	sst s10  }
0x32: {  	s10 =	sld [smem:$0x3FB4];
	_ =	sdelay $0x3  }
0x33: {  	p0 =	seq.s32 s10, $0x1;
	s10 =	sld [smem:$0x3FB6];
	_ =	sdelay $0x3  }
0x34: {  	[smem:$0x3FB6] =	sst s10  }
0x35: {  	s10 =	sld [smem:$0x3FB5];
	_ =	sdelay $0x3  }
0x36: {  	p1 =	seq.s32 s10, $0x1;
	s10 =	sld [smem:$0x3FB6];
	_ =	sdelay $0x3  }
0x37: {  	[smem:$0x3FB6] =	sst s10  }
0x38: {  	s10 =	sld [smem:$0x3FB7]  }
0x39: {  	_ = 	snop;
	(pc) =	sbr.ind lr, $3  }
0x3a: {  	_ = 	snop  }
0x3b: {  	_ = 	snop  }
0x3c: {  	p2 =	seq.s32 s10, $0x1;
	s10 =	sld [smem:$0x3FB6]  }
0x3d: {  	_ =	shalt  }
0x3e: {  	_ =	shalt  }
0x3f: {  	_ =	shalt  }
0x40: {  	_ =	shalt  }
0x41: {  	_ =	shalt  }
0x42: {  	_ =	shalt  }
0x43: {  	_ =	shalt  }
0x44: {  	_ =	shalt  }
0x45: {  	_ =	shalt  }
0x46: {  	_ =	shalt  }
0x47: {  	_ =	shalt  }
0x48: {  	_ =	shalt  }
0x49: {  	_ =	shalt  }
0x4a: {  	_ =	shalt  }
0x4b: {  	_ =	shalt  }
0x4c: {  	_ =	shalt  }
0x4d: {  	_ =	shalt  }
0x4e: {  	_ =	shalt  }
0x4f: {  	_ =	shalt  }
0x50: {  	_ =	shalt  }
0x51: {  	_ =	shalt  }
0x52: {  	_ =	shalt  }
0x53: {  	_ =	shalt  }
0x54: {  	_ =	shalt  }
0x55: {  	_ =	shalt  }
0x56: {  	_ =	shalt  }
0x57: {  	_ =	shalt  }
0x58: {  	_ =	shalt  }
0x59: {  	_ =	shalt  }
0x5a: {  	_ =	shalt  }
0x5b: {  	_ =	shalt  }
0x5c: {  	_ =	shalt  }
0x5d: {  	_ =	shalt  }
0x5e: {  	_ =	shalt  }
0x5f: {  	_ =	shalt  }
0x60: {  	_ =	shalt  }
0x61: {  	_ =	shalt  }
0x62: {  	_ =	shalt  }
0x63: {  	_ =	shalt  }
0x64: {  	_ =	shalt  }
0x65: {  	_ =	shalt  }
0x66: {  	_ =	shalt  }
0x67: {  	_ =	shalt  }
0x68: {  	_ =	shalt  }
0x69: {  	_ =	shalt  }
0x6a: {  	_ =	shalt  }
0x6b: {  	_ =	shalt  }
0x6c: {  	_ =	shalt  }
0x6d: {  	_ =	shalt  }
0x6e: {  	_ =	shalt  }
0x6f: {  	_ =	shalt  }
0x70: {  	_ =	shalt  }
0x71: {  	_ =	shalt  }
0x72: {  	_ =	shalt  }
0x73: {  	_ =	shalt  }
0x74: {  	_ =	shalt  }
0x75: {  	_ =	shalt  }
0x76: {  	_ =	shalt  }
0x77: {  	_ =	shalt  }
0x78: {  	_ =	shalt  }
0x79: {  	_ =	shalt  }
0x7a: {  	_ =	shalt  }
0x7b: {  	_ =	shalt  }
0x7c: {  	_ =	shalt  }
0x7d: {  	_ =	shalt  }
0x7e: {  	_ =	shalt  }
0x7f: {  	_ =	shalt  }
0x80: {  	_ =	shalt  }
0x81: {  	_ =	shalt  }
0x82: {  	_ =	shalt  }
0x83: {  	_ =	shalt  }
0x84: {  	_ =	shalt  }
0x85: {  	_ =	shalt  }
0x86: {  	_ =	shalt  }
0x87: {  	_ =	shalt  }
.Lfunc_end0:
.L_simem_size_0:
called_computation_lowered:
.L_overlay_start_0:
0x88: {  	s2 =	sld [smem:$0x3FD9]  }
0x89: {  	s3 =	sld [smem:$0x3FFE];
	_ =	sdelay $0x1  }
0x8a: {  	s1 =	srdreg.scid  }
0x8b: {  	s0 =	sand.u32 $0x1, s1  }
0x8c: {  	s17 =	sshll.u32 s0, $0xA;
	s2 =	sadd.s32 s3, s2  }
0x8d: {  	s2 =	sadd.s32 s2, s17  }
0x8e: {  	[smem:$0x3FC2] =	sst s2  }
0x8f: {  	_ = 	snop  }
0x90: {  	s2 =	sld [smem:$0x3FC9]  }
0x91: {  	s18 =	sld [smem:$0x3FC8];
	(tm) =	ssettm $0x1  }
0x92: {  	s4 =	sld [smem:$0x3FFB];
	_ =	sdelay $0x3  }
0x93: {  	_ =	strace s4  }
0x94: {  	s4 =	sld [smem:$0x3FFC];
	_ =	sdelay $0x3  }
0x95: {  	_ =	strace s4  }
0x96: {  	s4 =	sld [smem:$0x3FFD];
	_ =	sdelay $0x3  }
0x97: {  	_ =	strace s4  }
0x98: {  	_ =	strace $0x8FFFFFFF  }
0x99: {  	s19 =	sld [smem:$0x3FDB];
	_ =	sdelay $0x1  }
0x9a: {  	s5 =	simm.s32 $_scs_section_size  }
0x9b: {  	s6 =	simm.s32 $_size__tile_overlayer_lowered;
	s7 =	simm.s32 $_tile_overlayer_lowered  }
0x9c: {  	s22 =	simm.s32 $0x1BFF;
	s21 =	sshll.u32 s7, $0x1;
	s4 =	sadd.s32 s5, s19  }
0x9d: {  	s8 =	simm.s32 $0x0;
	s20 =	sshll.u32 s6, $0x1;
	s6 =	sadd.s32 s21, s4  }
0x9e: {  	[timem:s8], [sflag:s22] =	dma.local [hbm:s6], s20  }
0x9f: {  	_ =	swait.ge [sflag:s22], s20  }
0xa0: {  	s5 =	ssub.s32 $0x0, s20;
	[sflag:s22] =	ssyncset.done $0x0  }
0xa1: {  	[sflag:s22] =	ssyncadd.s32 s5;
	_ =	sdelay $0x1  }
0xa2: {  	s23 =	simm.s32 $0x1B8B  }
0xa3: {  	_ =	swait.ge [sflag:s23], $0x1  }
0xa4: {  	[sflag:s23] =	ssyncset.done $0x0  }
0xa5: {  	s25 =	simm.s32 $0x1B8E;
	s24 =	sld [smem:$0x3FFE];
	[sflag:s23] =	ssyncadd.s32 $0xFFFFFFFF  }
0xa6: {  	s26 =	simm.s32 $execute0_lowered;
	[smem:$0x3FD2] =	sst s25  }
0xa7: {  	s6 =	sshll.u32 s26, $0x1;
	_ =	strace $0x80000046;
	[dreg:$0x1] =	wrdreg $0xFFFFFFFF  }
0xa8: {  	s28 =	simm.s32 $_size_execute0_lowered;
	s4 =	sadd.s32 s4, s6;
	[dreg:$0x0] =	wrdreg $0x0  }
0xa9: {  	s6 =	sshll.u32 s28, $0x1;
	[dreg:$0x2] =	wrdreg s4  }
0xaa: {  	[dreg:$0x3] =	wrdreg s6  }
0xab: {  	[dreg:$0x4] =	wrdreg $0xC0  }
0xac: {  	_ =	task [dreg:s8], $0x5FFFF  }
0xad: {  	[dreg:$0x1] =	wrdreg $0xFFFFFFFF  }
0xae: {  	[dreg:$0x0] =	wrdreg $0x60  }
0xaf: {  	[dreg:$0x2] =	wrdreg s2  }
0xb0: {  	[dreg:$0x3] =	wrdreg s18  }
0xb1: {  	[dreg:$0x4] =	wrdreg s24  }
0xb2: {  	[dreg:$0x5] =	wrdreg $0x62000  }
0xb3: {  	[dreg:$0x6] =	wrdreg $0x9  }
0xb4: {  	_ =	task.clear_ibuf [dreg:s8], $0x7FFFF;
	_ =	strace $0x90000046  }
0xb5: {  	s29 =	simm.s32 $0x9;
	_ =	strace $0x80000048  }
0xb6: {  	_ =	swait.ge [sflag:s29], $0x1  }
0xb7: {  	[sflag:s29] =	ssyncadd.s32 $0xFFFFFFFF  }
0xb8: {  	_ =	strace $0x90000048  }
0xb9: {  	_ =	sfence  }
0xba: {  	s30 =	sld [smem:$0x0];
	_ =	sdelay $0x2  }
0xbb: {  	s31 =	sshll.u32 s1, $0xD;
	s1 =	sshrl.u32 s1, $0x2  }
0xbc: {  	s3 =	sand.u32 $0x4000, s31;
	s1 =	sadd.s32 s1, s30  }
0xbd: {  	s0 =	sor.u32 s3, s0;
	s1 =	sshll.u32 s1, $0x11  }
0xbe: {  	s0 =	sor.u32 s1, s0  }
0xbf: {  	s0 =	sadd.s32 $0x8F2B, s0  }
0xc0: {  	[sflag:s0] =	ssyncadd.remote.s32 $0x1  }
0xc1: {  	_ =	sfence.sel $0xFFFF  }
0xc2: {  	[dreg:$0x0] =	wrdreg $0xFFFFFFFF;
	(pc) =	sbr.abs _section_cstart, $3  }
0xc3: {  	[dreg:$0x1] =	wrdreg $0xFFFFFFFF  }
0xc4: {  	_ =	task.clear_ibuf [dreg:s8], $0x2FFFF;
	_ =	strace $0x9FFFFFFF  }
0xc5: {  	(tm) =	ssettm $0x7FFFFFFF  }
tec
execute0_lowered:
.L_overlay_start_1:
0x0: {  	(tag) =	ssettag $0x1  }
0x1: {  	s0 =	rddreg [dreg:$0x0]  }
0x2: {  	s1 =	rddreg [dreg:$0x1]  }
0x3: {  	s2 =	rddreg [dreg:$0x2];
	s3 =	srdreg.scid  }
0x4: {  	s4 =	rddreg [dreg:$0x3];
	s12 =	stileid.u32;
	s5 =	simm.s32 $0x0  }
0x5: {  	s3 =	sand.u32 $0x1, s3;
	s7 =	smul.u32 $0x19000, s12;
	[smem:$0x7FF] =	sst s5  }
0x6: {  	s30 =	sshll.u32 s12, $0x1;
	s6 =	smul.u32 $0x190000, s3;
	s31 =	ssub.s32 $0x2, s3  }
0x7: {  	s8 =	smul.u32 $0x64000, s12;
	s25 =	sshll.u32 s12, $0xD;
	s9 =	sshrl.u32 s31, $0x1  }
0x8: {  	_ =	strace $0x80000047;
	s6 =	sadd.s32 s7, s6;
	s11 =	ssub.s32 s31, s9  }
0x9: {  	s7 =	sor.u32 s3, s30;
	s3 =	sshll.u32 s3, $0xC;
	s13 =	smax.u32 s11, $0x1  }
0xa: {  	s10 =	sshll.u32 s7, $0x9;
	s26 =	sor.u32 s25, s3;
	[dreg:$0x8] =	wrdreg s13  }
0xb: {  	s8 =	sshrl.u32 s8, $0x2;
	s0 =	sadd.s32 s0, s10;
	[dreg:$0x14] =	wrdreg s26  }
0xc: {  	s6 =	sshrl.u32 s6, $0x3;
	s10 =	sadd.s32 s1, s10;
	[dreg:$0x6] =	wrdreg s0  }
0xd: {  	s2 =	sadd.s32 s6, s2;
	s6 =	sadd.s32 s8, s4;
	[dreg:$0x7] =	wrdreg s10  }
0xe: {  	s14 =	sadd.s32 $0x1900, s6;
	[dreg:$0x5] =	wrdreg s6  }
0xf: {  	s15 =	sadd.s32 $0x3200, s6;
	[dreg:$0x9] =	wrdreg s14  }
0x10: {  	s16 =	sadd.s32 $0x4B00, s6;
	[dreg:$0xa] =	wrdreg s15  }
0x11: {  	s17 =	sadd.s32 $0x6400, s6;
	[dreg:$0xb] =	wrdreg s16  }
0x12: {  	s18 =	sadd.s32 $0x7D00, s6;
	[dreg:$0xc] =	wrdreg s17  }
0x13: {  	s19 =	sadd.s32 $0x9600, s6;
	[dreg:$0xd] =	wrdreg s18  }
0x14: {  	s20 =	sadd.s32 $0xAF00, s6;
	[dreg:$0xe] =	wrdreg s19  }
0x15: {  	s21 =	sadd.s32 $0xC800, s6;
	[dreg:$0xf] =	wrdreg s20  }
0x16: {  	s12 =	simm.s32 $0x4500;
	s22 =	sadd.s32 $0xE100, s6;
	[dreg:$0x10] =	wrdreg s21  }
0x17: {  	s9 =	sshll.u32 s7, $0xC;
	s23 =	sadd.s32 $0xFA00, s6;
	[dreg:$0x11] =	wrdreg s22  }
0x18: {  	s7 =	ssub.s32 $0x1E8, s7;
	s24 =	sadd.s32 $0x11300, s6;
	[dreg:$0x12] =	wrdreg s23  }
0x19: {  	s3 =	simm.s32 $0x1080;
	s28 =	sadd.s32 $0x12C00, s6;
	[dreg:$0x13] =	wrdreg s24  }
0x1a: {  	s8 =	simm.s32 $0x1;
	s29 =	sadd.s32 $0x14500, s6;
	[dreg:$0x15] =	wrdreg s28  }
0x1b: {  	v0 =	vlaneseq.u32;
	s1 =	simm.s32 $0x0;
	s30 =	sadd.s32 $0x15E00, s6;
	[dreg:$0x16] =	wrdreg s29  }
0x1c: {  	v3 =	vmul.u32 $0xFFFFFFFF, v0;
	s10 =	sshrl.u32 s7, $0x5;
	s31 =	sadd.s32 $0x17700, s6;
	[dreg:$0x17] =	wrdreg s30  }
0x1d: {  	s25 =	sadd.s32 $0xA00, s2;
	s0 =	ssub.s32 $0x0, s26;
	[dreg:$0x18] =	wrdreg s31  }
0x1e: {  	v1 =	vimm.f32 $0.0e+00;
	v2 =	vimm.s32 $0x0;
	v3 =	vadd.s32 $0x1E847F, v3;
	s2 =	simm.s32 $0x2;
	s7 =	simm.s32 $0x80;
	[dreg:$0x19] =	wrdreg s0  }
.LBB2_1:
0x1f: {  	s14 =	simm.s32 $0x4940  }
0x20: {  	[tilespmem:s14+$0xFFFFFFC0] =	vst v1  }
0x21: {  	[tilespmem:s14+$0x30] =	vst v1  }
0x22: {  	[tilespmem:s14+$0x20] =	vst v1  }
0x23: {  	[tilespmem:s14+$0x10] =	vst v1  }
0x24: {  	[tilespmem:s14+$0x0] =	vst v1  }
0x25: {  	[tilespmem:s14+$0xFFFFFFF0] =	vst v1  }
0x26: {  	[dreg:$0x1a] =	wrdreg s1;
	s16 =	simm.s32 $0x0;
	[tilespmem:s14+$0xFFFFFFE0] =	vst v1  }
.LBB2_2:
0x27: {  	s16 =	sadd.s32 $0x8, s16;
	[tilespmem:s14+$0xFFFFFFD0] =	vst v1;
	s14 =	sadd.s32 $0x80, s14  }
0x28: {  	[tilespmem:s14+$0xFFFFFFC0] =	vst v1;
	p0 =	slt.u32 s16, $0x188  }
0x29: {  	[tilespmem:s14+$0x30] =	vst v1  }
.Ltmp0:
0x2a: {  	[tilespmem:s14+$0x20] =	vst v1;
	(pc) =	sbr.rel @p0 .LBB2_2-.Ltmp0, $4  }
0x2b: {  	[tilespmem:s14+$0x10] =	vst v1  }
0x2c: {  	[tilespmem:s14+$0x0] =	vst v1  }
0x2d: {  	[tilespmem:s14+$0xFFFFFFF0] =	vst v1  }
0x2e: {  	[tilespmem:s14+$0xFFFFFFE0] =	vst v1  }
0x2f: {  	[tilespmem:s14+$0xFFFFFFD0] =	vst v1  }
0x30: {  	[tilespmem:$0x3100] =	vst v2  }
0x31: {  	[tilespmem:$0x4500] =	vst v1  }
0x32: {  	[tilespmem:$0x3110] =	vst v2  }
0x33: {  	[tilespmem:$0x4510] =	vst v1  }
0x34: {  	[tilespmem:$0x3120] =	vst v2  }
0x35: {  	[tilespmem:$0x4520] =	vst v1  }
0x36: {  	[tilespmem:$0x3130] =	vst v2  }
0x37: {  	[tilespmem:$0x4530] =	vst v1  }
0x38: {  	[tilespmem:$0x3140] =	vst v2  }
0x39: {  	[tilespmem:$0x4540] =	vst v1  }
0x3a: {  	[tilespmem:$0x3150] =	vst v2  }
0x3b: {  	[tilespmem:$0x4550] =	vst v1  }
0x3c: {  	[tilespmem:$0x3160] =	vst v2  }
0x3d: {  	[tilespmem:$0x4560] =	vst v1  }
0x3e: {  	[tilespmem:$0x3170] =	vst v2  }
0x3f: {  	s1 =	simm.s32 $0x4900;
	[tilespmem:$0x4570] =	vst v1  }
0x40: {  	[spmem:s6] =	stream.linear.scatter [tilespmem:s1], [sflag:$0x2], $0x1900, $0x38;
	[tilespmem:$0x1F200] =	vst v63  }
0x41: {  	s0 =	rddreg [dreg:$0x9]  }
0x42: {  	[spmem:s0] =	stream.linear.scatter [tilespmem:s1], [sflag:$0x2], $0x1900, $0x38;
	[tilespmem:$0x1F200] =	vst v63  }
0x43: {  	s13 =	rddreg [dreg:$0xa]  }
0x44: {  	[spmem:s13] =	stream.linear.scatter [tilespmem:s1], [sflag:$0x2], $0x1900, $0x38;
	[tilespmem:$0x1F200] =	vst v63  }
0x45: {  	s14 =	rddreg [dreg:$0xb]  }
0x46: {  	[spmem:s14] =	stream.linear.scatter [tilespmem:s1], [sflag:$0x2], $0x1900, $0x38;
	[tilespmem:$0x1F200] =	vst v63  }
0x47: {  	s15 =	rddreg [dreg:$0xc]  }
0x48: {  	[spmem:s15] =	stream.linear.scatter [tilespmem:s1], [sflag:$0x2], $0x1900, $0x38;
	[tilespmem:$0x1F200] =	vst v63  }
0x49: {  	s16 =	rddreg [dreg:$0xd]  }
0x4a: {  	[spmem:s16] =	stream.linear.scatter [tilespmem:s1], [sflag:$0x2], $0x1900, $0x38;
	[tilespmem:$0x1F200] =	vst v63  }
0x4b: {  	s17 =	rddreg [dreg:$0xe]  }
0x4c: {  	[spmem:s17] =	stream.linear.scatter [tilespmem:s1], [sflag:$0x2], $0x1900, $0x38;
	[tilespmem:$0x1F200] =	vst v63  }
0x4d: {  	s18 =	rddreg [dreg:$0xf]  }
0x4e: {  	[spmem:s18] =	stream.linear.scatter [tilespmem:s1], [sflag:$0x2], $0x1900, $0x38;
	[tilespmem:$0x1F200] =	vst v63  }
0x4f: {  	s19 =	rddreg [dreg:$0x10]  }
0x50: {  	[spmem:s19] =	stream.linear.scatter [tilespmem:s1], [sflag:$0x2], $0x1900, $0x38;
	[tilespmem:$0x1F200] =	vst v63  }
0x51: {  	s20 =	rddreg [dreg:$0x11]  }
0x52: {  	[spmem:s20] =	stream.linear.scatter [tilespmem:s1], [sflag:$0x2], $0x1900, $0x38;
	[tilespmem:$0x1F200] =	vst v63  }
0x53: {  	s21 =	rddreg [dreg:$0x12]  }
0x54: {  	[spmem:s21] =	stream.linear.scatter [tilespmem:s1], [sflag:$0x2], $0x1900, $0x38;
	[tilespmem:$0x1F200] =	vst v63  }
0x55: {  	s22 =	rddreg [dreg:$0x13]  }
0x56: {  	[spmem:s22] =	stream.linear.scatter [tilespmem:s1], [sflag:$0x2], $0x1900, $0x38;
	[tilespmem:$0x1F200] =	vst v63  }
0x57: {  	s23 =	rddreg [dreg:$0x15]  }
0x58: {  	[spmem:s23] =	stream.linear.scatter [tilespmem:s1], [sflag:$0x2], $0x1900, $0x38;
	[tilespmem:$0x1F200] =	vst v63  }
0x59: {  	s24 =	rddreg [dreg:$0x16]  }
0x5a: {  	[spmem:s24] =	stream.linear.scatter [tilespmem:s1], [sflag:$0x2], $0x1900, $0x38;
	[tilespmem:$0x1F200] =	vst v63  }
0x5b: {  	s26 =	rddreg [dreg:$0x17]  }
0x5c: {  	[spmem:s26] =	stream.linear.scatter [tilespmem:s1], [sflag:$0x2], $0x1900, $0x38;
	[tilespmem:$0x1F200] =	vst v63  }
0x5d: {  	s28 =	rddreg [dreg:$0x18]  }
0x5e: {  	[spmem:s28] =	stream.linear.scatter [tilespmem:s1], [sflag:$0x2], $0x1900, $0x38;
	[tilespmem:$0x1F200] =	vst v63  }
0x5f: {  	_ =	swait.ge [sflag:s2], $0x1900  }
0x60: {  	[sflag:s2] =	ssyncset.done $0x0  }
0x61: {  	[sflag:s2] =	ssyncadd.s32 $0xFFFFE700  }
0x62: {  	_ =	swait.ge [sflag:s2], $0x1900  }
0x63: {  	[sflag:s2] =	ssyncset.done $0x0  }
0x64: {  	[sflag:s2] =	ssyncadd.s32 $0xFFFFE700  }
0x65: {  	_ =	swait.ge [sflag:s2], $0x1900  }
0x66: {  	[sflag:s2] =	ssyncset.done $0x0  }
0x67: {  	[sflag:s2] =	ssyncadd.s32 $0xFFFFE700  }
0x68: {  	_ =	swait.ge [sflag:s2], $0x1900  }
0x69: {  	[sflag:s2] =	ssyncset.done $0x0  }
0x6a: {  	[sflag:s2] =	ssyncadd.s32 $0xFFFFE700  }
0x6b: {  	_ =	swait.ge [sflag:s2], $0x1900  }
0x6c: {  	[sflag:s2] =	ssyncset.done $0x0  }
0x6d: {  	[sflag:s2] =	ssyncadd.s32 $0xFFFFE700  }
0x6e: {  	_ =	swait.ge [sflag:s2], $0x1900  }
0x6f: {  	[sflag:s2] =	ssyncset.done $0x0  }
0x70: {  	[sflag:s2] =	ssyncadd.s32 $0xFFFFE700  }
0x71: {  	_ =	swait.ge [sflag:s2], $0x1900  }
0x72: {  	[sflag:s2] =	ssyncset.done $0x0  }
0x73: {  	[sflag:s2] =	ssyncadd.s32 $0xFFFFE700  }
0x74: {  	_ =	swait.ge [sflag:s2], $0x1900  }
0x75: {  	[sflag:s2] =	ssyncset.done $0x0  }
0x76: {  	[sflag:s2] =	ssyncadd.s32 $0xFFFFE700  }
0x77: {  	_ =	swait.ge [sflag:s2], $0x1900  }
0x78: {  	[sflag:s2] =	ssyncset.done $0x0  }
0x79: {  	[sflag:s2] =	ssyncadd.s32 $0xFFFFE700  }
0x7a: {  	_ =	swait.ge [sflag:s2], $0x1900  }
0x7b: {  	[sflag:s2] =	ssyncset.done $0x0  }
0x7c: {  	[sflag:s2] =	ssyncadd.s32 $0xFFFFE700  }
0x7d: {  	_ =	swait.ge [sflag:s2], $0x1900  }
0x7e: {  	[sflag:s2] =	ssyncset.done $0x0  }
0x7f: {  	[sflag:s2] =	ssyncadd.s32 $0xFFFFE700  }
0x80: {  	_ =	swait.ge [sflag:s2], $0x1900  }
0x81: {  	[sflag:s2] =	ssyncset.done $0x0  }
0x82: {  	[sflag:s2] =	ssyncadd.s32 $0xFFFFE700  }
0x83: {  	_ =	swait.ge [sflag:s2], $0x1900  }
0x84: {  	[sflag:s2] =	ssyncset.done $0x0  }
0x85: {  	[sflag:s2] =	ssyncadd.s32 $0xFFFFE700  }
0x86: {  	_ =	swait.ge [sflag:s2], $0x1900  }
0x87: {  	[sflag:s2] =	ssyncset.done $0x0  }
0x88: {  	[sflag:s2] =	ssyncadd.s32 $0xFFFFE700  }
0x89: {  	_ =	swait.ge [sflag:s2], $0x1900  }
0x8a: {  	[sflag:s2] =	ssyncset.done $0x0  }
0x8b: {  	[sflag:s2] =	ssyncadd.s32 $0xFFFFE700  }
0x8c: {  	_ =	swait.ge [sflag:s2], $0x1900  }
0x8d: {  	[sflag:s2] =	ssyncset.done $0x0  }
0x8e: {  	[sflag:s2] =	ssyncadd.s32 $0xFFFFE700  }
0x8f: {  	[bflag:$0x0] =	sbarrier.arrive $0xFFFF  }
0x90: {  	s29 =	rddreg [dreg:$0x6]  }
0x91: {  	s31 =	rddreg [dreg:$0x7]  }
0x92: {  	s16 =	simm.s32 $0x0;
	s30 =	rddreg [dreg:$0x19]  }
0x93: {  	[tilespmem:s16], [sflag:$0x2] =	stream.linear.gather [hbm4b:s29+s16], $0x1008, $0x38;
	[tilespmem:$0x1F200] =	vst v63  }
0x94: {  	s23 =	rddreg [dreg:$0x14]  }
0x95: {  	[tilespmem:s3], [sflag:$0x2] =	stream.linear.gather [hbm4b:s31+s16], $0x1008, $0x38;
	[tilespmem:$0x1F200] =	vst v63  }
.LBB2_4:
0x96: {  	_ =	swait.ge [sflag:s2], $0x1008  }
0x97: {  	[sflag:s2] =	ssyncset.done $0x0  }
0x98: {  	[sflag:s2] =	ssyncadd.s32 $0xFFFFEFF8  }
0x99: {  	_ =	swait.ge [sflag:s2], $0x1008  }
0x9a: {  	[sflag:s2] =	ssyncset.done $0x0  }
0x9b: {  	s14 =	simm.s32 $0x10C0;
	[sflag:s2] =	ssyncadd.s32 $0xFFFFEFF8  }
0x9c: {  	s17 =	simm.s32 $0x40;
	v4 =	vld [tilespmem:s14+$0xFFFFFFC1]  }
0x9d: {  	v5 =	vld [tilespmem:s17+$0xFFFFFFC0]  }
0x9e: {  	v6 =	vld [tilespmem:s14+$0xFFFFFFC0]  }
0x9f: {  	p0 =	slt.s32 s23, $0x1E7478;
	s18 =	smov.u32 s23;
	v7 =	vld [tilespmem:s17+$0xFFFFFFC1]  }
0xa0: {  	s18 =	simm.s32 @!p0 $0x1E7478  }
0xa1: {  	s18 =	sadd.s32 s30, s18  }
0xa2: {  	s26 =	sadd.s32 $0x0, s18;
	v5 =	vmul.u32 $0x14, v5  }
0xa3: {  	s19 =	sadd.s32 $0x1, s26;
	v8 =	vmul.u32 $0x190, v6  }
0xa4: {  	v9 =	vadd.s32 s19, v0;
	v4 =	vsub.s32 v4, v6;
	v5 =	vadd.s32 v7, v5  }
0xa5: {  	vm0 =	vgt.s32 v9, $0x0;
	vm1 =	vlt.s32 v4, $0x1;
	v4 =	vadd.s32 v8, v5  }
0xa6: {  	s19 =	simm.s32 $0x2100;
	vm1 =	vmand vm0, vm1;
	v4 =	vnsel vm0, $0x0, v4  }
0xa7: {  	s20 =	simm.s32 $0x3500;
	v5 =	vsel vm1, $0x3F800000, v2;
	[tilespmem:s19+$0x0] =	vst v4  }
0xa8: {  	[tilespmem:s20+$0x0] =	vst v5  }
0xa9: {  	v4 =	vld [tilespmem:s14+$0xFFFFFFD0]  }
0xaa: {  	v5 =	vld [tilespmem:s17+$0xFFFFFFD0]  }
0xab: {  	v6 =	vld [tilespmem:s14+$0xFFFFFFD1]  }
0xac: {  	v7 =	vld [tilespmem:s17+$0xFFFFFFD1];
	_ =	sdelay $0x2  }
0xad: {  	v5 =	vmul.u32 $0x14, v5  }
0xae: {  	s21 =	sadd.s32 $0x11, s26;
	v8 =	vmul.u32 $0x190, v4  }
0xaf: {  	v58 =	vadd.s32 s21, v0;
	v4 =	vsub.s32 v6, v4;
	v5 =	vadd.s32 v7, v5  }
0xb0: {  	vm4 =	vgt.s32 v58, $0x0;
	vm5 =	vlt.s32 v4, $0x1;
	v4 =	vadd.s32 v8, v5  }
0xb1: {  	vm1 =	vmand vm4, vm5;
	v4 =	vnsel vm4, $0x0, v4  }
0xb2: {  	v5 =	vsel vm1, $0x3F800000, v2;
	[tilespmem:s19+$0x10] =	vst v4  }
0xb3: {  	[tilespmem:s20+$0x10] =	vst v5  }
0xb4: {  	v4 =	vld [tilespmem:s14+$0xFFFFFFE1]  }
0xb5: {  	v5 =	vld [tilespmem:s17+$0xFFFFFFE0]  }
0xb6: {  	v6 =	vld [tilespmem:s14+$0xFFFFFFE0]  }
0xb7: {  	v7 =	vld [tilespmem:s17+$0xFFFFFFE1];
	_ =	sdelay $0x2  }
0xb8: {  	v5 =	vmul.u32 $0x14, v5  }
0xb9: {  	s11 =	sadd.s32 $0x21, s26;
	v8 =	vmul.u32 $0x190, v6  }
0xba: {  	v59 =	vadd.s32 s11, v0;
	v4 =	vsub.s32 v4, v6;
	v5 =	vadd.s32 v7, v5  }
0xbb: {  	vm6 =	vgt.s32 v59, $0x0;
	vm7 =	vlt.s32 v4, $0x1;
	v4 =	vadd.s32 v8, v5  }
0xbc: {  	vm1 =	vmand vm6, vm7;
	v4 =	vnsel vm6, $0x0, v4  }
0xbd: {  	v5 =	vsel vm1, $0x3F800000, v2;
	[tilespmem:s19+$0x20] =	vst v4  }
0xbe: {  	[tilespmem:s20+$0x20] =	vst v5  }
0xbf: {  	v4 =	vld [tilespmem:s17+$0xFFFFFFF1]  }
0xc0: {  	v5 =	vld [tilespmem:s17+$0xFFFFFFF0]  }
0xc1: {  	v6 =	vld [tilespmem:s14+$0xFFFFFFF0]  }
0xc2: {  	v7 =	vld [tilespmem:s14+$0xFFFFFFF1];
	_ =	sdelay $0x2  }
0xc3: {  	v5 =	vmul.u32 $0x14, v5  }
0xc4: {  	s13 =	sadd.s32 $0x31, s26;
	v8 =	vmul.u32 $0x190, v6  }
0xc5: {  	v60 =	vadd.s32 s13, v0;
	v6 =	vsub.s32 v7, v6;
	v4 =	vadd.s32 v4, v5  }
0xc6: {  	vm8 =	vgt.s32 v60, $0x0;
	vm9 =	vlt.s32 v6, $0x1;
	v4 =	vadd.s32 v8, v4  }
0xc7: {  	vm1 =	vmand vm8, vm9;
	v4 =	vnsel vm8, $0x0, v4  }
0xc8: {  	v5 =	vsel vm1, $0x3F800000, v2;
	[tilespmem:s19+$0x30] =	vst v4  }
0xc9: {  	[tilespmem:s20+$0x30] =	vst v5  }
0xca: {  	v4 =	vld [tilespmem:s17+$0x0]  }
0xcb: {  	v5 =	vld [tilespmem:s14+$0x1]  }
0xcc: {  	v6 =	vld [tilespmem:s14+$0x0]  }
0xcd: {  	v7 =	vld [tilespmem:s17+$0x1];
	_ =	sdelay $0x2  }
0xce: {  	v4 =	vmul.u32 $0x14, v4  }
0xcf: {  	s15 =	sadd.s32 $0x41, s26;
	v8 =	vmul.u32 $0x190, v6  }
0xd0: {  	v61 =	vadd.s32 s15, v0;
	v5 =	vsub.s32 v5, v6;
	v4 =	vadd.s32 v7, v4  }
0xd1: {  	vm10 =	vgt.s32 v61, $0x0;
	vm11 =	vlt.s32 v5, $0x1;
	v4 =	vadd.s32 v8, v4  }
0xd2: {  	vm1 =	vmand vm10, vm11;
	v4 =	vnsel vm10, $0x0, v4  }
0xd3: {  	v5 =	vsel vm1, $0x3F800000, v2;
	[tilespmem:s19+$0x40] =	vst v4  }
0xd4: {  	[tilespmem:s20+$0x40] =	vst v5  }
0xd5: {  	v4 =	vld [tilespmem:s14+$0x11]  }
0xd6: {  	v5 =	vld [tilespmem:s17+$0x10]  }
0xd7: {  	v6 =	vld [tilespmem:s14+$0x10]  }
0xd8: {  	v7 =	vld [tilespmem:s17+$0x11];
	_ =	sdelay $0x2  }
0xd9: {  	v5 =	vmul.u32 $0x14, v5  }
0xda: {  	s22 =	sadd.s32 $0x51, s26;
	v8 =	vmul.u32 $0x190, v6  }
0xdb: {  	v62 =	vadd.s32 s22, v0;
	v4 =	vsub.s32 v4, v6;
	v5 =	vadd.s32 v7, v5  }
0xdc: {  	vm12 =	vgt.s32 v62, $0x0;
	vm13 =	vlt.s32 v4, $0x1;
	v4 =	vadd.s32 v8, v5  }
0xdd: {  	vm1 =	vmand vm12, vm13;
	v4 =	vnsel vm12, $0x0, v4  }
0xde: {  	v5 =	vsel vm1, $0x3F800000, v2;
	[tilespmem:s19+$0x50] =	vst v4  }
0xdf: {  	[tilespmem:s20+$0x50] =	vst v5  }
0xe0: {  	v4 =	vld [tilespmem:s17+$0x21]  }
0xe1: {  	v5 =	vld [tilespmem:s17+$0x20]  }
0xe2: {  	v6 =	vld [tilespmem:s14+$0x20]  }
0xe3: {  	v7 =	vld [tilespmem:s14+$0x21];
	_ =	sdelay $0x2  }
0xe4: {  	v5 =	vmul.u32 $0x14, v5  }
0xe5: {  	s24 =	sadd.s32 $0x61, s26;
	v8 =	vmul.u32 $0x190, v6  }
0xe6: {  	v63 =	vadd.s32 s24, v0;
	v6 =	vsub.s32 v7, v6;
	v4 =	vadd.s32 v4, v5  }
0xe7: {  	vm14 =	vgt.s32 v63, $0x0;
	vm15 =	vlt.s32 v6, $0x1;
	v4 =	vadd.s32 v8, v4  }
0xe8: {  	vm1 =	vmand vm14, vm15;
	v4 =	vnsel vm14, $0x0, v4  }
0xe9: {  	s31 =	sshll.u32 s16, $0x11;
	v5 =	vsel vm1, $0x3F800000, v2;
	[tilespmem:s19+$0x60] =	vst v4  }
0xea: {  	s24 =	sor.u32 s9, s31;
	[tilespmem:s20+$0x60] =	vst v5  }
0xeb: {  	s29 =	simm.s32 $0x80;
	p0 =	slt.s32 s24, $0x1E7478;
	s21 =	smov.u32 s24;
	v5 =	vld [tilespmem:s14+$0x31]  }
0xec: {  	s28 =	simm.s32 $0x3500;
	s26 =	sadd.s32 $0x71, s26;
	s21 =	simm.s32 @!p0 $0x1E7478;
	v7 =	vld [tilespmem:s17+$0x30]  }
0xed: {  	s22 =	ssub.s32 s24, s21;
	v4 =	vadd.s32 s26, v0;
	s26 =	simm.s32 $0x2100;
	v6 =	vld [tilespmem:s14+$0x30];
	s14 =	simm.s32 $0x1140  }
.LBB2_5:
0xee: {  	v8 =	vld [tilespmem:s17+$0x31];
	s20 =	sadd.s32 $0x80, s20;
	s19 =	sadd.s32 $0x80, s19;
	s17 =	sadd.s32 $0x80, s17  }
0xef: {  	p0 =	sne.s32 s29, $0xF80;
	s15 =	smov.u32 s29;
	s29 =	sadd.s32 $0x80, s29  }
0xf0: {  	_ = 	snop  }
0xf1: {  	v7 =	vmul.u32 $0x14, v7  }
0xf2: {  	v5 =	vsub.s32 v5, v6;
	v6 =	vmul.u32 $0x190, v6  }
0xf3: {  	vm0 =	vgt.s32 v4, $0x0;
	vm1 =	vlt.s32 v5, $0x1;
	v4 =	vadd.s32 v8, v7  }
0xf4: {  	vm1 =	vmand vm0, vm1;
	v4 =	vadd.s32 v6, v4  }
0xf5: {  	v4 =	vnsel vm0, $0x0, v4  }
0xf6: {  	v5 =	vsel vm1, $0x3F800000, v2;
	[tilespmem:s26+$0x70] =	vst v4  }
0xf7: {  	[tilespmem:s28+$0x70] =	vst v5  }
0xf8: {  	[spmem:s4] =	stream.indirect.scatter.add.f32 [tilespmem:s28], [sflag:$0x1], $0x1, s26, s7, $0xb8;
	[tilespmem:$0x1F200] =	vst v63  }
0xf9: {  	s28 =	smov.u32 s20;
	s26 =	smov.u32 s19;
	v4 =	vld [tilespmem:s14+$0xFFFFFFC1]  }
0xfa: {  	v5 =	vld [tilespmem:s17+$0xFFFFFFC0]  }
0xfb: {  	v6 =	vld [tilespmem:s14+$0xFFFFFFC0]  }
0xfc: {  	v7 =	vld [tilespmem:s17+$0xFFFFFFC1];
	_ =	sdelay $0x1  }
0xfd: {  	s15 =	sadd.s32 s15, s18  }
0xfe: {  	s6 =	sadd.s32 $0x1, s15;
	s13 =	sadd.s32 $0x11, s15;
	s31 =	sadd.s32 $0x21, s15;
	v5 =	vmul.u32 $0x14, v5  }
0xff: {  	s0 =	sadd.s32 $0x41, s15;
	s1 =	sadd.s32 $0x51, s15;
	v8 =	vadd.s32 s6, v0;
	s6 =	sadd.s32 $0x31, s15;
	v4 =	vsub.s32 v4, v6;
	v6 =	vmul.u32 $0x190, v6  }
0x100: {  	s11 =	sadd.s32 $0x61, s15;
	s15 =	sadd.s32 $0x71, s15;
	vm0 =	vgt.s32 v8, $0x0;
	vm1 =	vlt.s32 v4, $0x1;
	v4 =	vadd.s32 v7, v5  }
0x101: {  	v7 =	vadd.s32 s13, v0;
	vm1 =	vmand vm0, vm1;
	v4 =	vadd.s32 v6, v4  }
0x102: {  	v9 =	vadd.s32 s6, v0;
	v8 =	vadd.s32 s31, v0;
	v4 =	vnsel vm0, $0x0, v4  }
0x103: {  	v10 =	vadd.s32 s0, v0;
	v6 =	vadd.s32 s1, v0;
	v5 =	vsel vm1, $0x3F800000, v2;
	[tilespmem:s19+$0x0] =	vst v4  }
0x104: {  	v4 =	vadd.s32 s15, v0;
	[tilespmem:s20+$0x0] =	vst v5;
	v5 =	vadd.s32 s11, v0  }
0x105: {  	v11 =	vld [tilespmem:s14+$0xFFFFFFD0]  }
0x106: {  	v12 =	vld [tilespmem:s17+$0xFFFFFFD0]  }
0x107: {  	v13 =	vld [tilespmem:s14+$0xFFFFFFD1]  }
0x108: {  	v14 =	vld [tilespmem:s17+$0xFFFFFFD1];
	_ =	sdelay $0x2  }
0x109: {  	v15 =	vmul.u32 $0x190, v11;
	v12 =	vmul.u32 $0x14, v12  }
0x10a: {  	v11 =	vsub.s32 v13, v11  }
0x10b: {  	vm0 =	vgt.s32 v7, $0x0;
	vm1 =	vlt.s32 v11, $0x1;
	v7 =	vadd.s32 v14, v12  }
0x10c: {  	vm1 =	vmand vm0, vm1;
	v7 =	vadd.s32 v15, v7  }
0x10d: {  	v7 =	vnsel vm0, $0x0, v7  }
0x10e: {  	v11 =	vsel vm1, $0x3F800000, v2;
	[tilespmem:s19+$0x10] =	vst v7  }
0x10f: {  	[tilespmem:s20+$0x10] =	vst v11  }
0x110: {  	v7 =	vld [tilespmem:s14+$0xFFFFFFE1]  }
0x111: {  	v11 =	vld [tilespmem:s17+$0xFFFFFFE0]  }
0x112: {  	v12 =	vld [tilespmem:s14+$0xFFFFFFE0]  }
0x113: {  	v13 =	vld [tilespmem:s17+$0xFFFFFFE1];
	_ =	sdelay $0x2  }
0x114: {  	v11 =	vmul.u32 $0x14, v11  }
0x115: {  	v7 =	vsub.s32 v7, v12;
	v12 =	vmul.u32 $0x190, v12  }
0x116: {  	vm0 =	vgt.s32 v8, $0x0;
	vm1 =	vlt.s32 v7, $0x1;
	v7 =	vadd.s32 v13, v11  }
0x117: {  	vm1 =	vmand vm0, vm1;
	v7 =	vadd.s32 v12, v7  }
0x118: {  	v7 =	vnsel vm0, $0x0, v7  }
0x119: {  	v8 =	vsel vm1, $0x3F800000, v2;
	[tilespmem:s19+$0x20] =	vst v7  }
0x11a: {  	[tilespmem:s20+$0x20] =	vst v8  }
0x11b: {  	v7 =	vld [tilespmem:s17+$0xFFFFFFF1]  }
0x11c: {  	v8 =	vld [tilespmem:s17+$0xFFFFFFF0]  }
0x11d: {  	v11 =	vld [tilespmem:s14+$0xFFFFFFF1]  }
0x11e: {  	v12 =	vld [tilespmem:s14+$0xFFFFFFF0];
	_ =	sdelay $0x2  }
0x11f: {  	v8 =	vmul.u32 $0x14, v8;
	_ =	sdelay $0x1  }
0x120: {  	v11 =	vsub.s32 v11, v12;
	v12 =	vmul.u32 $0x190, v12;
	v7 =	vadd.s32 v7, v8  }
0x121: {  	vm0 =	vgt.s32 v9, $0x0;
	vm1 =	vlt.s32 v11, $0x1  }
0x122: {  	vm1 =	vmand vm0, vm1;
	v7 =	vadd.s32 v12, v7  }
0x123: {  	v7 =	vnsel vm0, $0x0, v7  }
0x124: {  	v8 =	vsel vm1, $0x3F800000, v2;
	[tilespmem:s19+$0x30] =	vst v7  }
0x125: {  	[tilespmem:s20+$0x30] =	vst v8  }
0x126: {  	v7 =	vld [tilespmem:s17+$0x0]  }
0x127: {  	v8 =	vld [tilespmem:s14+$0x1]  }
0x128: {  	v9 =	vld [tilespmem:s17+$0x1]  }
0x129: {  	v11 =	vld [tilespmem:s14+$0x0];
	_ =	sdelay $0x1  }
0x12a: {  	v7 =	vmul.u32 $0x14, v7;
	_ =	sdelay $0x1  }
0x12b: {  	v7 =	vadd.s32 v9, v7  }
0x12c: {  	v8 =	vsub.s32 v8, v11;
	v9 =	vmul.u32 $0x190, v11  }
0x12d: {  	vm0 =	vgt.s32 v10, $0x0;
	vm1 =	vlt.s32 v8, $0x1  }
0x12e: {  	vm1 =	vmand vm0, vm1;
	v7 =	vadd.s32 v9, v7  }
0x12f: {  	v7 =	vnsel vm0, $0x0, v7  }
0x130: {  	v8 =	vsel vm1, $0x3F800000, v2;
	[tilespmem:s19+$0x40] =	vst v7  }
0x131: {  	[tilespmem:s20+$0x40] =	vst v8  }
0x132: {  	v7 =	vld [tilespmem:s14+$0x11]  }
0x133: {  	v8 =	vld [tilespmem:s17+$0x10]  }
0x134: {  	v9 =	vld [tilespmem:s14+$0x10]  }
0x135: {  	v10 =	vld [tilespmem:s17+$0x11];
	_ =	sdelay $0x2  }
0x136: {  	v8 =	vmul.u32 $0x14, v8  }
0x137: {  	v7 =	vsub.s32 v7, v9;
	v9 =	vmul.u32 $0x190, v9  }
0x138: {  	vm0 =	vgt.s32 v6, $0x0;
	vm1 =	vlt.s32 v7, $0x1;
	v6 =	vadd.s32 v10, v8  }
0x139: {  	vm1 =	vmand vm0, vm1;
	v6 =	vadd.s32 v9, v6  }
0x13a: {  	v6 =	vnsel vm0, $0x0, v6  }
0x13b: {  	v7 =	vsel vm1, $0x3F800000, v2;
	[tilespmem:s19+$0x50] =	vst v6  }
0x13c: {  	[tilespmem:s20+$0x50] =	vst v7  }
0x13d: {  	v6 =	vld [tilespmem:s17+$0x21]  }
0x13e: {  	v7 =	vld [tilespmem:s17+$0x20]  }
0x13f: {  	v8 =	vld [tilespmem:s14+$0x21]  }
0x140: {  	v9 =	vld [tilespmem:s14+$0x20];
	_ =	sdelay $0x2  }
0x141: {  	v7 =	vmul.u32 $0x14, v7;
	_ =	sdelay $0x1  }
0x142: {  	v8 =	vsub.s32 v8, v9;
	v9 =	vmul.u32 $0x190, v9;
	v6 =	vadd.s32 v6, v7  }
0x143: {  	vm0 =	vgt.s32 v5, $0x0;
	vm1 =	vlt.s32 v8, $0x1  }
0x144: {  	vm1 =	vmand vm0, vm1;
	v5 =	vadd.s32 v9, v6  }
0x145: {  	v5 =	vnsel vm0, $0x0, v5  }
.Ltmp1:
0x146: {  	v6 =	vsel vm1, $0x3F800000, v2;
	[tilespmem:s19+$0x60] =	vst v5;
	(pc) =	sbr.rel @p0 .LBB2_5-.Ltmp1, $4  }
0x147: {  	[tilespmem:s20+$0x60] =	vst v6  }
0x148: {  	v5 =	vld [tilespmem:s14+$0x31]  }
0x149: {  	v7 =	vld [tilespmem:s17+$0x30]  }
0x14a: {  	v6 =	vld [tilespmem:s14+$0x30];
	s14 =	sadd.s32 $0x80, s14  }
0x14b: {  	v8 =	vld [tilespmem:s17+$0x31];
	_ =	sdelay $0x2  }
0x14c: {  	v7 =	vmul.u32 $0x14, v7  }
0x14d: {  	v9 =	vmul.u32 $0x190, v6  }
0x14e: {  	v5 =	vsub.s32 v5, v6;
	v55 =	vadd.s32 v8, v7  }
0x14f: {  	vm0 =	vgt.s32 v4, $0x0;
	vm1 =	vlt.s32 v5, $0x1;
	v4 =	vadd.s32 v9, v55  }
0x150: {  	vm1 =	vmand vm0, vm1;
	v4 =	vnsel vm0, $0x0, v4  }
0x151: {  	v5 =	vsel vm1, $0x3F800000, v2;
	[tilespmem:s26+$0x70] =	vst v4  }
0x152: {  	[tilespmem:s28+$0x70] =	vst v5  }
0x153: {  	[spmem:s4] =	stream.indirect.scatter.add.f32 [tilespmem:s28], [sflag:$0x1], $0x1, s26, s7, $0xb8;
	[tilespmem:$0x1F200] =	vst v63  }
0x154: {  	v4 =	vld [tilespmem:$0xFF7]  }
0x155: {  	v5 =	vld [tilespmem:$0xFF8]  }
0x156: {  	s0 =	sadd.s32 $0xFF7, s21;
	v56 =	vld [tilespmem:$0x2077]  }
0x157: {  	s1 =	sadd.s32 $0xFFF, s21;
	s6 =	sadd.s32 $0xFFFFFFFF, s24;
	v58 =	vadd.s32 s0, v0;
	v60 =	vmov s0;
	v57 =	vld [tilespmem:$0x2078]  }
0x158: {  	v59 =	vmov s1;
	v10 =	vmov s6;
	v61 =	vsub.s32 v3, v60  }
0x159: {  	p0 =	sgt.s32 s22, $0x0;
	s0 =	simm.s32 $0x1;
	vm14 =	vgt.s32 v61, $0x0;
	v8 =	vsub.s32 v58, v10;
	v9 =	vsub.s32 v58, v59  }
0x15a: {  	s0 =	simm.s32 @!p0 $0x0;
	vm13 =	vgt.s32 v8, $0x0;
	vm12 =	vgt.s32 v9, $0x0;
	v4 =	vmul.u32 $0x14, v4  }
0x15b: {  	v63 =	vmov s0;
	vm0 =	vmand vm12, vm13;
	v62 =	vmul.u32 $0x190, v56  }
0x15c: {  	vm0 =	vmand vm14, vm0;
	v6 =	vsub.s32 v57, v56;
	v4 =	vadd.s32 v5, v4  }
0x15d: {  	vm15 =	vgt.s32 v6, $0x0;
	v5 =	vnsel vm0, $0x0, v63;
	v4 =	vadd.s32 v62, v4  }
0x15e: {  	s0 =	sadd.s32 $0x20000, s24;
	v6 =	vsel vm15, $0x0, v5;
	v4 =	vmul.u32 v5, v4  }
0x15f: {  	p0 =	slt.s32 s0, $0x1E7478;
	v5 =	vcvt.s32.f32 v6  }
0x160: {  	s0 =	simm.s32 @!p0 $0x1E7478;
	[tilespmem:$0x3100] =	vst v4  }
0x161: {  	s0 =	sshrl.u32 s0, $0x3;
	s26 =	simm.s32 $0x3100;
	s28 =	rddreg [dreg:$0x0];
	[tilespmem:$0x4500] =	vst v5  }
0x162: {  	[spmem:s4] =	stream.indirect.scatter.add.f32 [tilespmem:s12], [sflag:$0x1], $0x1, s26, s7, $0xb8;
	[tilespmem:$0x1F200] =	vst v63  }
0x163: {  	s29 =	rddreg [dreg:$0x1];
	s1 =	sadd.s32 s28, s0  }
0x164: {  	[tilespmem:s5], [sflag:$0x2] =	stream.linear.gather [hbm4b:s1+s5], $0x1008, $0x38;
	[tilespmem:$0x1F200] =	vst v63  }
0x165: {  	s0 =	sadd.s32 s29, s0  }
0x166: {  	[tilespmem:s3], [sflag:$0x2] =	stream.linear.gather [hbm4b:s0+s5], $0x1008, $0x38;
	[tilespmem:$0x1F200] =	vst v63  }
0x167: {  	_ =	swait.ge [sflag:s8], $0x80  }
0x168: {  	[sflag:s8] =	ssyncset.done $0x0  }
0x169: {  	[sflag:s8] =	ssyncadd.s32 $0xFFFFFF80  }
0x16a: {  	_ =	swait.ge [sflag:s8], $0x80  }
0x16b: {  	[sflag:s8] =	ssyncset.done $0x0  }
0x16c: {  	[sflag:s8] =	ssyncadd.s32 $0xFFFFFF80  }
0x16d: {  	_ =	swait.ge [sflag:s8], $0x80  }
0x16e: {  	[sflag:s8] =	ssyncset.done $0x0  }
0x16f: {  	[sflag:s8] =	ssyncadd.s32 $0xFFFFFF80  }
0x170: {  	_ =	swait.ge [sflag:s8], $0x80  }
0x171: {  	[sflag:s8] =	ssyncset.done $0x0  }
0x172: {  	[sflag:s8] =	ssyncadd.s32 $0xFFFFFF80  }
0x173: {  	_ =	swait.ge [sflag:s8], $0x80  }
0x174: {  	[sflag:s8] =	ssyncset.done $0x0  }
0x175: {  	[sflag:s8] =	ssyncadd.s32 $0xFFFFFF80  }
0x176: {  	_ =	swait.ge [sflag:s8], $0x80  }
0x177: {  	[sflag:s8] =	ssyncset.done $0x0  }
0x178: {  	[sflag:s8] =	ssyncadd.s32 $0xFFFFFF80  }
0x179: {  	_ =	swait.ge [sflag:s8], $0x80  }
0x17a: {  	[sflag:s8] =	ssyncset.done $0x0  }
0x17b: {  	[sflag:s8] =	ssyncadd.s32 $0xFFFFFF80  }
0x17c: {  	_ =	swait.ge [sflag:s8], $0x80  }
0x17d: {  	[sflag:s8] =	ssyncset.done $0x0  }
0x17e: {  	[sflag:s8] =	ssyncadd.s32 $0xFFFFFF80  }
0x17f: {  	_ =	swait.ge [sflag:s8], $0x80  }
0x180: {  	[sflag:s8] =	ssyncset.done $0x0  }
0x181: {  	[sflag:s8] =	ssyncadd.s32 $0xFFFFFF80  }
0x182: {  	_ =	swait.ge [sflag:s8], $0x80  }
0x183: {  	[sflag:s8] =	ssyncset.done $0x0  }
0x184: {  	[sflag:s8] =	ssyncadd.s32 $0xFFFFFF80  }
0x185: {  	_ =	swait.ge [sflag:s8], $0x80  }
0x186: {  	[sflag:s8] =	ssyncset.done $0x0  }
0x187: {  	[sflag:s8] =	ssyncadd.s32 $0xFFFFFF80  }
0x188: {  	_ =	swait.ge [sflag:s8], $0x80  }
0x189: {  	[sflag:s8] =	ssyncset.done $0x0  }
0x18a: {  	[sflag:s8] =	ssyncadd.s32 $0xFFFFFF80  }
0x18b: {  	_ =	swait.ge [sflag:s8], $0x80  }
0x18c: {  	[sflag:s8] =	ssyncset.done $0x0  }
0x18d: {  	[sflag:s8] =	ssyncadd.s32 $0xFFFFFF80  }
0x18e: {  	_ =	swait.ge [sflag:s8], $0x80  }
0x18f: {  	[sflag:s8] =	ssyncset.done $0x0  }
0x190: {  	[sflag:s8] =	ssyncadd.s32 $0xFFFFFF80  }
0x191: {  	_ =	swait.ge [sflag:s8], $0x80  }
0x192: {  	[sflag:s8] =	ssyncset.done $0x0  }
0x193: {  	[sflag:s8] =	ssyncadd.s32 $0xFFFFFF80  }
0x194: {  	_ =	swait.ge [sflag:s8], $0x80  }
0x195: {  	[sflag:s8] =	ssyncset.done $0x0  }
0x196: {  	[sflag:s8] =	ssyncadd.s32 $0xFFFFFF80  }
0x197: {  	_ =	swait.ge [sflag:s8], $0x80  }
0x198: {  	[sflag:s8] =	ssyncset.done $0x0  }
0x199: {  	[sflag:s8] =	ssyncadd.s32 $0xFFFFFF80  }
0x19a: {  	_ =	swait.ge [sflag:s8], $0x80  }
0x19b: {  	[sflag:s8] =	ssyncset.done $0x0  }
0x19c: {  	[sflag:s8] =	ssyncadd.s32 $0xFFFFFF80  }
0x19d: {  	_ =	swait.ge [sflag:s8], $0x80  }
0x19e: {  	[sflag:s8] =	ssyncset.done $0x0  }
0x19f: {  	[sflag:s8] =	ssyncadd.s32 $0xFFFFFF80  }
0x1a0: {  	_ =	swait.ge [sflag:s8], $0x80  }
0x1a1: {  	[sflag:s8] =	ssyncset.done $0x0  }
0x1a2: {  	[sflag:s8] =	ssyncadd.s32 $0xFFFFFF80  }
0x1a3: {  	_ =	swait.ge [sflag:s8], $0x80  }
0x1a4: {  	[sflag:s8] =	ssyncset.done $0x0  }
0x1a5: {  	[sflag:s8] =	ssyncadd.s32 $0xFFFFFF80  }
0x1a6: {  	_ =	swait.ge [sflag:s8], $0x80  }
0x1a7: {  	[sflag:s8] =	ssyncset.done $0x0  }
0x1a8: {  	[sflag:s8] =	ssyncadd.s32 $0xFFFFFF80  }
0x1a9: {  	_ =	swait.ge [sflag:s8], $0x80  }
0x1aa: {  	[sflag:s8] =	ssyncset.done $0x0  }
0x1ab: {  	[sflag:s8] =	ssyncadd.s32 $0xFFFFFF80  }
0x1ac: {  	_ =	swait.ge [sflag:s8], $0x80  }
0x1ad: {  	[sflag:s8] =	ssyncset.done $0x0  }
0x1ae: {  	[sflag:s8] =	ssyncadd.s32 $0xFFFFFF80  }
0x1af: {  	_ =	swait.ge [sflag:s8], $0x80  }
0x1b0: {  	[sflag:s8] =	ssyncset.done $0x0  }
0x1b1: {  	[sflag:s8] =	ssyncadd.s32 $0xFFFFFF80  }
0x1b2: {  	_ =	swait.ge [sflag:s8], $0x80  }
0x1b3: {  	[sflag:s8] =	ssyncset.done $0x0  }
0x1b4: {  	[sflag:s8] =	ssyncadd.s32 $0xFFFFFF80  }
0x1b5: {  	_ =	swait.ge [sflag:s8], $0x80  }
0x1b6: {  	[sflag:s8] =	ssyncset.done $0x0  }
0x1b7: {  	[sflag:s8] =	ssyncadd.s32 $0xFFFFFF80  }
0x1b8: {  	_ =	swait.ge [sflag:s8], $0x80  }
0x1b9: {  	[sflag:s8] =	ssyncset.done $0x0  }
0x1ba: {  	[sflag:s8] =	ssyncadd.s32 $0xFFFFFF80  }
0x1bb: {  	_ =	swait.ge [sflag:s8], $0x80  }
0x1bc: {  	[sflag:s8] =	ssyncset.done $0x0  }
0x1bd: {  	[sflag:s8] =	ssyncadd.s32 $0xFFFFFF80  }
0x1be: {  	_ =	swait.ge [sflag:s8], $0x80  }
0x1bf: {  	[sflag:s8] =	ssyncset.done $0x0  }
0x1c0: {  	[sflag:s8] =	ssyncadd.s32 $0xFFFFFF80  }
0x1c1: {  	_ =	swait.ge [sflag:s8], $0x80  }
0x1c2: {  	[sflag:s8] =	ssyncset.done $0x0  }
0x1c3: {  	[sflag:s8] =	ssyncadd.s32 $0xFFFFFF80  }
0x1c4: {  	p0 =	sne.s32 s16, s10;
	_ =	swait.ge [sflag:s8], $0x80  }
.Ltmp2:
0x1c5: {  	[sflag:s8] =	ssyncset.done $0x0;
	(pc) =	sbr.rel @p0 .LBB2_4-.Ltmp2, $4  }
0x1c6: {  	[sflag:s8] =	ssyncadd.s32 $0xFFFFFF80  }
0x1c7: {  	_ =	swait.ge [sflag:s8], $0x80  }
0x1c8: {  	s31 =	sadd.s32 $0x1, s16;
	s23 =	sadd.s32 $0x20000, s23;
	[sflag:s8] =	ssyncset.done $0x0  }
0x1c9: {  	s30 =	sadd.s32 $0xFFFE0000, s30;
	s16 =	smov.u32 s31;
	[sflag:s8] =	ssyncadd.s32 $0xFFFFFF80  }
0x1ca: {  	_ =	swait.ge [sflag:s2], $0x1008  }
0x1cb: {  	[sflag:s2] =	ssyncset.done $0x0  }
0x1cc: {  	[sflag:s2] =	ssyncadd.s32 $0xFFFFEFF8  }
0x1cd: {  	_ =	swait.ge [sflag:s2], $0x1008  }
0x1ce: {  	[sflag:s2] =	ssyncset.done $0x0  }
0x1cf: {  	[sflag:s2] =	ssyncadd.s32 $0xFFFFEFF8  }
0x1d0: {  	s14 =	simm.s32 $0x200;
	s0 =	stileid.u32;
	[bflag:$0x0] =	sbarrier.arrive $0xFFFF  }
0x1d1: {  	s18 =	sadd.s32 $0x0, s25;
	s0 =	sshll.u32 s0, $0x6;
	s6 =	rddreg [dreg:$0x5]  }
0x1d2: {  	s17 =	sor.u32 $0x1C01, s0;
	s16 =	sadd.s32 $0x1000, s6;
	s19 =	sshrl.u32 s6, $0x3  }
.LBB2_8:
0x1d3: {  	[hbm:s18], [sflag:s17] =	dma.local [spmem:s19], $0x200  }
0x1d4: {  	s0 =	smov.u32 s14;
	s1 =	smov.u32 s16;
	p0 =	sne.s32 s14, $0x3000  }
.Ltmp3:
0x1d5: {  	s14 =	sadd.s32 $0x200, s14;
	(pc) =	sbr.rel @p0 .LBB2_8-.Ltmp3, $3  }
0x1d6: {  	_ =	sdelay $0x1  }
0x1d7: {  	s16 =	sadd.s32 $0x1000, s16  }
0x1d8: {  	s18 =	sadd.s32 s0, s25;
	s19 =	sshrl.u32 s1, $0x3  }
0x1d9: {  	[hbm:s18], [sflag:s17] =	dma.local [spmem:s19], $0x200  }
0x1da: {  	_ =	swait.ge [sflag:s8], $0x200  }
0x1db: {  	[sflag:s8] =	ssyncset.done $0x0  }
0x1dc: {  	[sflag:s8] =	ssyncadd.s32 $0xFFFFFE00  }
0x1dd: {  	_ =	swait.ge [sflag:s8], $0x200  }
0x1de: {  	[sflag:s8] =	ssyncset.done $0x0  }
0x1df: {  	[sflag:s8] =	ssyncadd.s32 $0xFFFFFE00  }
0x1e0: {  	_ =	swait.ge [sflag:s8], $0x200  }
0x1e1: {  	[sflag:s8] =	ssyncset.done $0x0  }
0x1e2: {  	[sflag:s8] =	ssyncadd.s32 $0xFFFFFE00  }
0x1e3: {  	_ =	swait.ge [sflag:s8], $0x200  }
0x1e4: {  	[sflag:s8] =	ssyncset.done $0x0  }
0x1e5: {  	[sflag:s8] =	ssyncadd.s32 $0xFFFFFE00  }
0x1e6: {  	_ =	swait.ge [sflag:s8], $0x200  }
0x1e7: {  	[sflag:s8] =	ssyncset.done $0x0  }
0x1e8: {  	[sflag:s8] =	ssyncadd.s32 $0xFFFFFE00  }
0x1e9: {  	_ =	swait.ge [sflag:s8], $0x200  }
0x1ea: {  	[sflag:s8] =	ssyncset.done $0x0  }
0x1eb: {  	[sflag:s8] =	ssyncadd.s32 $0xFFFFFE00  }
0x1ec: {  	_ =	swait.ge [sflag:s8], $0x200  }
0x1ed: {  	[sflag:s8] =	ssyncset.done $0x0  }
0x1ee: {  	[sflag:s8] =	ssyncadd.s32 $0xFFFFFE00  }
0x1ef: {  	_ =	swait.ge [sflag:s8], $0x200  }
0x1f0: {  	[sflag:s8] =	ssyncset.done $0x0  }
0x1f1: {  	[sflag:s8] =	ssyncadd.s32 $0xFFFFFE00  }
0x1f2: {  	_ =	swait.ge [sflag:s8], $0x200  }
0x1f3: {  	[sflag:s8] =	ssyncset.done $0x0  }
0x1f4: {  	[sflag:s8] =	ssyncadd.s32 $0xFFFFFE00  }
0x1f5: {  	_ =	swait.ge [sflag:s8], $0x200  }
0x1f6: {  	[sflag:s8] =	ssyncset.done $0x0  }
0x1f7: {  	[sflag:s8] =	ssyncadd.s32 $0xFFFFFE00  }
0x1f8: {  	_ =	swait.ge [sflag:s8], $0x200  }
0x1f9: {  	[sflag:s8] =	ssyncset.done $0x0  }
0x1fa: {  	[sflag:s8] =	ssyncadd.s32 $0xFFFFFE00  }
0x1fb: {  	_ =	swait.ge [sflag:s8], $0x200  }
0x1fc: {  	[sflag:s8] =	ssyncset.done $0x0  }
0x1fd: {  	[sflag:s8] =	ssyncadd.s32 $0xFFFFFE00  }
0x1fe: {  	_ =	swait.ge [sflag:s8], $0x200  }
0x1ff: {  	[sflag:s8] =	ssyncset.done $0x0  }
0x200: {  	[sflag:s8] =	ssyncadd.s32 $0xFFFFFE00  }
0x201: {  	_ =	swait.ge [sflag:s8], $0x200  }
0x202: {  	[sflag:s8] =	ssyncset.done $0x0  }
0x203: {  	[sflag:s8] =	ssyncadd.s32 $0xFFFFFE00  }
0x204: {  	_ =	swait.ge [sflag:s8], $0x200  }
0x205: {  	[sflag:s8] =	ssyncset.done $0x0  }
0x206: {  	[sflag:s8] =	ssyncadd.s32 $0xFFFFFE00  }
0x207: {  	_ =	swait.ge [sflag:s8], $0x200  }
0x208: {  	[sflag:s8] =	ssyncset.done $0x0  }
0x209: {  	[sflag:s8] =	ssyncadd.s32 $0xFFFFFE00  }
0x20a: {  	_ =	swait.ge [sflag:s8], $0x200  }
0x20b: {  	[sflag:s8] =	ssyncset.done $0x0  }
0x20c: {  	[sflag:s8] =	ssyncadd.s32 $0xFFFFFE00  }
0x20d: {  	_ =	swait.ge [sflag:s8], $0x200  }
0x20e: {  	[sflag:s8] =	ssyncset.done $0x0  }
0x20f: {  	[sflag:s8] =	ssyncadd.s32 $0xFFFFFE00  }
0x210: {  	_ =	swait.ge [sflag:s8], $0x200  }
0x211: {  	[sflag:s8] =	ssyncset.done $0x0  }
0x212: {  	[sflag:s8] =	ssyncadd.s32 $0xFFFFFE00  }
0x213: {  	_ =	swait.ge [sflag:s8], $0x200  }
0x214: {  	[sflag:s8] =	ssyncset.done $0x0  }
0x215: {  	[sflag:s8] =	ssyncadd.s32 $0xFFFFFE00  }
0x216: {  	_ =	swait.ge [sflag:s8], $0x200  }
0x217: {  	[sflag:s8] =	ssyncset.done $0x0  }
0x218: {  	[sflag:s8] =	ssyncadd.s32 $0xFFFFFE00  }
0x219: {  	_ =	swait.ge [sflag:s8], $0x200  }
0x21a: {  	[sflag:s8] =	ssyncset.done $0x0  }
0x21b: {  	[sflag:s8] =	ssyncadd.s32 $0xFFFFFE00  }
0x21c: {  	_ =	swait.ge [sflag:s8], $0x200  }
0x21d: {  	[sflag:s8] =	ssyncset.done $0x0  }
0x21e: {  	[sflag:s8] =	ssyncadd.s32 $0xFFFFFE00  }
0x21f: {  	_ =	swait.ge [sflag:s8], $0x200  }
0x220: {  	[sflag:s8] =	ssyncset.done $0x0  }
0x221: {  	[sflag:s8] =	ssyncadd.s32 $0xFFFFFE00  }
0x222: {  	_ =	swait.ge [sflag:s8], $0x200  }
0x223: {  	s1 =	rddreg [dreg:$0x1a]  }
0x224: {  	s0 =	rddreg [dreg:$0x8];
	s1 =	sadd.s32 $0x1, s1  }
0x225: {  	p0 =	sne.s32 s1, s0  }
.Ltmp4:
0x226: {  	_ = 	snop;
	(pc) =	sbr.rel @p0 .LBB2_1-.Ltmp4, $3  }
0x227: {  	_ =	sdelay $0x1  }
0x228: {  	[sflag:s8] =	ssyncset.done $0x0  }
0x229: {  	[sflag:s8] =	ssyncadd.s32 $0xFFFFFE00  }
0x22a: {  	_ =	sfence.sel $0x180000  }
0x22b: {  	[bflag:$0x0] =	sbarrier.arrive $0xFFFF  }
0x22c: {  	_ =	strace $0x90000047  }
0x22d: {  	s0 =	stileid.u32;
	[bflag:$0x2] =	sbarrier.arrive $0xFFFF  }
0x22e: {  	p0 =	sne.s32 s0, $0x0;
	s0 =	rddreg [dreg:$0x4]  }
0x22f: {  	s0 =	sadd.s32 @!p0 $0x100000, s0  }
0x230: {  	[sflag:s0] =	ssyncadd.tile.s32 @!p0 $0x1;
	_ =	shalt  }
.Lfunc_end2:
_tile_overlayer_lowered:
.L_overlay_start_2:
0x231: {  	(tag) =	ssettag $0x2  }
0x232: {  	s0 =	rddreg [dreg:$0x0];
	s2 =	stileid.u32  }
0x233: {  	s1 =	rddreg [dreg:$0x1];
	p0 =	sne.s32 s2, $0x0  }
0x234: {  	s3 =	rddreg [dreg:$0x2];
	[bflag:$0x3] =	sbarrier.arrive $0xFFFF;
	s2 =	simm.s32 @!p0 $0x1C03  }
0x235: {  	[timem:s3], [sflag:s2] =	dma.local @!p0 [hbm:s0], s1  }
0x236: {  	s0 =	simm.s32 @!p0 $0x3  }
0x237: {  	_ =	swait.ge @!p0 [sflag:s0], s1  }
0x238: {  	s1 =	ssub.s32 @!p0 $0x0, s1;
	[sflag:s0] =	ssyncset.done @!p0 $0x0  }
0x239: {  	[sflag:s0] =	ssyncadd.s32 @!p0 s1  }
0x23a: {  	[bflag:$0x3] =	sbarrier.arrive $0xFFFF  }
0x23b: {  	_ =	shalt  }

</sc_bundles>
